<compile_context>
chip_gen: v7x
topology: tpu7x:2x2x1
jax: 0.10.2.dev20260603
libtpu: 0.0.44.dev20260713+nightly
codegen_flags: <defaults>
</compile_context>

<pallas_src>
import functools

import jax
import jax.numpy as jnp
from jax import lax
from jax.experimental import pallas as pl
from jax.experimental.pallas import tpu as pltpu
from jax.experimental.pallas import tpu_sc as plsc

_NC = 2
_NS = 16
_L = 16
_NW = _NC * _NS
_K = 128
_NPAD = 10240
_BM = 1024


def _sc_edge_builder(NP, EP):
    EPW = EP // _NW
    STEPS = EPW // _K
    RPT = NP // _NS
    mesh = plsc.VectorSubcoreMesh(core_axis_name="c", subcore_axis_name="s")

    @functools.partial(
        pl.kernel,
        out_type=(
            jax.ShapeDtypeStruct((_NC, NP, 128), jnp.float32),
            jax.ShapeDtypeStruct((_NW, NP), jnp.float32),
        ),
        mesh=mesh,
        compiler_params=pltpu.CompilerParams(needs_layout_passes=False),
        scratch_types=[
            pltpu.VMEM_SHARED((NP, 128), jnp.float32),
            pltpu.VMEM((NP,), jnp.float32),
            pltpu.VMEM((_K,), jnp.int32),
            pltpu.VMEM((_K,), jnp.int32),
            pltpu.VMEM((_K, 128), jnp.float32),
            pltpu.VMEM((_K, 128), jnp.float32),
            pltpu.VMEM((128,), jnp.float32),
            pltpu.SemaphoreType.DMA,
            pltpu.SemaphoreType.DMA,
        ],
    )
    def sc_edge(src_h, dst_h, xl_h, xr_h, att_h, zeros_h, u_out, z_out,
                u_sh, zloc, srcb, dstb, A, B, attb, sem1, sem2):
        cid = lax.axis_index("c")
        sid = lax.axis_index("s")
        wid = sid * _NC + cid

        pltpu.sync_copy(att_h, attb)
        pltpu.sync_copy(zeros_h.at[pl.ds(sid * RPT, RPT)],
                        u_sh.at[pl.ds(sid * RPT, RPT)])

        def zinit(i, c):
            zloc[pl.ds(i * _L, _L)] = jnp.zeros((_L,), jnp.float32)
            return c
        lax.fori_loop(0, NP // _L, zinit, 0)

        plsc.subcore_barrier()

        def step(s, c):
            base = wid * EPW + s * _K
            pltpu.sync_copy(src_h.at[pl.ds(base, _K)], srcb)
            pltpu.sync_copy(dst_h.at[pl.ds(base, _K)], dstb)
            cp1 = pltpu.async_copy(xl_h.at[srcb], A, sem1)
            cp2 = pltpu.async_copy(xr_h.at[dstb], B, sem2)
            cp1.wait()
            cp2.wait()

            lane = lax.iota(jnp.int32, _L)

            def blk(j, cc):
                k0 = j * _L
                rows = k0 + lane

                def dim(d8, accs):
                    out = []
                    for dd in range(8):
                        d = d8 * 8 + dd
                        cols = jnp.full((_L,), d, jnp.int32)
                        va = plsc.load_gather(A, [rows, cols])
                        vb = plsc.load_gather(B, [rows, cols])
                        ad = plsc.load_gather(attb, [cols])
                        hg = va + vb
                        eg = jnp.maximum(hg, 0.2 * hg)
                        out.append(accs[dd] + ad * eg)
                    return tuple(out)
                accs = lax.fori_loop(
                    0, 16, dim,
                    tuple(jnp.zeros((_L,), jnp.float32) for _ in range(8)))
                acc = (((accs[0] + accs[1]) + (accs[2] + accs[3]))
                       + ((accs[4] + accs[5]) + (accs[6] + accs[7])))
                le = jnp.exp(acc)
                plsc.addupdate_scatter(zloc, [dstb[pl.ds(k0, _L)]], le)

                def dim2(d4, cc2):
                    for dd in range(4):
                        d = d4 * 4 + dd
                        cols = jnp.full((_L,), d, jnp.int32)
                        va = plsc.load_gather(A, [rows, cols])
                        plsc.store_scatter(A, [rows, cols], va * le)
                    return cc2
                lax.fori_loop(0, 32, dim2, 0)
                return cc
            lax.fori_loop(0, _K // _L, blk, 0)
            pltpu.sync_copy(A, u_sh.at[dstb], add=True)
            return c
        lax.fori_loop(0, STEPS, step, 0)

        plsc.subcore_barrier()
        pltpu.sync_copy(zloc, z_out.at[wid])
        pltpu.sync_copy(u_sh.at[pl.ds(sid * RPT, RPT)],
                        u_out.at[cid, pl.ds(sid * RPT, RPT)])

    return sc_edge


def _bf(v):
    return v.astype(jnp.bfloat16).astype(jnp.float32)


def _dot3(x, w_hi, w_lo):
    return jnp.dot(x, w_hi + w_lo, preferred_element_type=jnp.float32)


def _dot2(x_q, w_hi, w_lo):
    return jnp.dot(x_q, w_hi + w_lo, preferred_element_type=jnp.float32)


def _tc_lin_body(x_ref, wlh_ref, wll_ref, bl_ref, wrh_ref, wrl_ref, br_ref,
                 o1_ref, o2_ref):
    xb = x_ref[...]
    o1_ref[...] = _dot3(xb, wlh_ref[...], wll_ref[...]) + bl_ref[...]
    o2_ref[...] = _dot3(xb, wrh_ref[...], wrl_ref[...]) + br_ref[...]


def _split_w(w):
    hi = w.astype(jnp.bfloat16).astype(jnp.float32)
    lo = (w - hi).astype(jnp.bfloat16).astype(jnp.float32)
    return hi, lo


def _tc_lin(Xp, wlT, bl, wrT, br):
    NP = Xp.shape[0]
    grid = (NP // _BM,)
    wlh, wll = _split_w(wlT)
    wrh, wrl = _split_w(wrT)
    wspec = pl.BlockSpec((128, 128), lambda i: (0, 0))
    bspec = pl.BlockSpec((1, 128), lambda i: (0, 0))
    return pl.pallas_call(
        _tc_lin_body,
        grid=grid,
        in_specs=[pl.BlockSpec((_BM, 128), lambda i: (i, 0)),
                  wspec, wspec, bspec, wspec, wspec, bspec],
        out_specs=[pl.BlockSpec((_BM, 128), lambda i: (i, 0)),
                   pl.BlockSpec((_BM, 128), lambda i: (i, 0))],
        out_shape=[jax.ShapeDtypeStruct((NP, 128), jnp.float32)] * 2,
    )(Xp, wlh, wll, bl, wrh, wrl, br)


def _node_h(u_ref, z_ref, bias_ref):
    us = u_ref[0] + u_ref[1]
    zs = jnp.sum(z_ref[...], axis=0)
    return us * (1.0 / jnp.maximum(zs, 1e-30))[:, None] + bias_ref[...]


def _tc_epi_body(u_ref, z_ref, bias_ref, wlh_ref, wll_ref, bl_ref,
                 wrh_ref, wrl_ref, br_ref, o1_ref, o2_ref):
    h = jnp.maximum(_node_h(u_ref, z_ref, bias_ref), 0.0)
    h = _bf(h)
    o1_ref[...] = _dot2(h, wlh_ref[...], wll_ref[...]) + bl_ref[...]
    o2_ref[...] = _dot2(h, wrh_ref[...], wrl_ref[...]) + br_ref[...]


def _tc_epi(u, z, bias, wlT, bl, wrT, br):
    NP = u.shape[1]
    grid = (NP // _BM,)
    return pl.pallas_call(
        _tc_epi_body,
        grid=grid,
        in_specs=[
            pl.BlockSpec((_NC, _BM, 128), lambda i: (0, i, 0)),
            pl.BlockSpec((_NW, _BM), lambda i: (0, i)),
            pl.BlockSpec((1, 128), lambda i: (0, 0)),
            pl.BlockSpec((128, 128), lambda i: (0, 0)),
            pl.BlockSpec((128, 128), lambda i: (0, 0)),
            pl.BlockSpec((1, 128), lambda i: (0, 0)),
            pl.BlockSpec((128, 128), lambda i: (0, 0)),
            pl.BlockSpec((128, 128), lambda i: (0, 0)),
            pl.BlockSpec((1, 128), lambda i: (0, 0)),
        ],
        out_specs=[pl.BlockSpec((_BM, 128), lambda i: (i, 0)),
                   pl.BlockSpec((_BM, 128), lambda i: (i, 0))],
        out_shape=[jax.ShapeDtypeStruct((NP, 128), jnp.float32)] * 2,
    )(u, z, bias, *_split_w(wlT), bl, *_split_w(wrT), br)


def _tc_final_body(u_ref, z_ref, bias_ref, batch_ref, linWTh_ref, linWTl_ref,
                   linb_ref, lin2WTh_ref, lin2WTl_ref, lin2b_ref, o_ref,
                   s_acc, c_acc):
    i = pl.program_id(0)

    @pl.when(i == 0)
    def _():
        s_acc[...] = jnp.zeros_like(s_acc)
        c_acc[...] = jnp.zeros_like(c_acc)

    h = _node_h(u_ref, z_ref, bias_ref)
    b = batch_ref[...]
    gids = lax.broadcasted_iota(jnp.int32, (64, _BM), 0)
    M = (b == gids).astype(jnp.float32)
    s_acc[...] += jnp.dot(M, h, preferred_element_type=jnp.float32,
                          precision=lax.Precision.HIGHEST)
    c_acc[...] += jnp.broadcast_to(jnp.sum(M, axis=1, keepdims=True), (64, 128))

    @pl.when(i == pl.num_programs(0) - 1)
    def _():
        pooled = s_acc[...] / jnp.maximum(c_acc[...], 1.0)
        y = _dot3(pooled, linWTh_ref[...], linWTl_ref[...]) + linb_ref[...]
        mu = jnp.mean(y, axis=0, keepdims=True)
        var = jnp.mean((y - mu) ** 2, axis=0, keepdims=True)
        y = (y - mu) / jnp.sqrt(var + 1e-5)
        y = jnp.maximum(y, 0.0)
        o_ref[...] = _dot3(y, lin2WTh_ref[...], lin2WTl_ref[...]) + lin2b_ref[...]


def _tc_final(u, z, bias, batch2d, linWT, linb, lin2WT, lin2b):
    NP = u.shape[1]
    grid = (NP // _BM,)
    return pl.pallas_call(
        _tc_final_body,
        grid=grid,
        in_specs=[
            pl.BlockSpec((_NC, _BM, 128), lambda i: (0, i, 0)),
            pl.BlockSpec((_NW, _BM), lambda i: (0, i)),
            pl.BlockSpec((1, 128), lambda i: (0, 0)),
            pl.BlockSpec((1, _BM), lambda i: (0, i)),
            pl.BlockSpec((128, 256), lambda i: (0, 0)),
            pl.BlockSpec((128, 256), lambda i: (0, 0)),
            pl.BlockSpec((1, 256), lambda i: (0, 0)),
            pl.BlockSpec((256, 2), lambda i: (0, 0)),
            pl.BlockSpec((256, 2), lambda i: (0, 0)),
            pl.BlockSpec((1, 2), lambda i: (0, 0)),
        ],
        out_specs=pl.BlockSpec((64, 2), lambda i: (0, 0)),
        out_shape=jax.ShapeDtypeStruct((64, 2), jnp.float32),
        scratch_shapes=[pltpu.VMEM((64, 128), jnp.float32),
                        pltpu.VMEM((64, 128), jnp.float32)],
    )(u, z, bias, batch2d, *_split_w(linWT), linb, *_split_w(lin2WT), lin2b)


def kernel(x, edge_index, edge_weight, batch,
           c1_Wl, c1_bl, c1_Wr, c1_br, c1_att, c1_bias,
           c2_Wl, c2_bl, c2_Wr, c2_br, c2_att, c2_bias,
           c3_Wl, c3_bl, c3_Wr, c3_br, c3_att, c3_bias,
           lin_W, lin_b, lin2_W, lin2_b):
    N = x.shape[0]
    E = edge_index.shape[1]
    G = 64
    NP = _NPAD
    EA = E + N
    EP = ((EA + _NW * _K - 1) // (_NW * _K)) * (_NW * _K)

    loop = jnp.arange(N, dtype=edge_index.dtype)
    padi = jnp.full((EP - EA,), N, edge_index.dtype)
    src = jnp.concatenate([edge_index[0], loop, padi])
    dst = jnp.concatenate([edge_index[1], loop, padi])
    Xp = jnp.zeros((NP, 128), jnp.float32).at[:N].set(x)
    zeros_np = jnp.zeros((NP, 128), jnp.float32)
    batch2d = jnp.pad(batch, (0, NP - N), constant_values=G).reshape(1, NP)

    sc_edge = _sc_edge_builder(NP, EP)

    xl, xr = _tc_lin(Xp, c1_Wl.T, c1_bl[None], c1_Wr.T, c1_br[None])
    u, z = sc_edge(src, dst, xl, xr, c1_att, zeros_np)
    xl, xr = _tc_epi(u, z, c1_bias[None], c2_Wl.T, c2_bl[None], c2_Wr.T, c2_br[None])
    u, z = sc_edge(src, dst, xl, xr, c2_att, zeros_np)
    xl, xr = _tc_epi(u, z, c2_bias[None], c3_Wl.T, c3_bl[None], c3_Wr.T, c3_br[None])
    u, z = sc_edge(src, dst, xl, xr, c3_att, zeros_np)
    return _tc_final(u, z, c3_bias[None], batch2d, lin_W.T, lin_b[None],
                     lin2_W.T, lin2_b[None])

# --- scband reference (transcript-rebuilt; emitter-appended) ---
"""Pipeline reference for scband-gat-27693949125042 (READ-ONLY COPY).

The authoritative reference and input builder live on the scoring server;
editing this copy changes nothing except your own understanding.
"""

import jax, jax.numpy as jnp
import numpy as np

N = 10000
E = 320000
D = 128
H = 128
G = 64


def _glorot(key, shape):
    fan_in = shape[-1]
    return jax.random.normal(key, shape, dtype=jnp.float32) * (1.0 / np.sqrt(fan_in))


def setup_inputs(seed: int = 0):
    key = jax.random.key(seed)
    ks = jax.random.split(key, 32)
    inp = {}
    inp["x"] = jax.random.normal(ks[0], (N, D), dtype=jnp.float32)
    inp["edge_index"] = jax.random.randint(ks[1], (2, E), 0, N, dtype=jnp.int32)
    inp["edge_weight"] = jax.random.normal(ks[2], (E,), dtype=jnp.float32)
    inp["batch"] = jnp.sort(jax.random.randint(ks[3], (N,), 0, G, dtype=jnp.int32))
    dims = [(D, H), (H, H), (H, H)]
    k = 4
    for i, (din, dout) in enumerate(dims, start=1):
        inp[f"c{i}_Wl"] = _glorot(ks[k], (dout, din)); k += 1
        inp[f"c{i}_bl"] = jnp.zeros((dout,), jnp.float32)
        inp[f"c{i}_Wr"] = _glorot(ks[k], (dout, din)); k += 1
        inp[f"c{i}_br"] = jnp.zeros((dout,), jnp.float32)
        inp[f"c{i}_att"] = _glorot(ks[k], (dout,)); k += 1
        inp[f"c{i}_bias"] = jnp.zeros((dout,), jnp.float32)
    inp["lin_W"] = _glorot(ks[k], (256, H)); k += 1
    inp["lin_b"] = jnp.zeros((256,), jnp.float32)
    inp["lin2_W"] = _glorot(ks[k], (2, 256)); k += 1
    inp["lin2_b"] = jnp.zeros((2,), jnp.float32)
    return inp


def _gatv2(x, src, dst, Wl, bl, Wr, br, att, bias, n):
    # GATv2Conv (heads=1): message = lin_l(x_j) + lin_r(x_i); e = leaky_relu; alpha = softmax_dst(att . e)
    xl = x @ Wl.T + bl
    xr = x @ Wr.T + br
    h = xl[src] + xr[dst]
    e = jax.nn.leaky_relu(h, negative_slope=0.2)
    logits = (e * att).sum(-1)
    m = jax.ops.segment_max(logits, dst, num_segments=n)
    m = jnp.where(jnp.isfinite(m), m, 0.0)
    p = jnp.exp(logits - m[dst])
    z = jax.ops.segment_sum(p, dst, num_segments=n)
    a = p / (z[dst] + 1e-16)
    out = jax.ops.segment_sum(xl[src] * a[:, None], dst, num_segments=n)
    return out + bias


def reference(x, edge_index, edge_weight, batch,
              c1_Wl, c1_bl, c1_Wr, c1_br, c1_att, c1_bias,
              c2_Wl, c2_bl, c2_Wr, c2_br, c2_att, c2_bias,
              c3_Wl, c3_bl, c3_Wr, c3_br, c3_att, c3_bias,
              lin_W, lin_b, lin2_W, lin2_b):
    n = x.shape[0]
    # GATv2Conv default add_self_loops=True
    loop = jnp.arange(n, dtype=edge_index.dtype)
    src = jnp.concatenate([edge_index[0], loop])
    dst = jnp.concatenate([edge_index[1], loop])
    h = jax.nn.relu(_gatv2(x, src, dst, c1_Wl, c1_bl, c1_Wr, c1_br, c1_att, c1_bias, n))
    h = jax.nn.relu(_gatv2(h, src, dst, c2_Wl, c2_bl, c2_Wr, c2_br, c2_att, c2_bias, n))
    h = _gatv2(h, src, dst, c3_Wl, c3_bl, c3_Wr, c3_br, c3_att, c3_bias, n)
    # global_mean_pool
    s = jax.ops.segment_sum(h, batch, num_segments=G)
    cnt = jax.ops.segment_sum(jnp.ones((n,), h.dtype), batch, num_segments=G)
    pooled = s / jnp.maximum(cnt, 1.0)[:, None]
    y = pooled @ lin_W.T + lin_b
    # BatchNorm1d(256) created at forward time: weight=1, bias=0, training-mode batch stats
    mu = y.mean(axis=0)
    var = y.var(axis=0)
    y = (y - mu) / jnp.sqrt(var + 1e-5)
    y = jax.nn.relu(y)
    return y @ lin2_W.T + lin2_b

if __name__ == "__main__":
    import jax
    _d = setup_inputs()
    print(jax.jit(kernel)(*tuple(_d.values())))

</pallas_src>

<mosaic_0001>
#map = affine_map<(d0, d1) -> (0)>
#map1 = affine_map<(d0, d1) -> (0, 0)>
#map2 = affine_map<(d0, d1) -> (0, 0, 0)>
module attributes {stable_mosaic.version = 14 : i64} {
  func.func @sc_edge(%arg0: i32, %arg1: i32, %arg2: memref<331776xi32, #tpu.memory_space<hbm>>, %arg3: memref<331776xi32, #tpu.memory_space<hbm>>, %arg4: memref<10240x128xf32, #tpu.memory_space<hbm>>, %arg5: memref<10240x128xf32, #tpu.memory_space<hbm>>, %arg6: memref<128xf32, #tpu.memory_space<hbm>>, %arg7: memref<10240x128xf32, #tpu.memory_space<hbm>>, %arg8: memref<2x10240x128xf32, #tpu.memory_space<hbm>>, %arg9: memref<32x10240xf32, #tpu.memory_space<hbm>>, %arg10: memref<10240x128xf32, #tpu.memory_space<vmem_shared>>, %arg11: memref<10240xf32, #tpu.memory_space<vmem>>, %arg12: memref<128xi32, #tpu.memory_space<vmem>>, %arg13: memref<128xi32, #tpu.memory_space<vmem>>, %arg14: memref<128x128xf32, #tpu.memory_space<vmem>>, %arg15: memref<128x128xf32, #tpu.memory_space<vmem>>, %arg16: memref<128xf32, #tpu.memory_space<vmem>>, %arg17: memref<!tpu.dma_semaphore, #tpu.memory_space<semaphore_mem>>, %arg18: memref<!tpu.dma_semaphore, #tpu.memory_space<semaphore_mem>>) attributes {dimension_semantics = [#tpu.dimension_semantics<core_parallel>, #tpu.dimension_semantics<subcore_parallel>], iteration_bounds = array<i64: 2, 16>, scalar_prefetch = 0 : i64, scratch_operands = 9 : i64, tpu.core_type = #tpu.core_type<sc_vector_subcore>, window_params = [{transform_indices = #map}, {transform_indices = #map}, {transform_indices = #map1}, {transform_indices = #map1}, {transform_indices = #map}, {transform_indices = #map1}, {transform_indices = #map2}, {transform_indices = #map1}]} {
    %mul3A = arith.constant 2 : i32
    %mul3A_0 = arith.muli %arg1, %mul3A : i32
    %add3A = arith.addi %mul3A_0, %arg0 : i32
    "tpu.region"() ({
      %run_scoped3A = tpu.sem_alloc : memref<!tpu.dma_semaphore, #tpu.memory_space<semaphore_mem>>
      tpu.enqueue_dma source(%arg6 : memref<128xf32, #tpu.memory_space<hbm>>) target(%arg16 : memref<128xf32, #tpu.memory_space<vmem>>) target_semaphore(%run_scoped3A : memref<!tpu.dma_semaphore, #tpu.memory_space<semaphore_mem>>)
      tpu.wait_dma2 semaphore(%run_scoped3A : memref<!tpu.dma_semaphore, #tpu.memory_space<semaphore_mem>>) src(%arg6 : memref<128xf32, #tpu.memory_space<hbm>>) dst(%arg16 : memref<128xf32, #tpu.memory_space<vmem>>)
      tpu.yield
    }) : () -> ()
    %mul3A_1 = arith.constant 640 : i32
    %mul3A_2 = arith.muli %arg1, %mul3A_1 : i32
    %mul3A_3 = arith.constant 640 : i32
    %mul3A_4 = arith.muli %arg1, %mul3A_3 : i32
    "tpu.region"() ({
      %run_scoped3A = tpu.sem_alloc : memref<!tpu.dma_semaphore, #tpu.memory_space<semaphore_mem>>
      %dma_start3A = arith.constant 0 : i32
      %dma_start3A_21 = tpu.memref_slice %arg10[%mul3A_4, %dma_start3A] : memref<10240x128xf32, #tpu.memory_space<vmem_shared>> -> memref<640x128xf32, #tpu.memory_space<vmem_shared>>
      %dma_start3A_22 = arith.constant 0 : i32
      %dma_start3A_23 = tpu.memref_slice %arg7[%mul3A_2, %dma_start3A_22] : memref<10240x128xf32, #tpu.memory_space<hbm>> -> memref<640x128xf32, #tpu.memory_space<hbm>>
      tpu.enqueue_dma source(%dma_start3A_23 : memref<640x128xf32, #tpu.memory_space<hbm>>) target(%dma_start3A_21 : memref<640x128xf32, #tpu.memory_space<vmem_shared>>) target_semaphore(%run_scoped3A : memref<!tpu.dma_semaphore, #tpu.memory_space<semaphore_mem>>)
      %dma_wait3A = arith.constant 0 : i32
      %dma_wait3A_24 = tpu.memref_slice %arg10[%mul3A_4, %dma_wait3A] : memref<10240x128xf32, #tpu.memory_space<vmem_shared>> -> memref<640x128xf32, #tpu.memory_space<vmem_shared>>
      %dma_wait3A_25 = arith.constant 0 : i32
      %dma_wait3A_26 = tpu.memref_slice %arg7[%mul3A_2, %dma_wait3A_25] : memref<10240x128xf32, #tpu.memory_space<hbm>> -> memref<640x128xf32, #tpu.memory_space<hbm>>
      tpu.wait_dma2 semaphore(%run_scoped3A : memref<!tpu.dma_semaphore, #tpu.memory_space<semaphore_mem>>) src(%dma_wait3A_26 : memref<640x128xf32, #tpu.memory_space<hbm>>) dst(%dma_wait3A_24 : memref<640x128xf32, #tpu.memory_space<vmem_shared>>)
      tpu.yield
    }) : () -> ()
    %scan3A = arith.constant 0 : i32
    %scan3A_5 = arith.constant 0 : i32
    %scan3A_6 = arith.constant 640 : i32
    %scan3A_7 = arith.addi %scan3A_5, %scan3A_6 : i32
    %scan3A_8 = arith.constant 1 : i32
    scf.for %scan3A_21 = %scan3A_5 to %scan3A_7 step %scan3A_8  : i32 {
      %broadcast_in_dim3A = arith.constant 0.000000e+00 : f32
      %broadcast_in_dim3A_22 = vector.broadcast %broadcast_in_dim3A : f32 to vector<16xf32>
      %mul3A_23 = arith.constant 16 : i32
      %mul3A_24 = arith.muli %scan3A_21, %mul3A_23 : i32
      %swap3A = arith.index_cast %mul3A_24 : i32 to index
      %swap3A_25 = tpu.vector_load %arg11[%swap3A] {strides = array<i32>} : memref<10240xf32, #tpu.memory_space<vmem>>, vector<16xf32>,
      tpu.vector_store %arg11[%swap3A], %broadcast_in_dim3A_22 {strides = array<i32>} : memref<10240xf32, #tpu.memory_space<vmem>>, vector<16xf32>,
    }
    %scan3A_9 = arith.constant 640 : i32
    %barrier3A = arith.constant 0 : index
    tpu.barrier barrier_id(%barrier3A)
    %scan3A_10 = arith.constant 0 : i32
    %scan3A_11 = arith.constant 0 : i32
    %scan3A_12 = arith.constant 81 : i32
    %scan3A_13 = arith.addi %scan3A_11, %scan3A_12 : i32
    %scan3A_14 = arith.constant 1 : i32
    scf.for %scan3A_21 = %scan3A_11 to %scan3A_13 step %scan3A_14  : i32 {
      %mul3A_22 = arith.constant 10368 : i32
      %mul3A_23 = arith.muli %add3A, %mul3A_22 : i32
      %mul3A_24 = arith.constant 128 : i32
      %mul3A_25 = arith.muli %scan3A_21, %mul3A_24 : i32
      %add3A_26 = arith.addi %mul3A_23, %mul3A_25 : i32
      "tpu.region"() ({
        %run_scoped3A = tpu.sem_alloc : memref<!tpu.dma_semaphore, #tpu.memory_space<semaphore_mem>>
        %dma_start3A_43 = tpu.memref_slice %arg2[%add3A_26] : memref<331776xi32, #tpu.memory_space<hbm>> -> memref<128xi32, #tpu.memory_space<hbm>>
        %dma_start3A_44 = tpu.memref_slice %arg2[%add3A_26] : memref<331776xi32, #tpu.memory_space<hbm>> -> memref<128xi32, #tpu.memory_space<hbm>>
        tpu.enqueue_dma source(%dma_start3A_44 : memref<128xi32, #tpu.memory_space<hbm>>) target(%arg12 : memref<128xi32, #tpu.memory_space<vmem>>) target_semaphore(%run_scoped3A : memref<!tpu.dma_semaphore, #tpu.memory_space<semaphore_mem>>)
        %dma_wait3A_45 = tpu.memref_slice %arg2[%add3A_26] : memref<331776xi32, #tpu.memory_space<hbm>> -> memref<128xi32, #tpu.memory_space<hbm>>
        %dma_wait3A_46 = tpu.memref_slice %arg2[%add3A_26] : memref<331776xi32, #tpu.memory_space<hbm>> -> memref<128xi32, #tpu.memory_space<hbm>>
        tpu.wait_dma2 semaphore(%run_scoped3A : memref<!tpu.dma_semaphore, #tpu.memory_space<semaphore_mem>>) src(%dma_wait3A_46 : memref<128xi32, #tpu.memory_space<hbm>>) dst(%arg12 : memref<128xi32, #tpu.memory_space<vmem>>)
        tpu.yield
      }) : () -> ()
      "tpu.region"() ({
        %run_scoped3A = tpu.sem_alloc : memref<!tpu.dma_semaphore, #tpu.memory_space<semaphore_mem>>
        %dma_start3A_43 = tpu.memref_slice %arg3[%add3A_26] : memref<331776xi32, #tpu.memory_space<hbm>> -> memref<128xi32, #tpu.memory_space<hbm>>
        %dma_start3A_44 = tpu.memref_slice %arg3[%add3A_26] : memref<331776xi32, #tpu.memory_space<hbm>> -> memref<128xi32, #tpu.memory_space<hbm>>
        tpu.enqueue_dma source(%dma_start3A_44 : memref<128xi32, #tpu.memory_space<hbm>>) target(%arg13 : memref<128xi32, #tpu.memory_space<vmem>>) target_semaphore(%run_scoped3A : memref<!tpu.dma_semaphore, #tpu.memory_space<semaphore_mem>>)
        %dma_wait3A_45 = tpu.memref_slice %arg3[%add3A_26] : memref<331776xi32, #tpu.memory_space<hbm>> -> memref<128xi32, #tpu.memory_space<hbm>>
        %dma_wait3A_46 = tpu.memref_slice %arg3[%add3A_26] : memref<331776xi32, #tpu.memory_space<hbm>> -> memref<128xi32, #tpu.memory_space<hbm>>
        tpu.wait_dma2 semaphore(%run_scoped3A : memref<!tpu.dma_semaphore, #tpu.memory_space<semaphore_mem>>) src(%dma_wait3A_46 : memref<128xi32, #tpu.memory_space<hbm>>) dst(%arg13 : memref<128xi32, #tpu.memory_space<vmem>>)
        tpu.yield
      }) : () -> ()
      %dma_start3A = arith.constant 0 : i32
      %dma_start3A_27 = arith.constant 0 : i32
      %dma_start3A_28 = tpu.memref_slice %arg4[%dma_start3A, %dma_start3A_27] : memref<10240x128xf32, #tpu.memory_space<hbm>> -> memref<10240x128xf32, #tpu.memory_space<hbm>>
      tpu.enqueue_indirect_dma source(%dma_start3A_28 : memref<10240x128xf32, #tpu.memory_space<hbm>>) target(%arg14 : memref<128x128xf32, #tpu.memory_space<vmem>>) offsets(%arg12 : memref<128xi32, #tpu.memory_space<vmem>>) semaphore(%arg17 : memref<!tpu.dma_semaphore, #tpu.memory_space<semaphore_mem>>)
      %dma_start3A_29 = arith.constant 0 : i32
      %dma_start3A_30 = arith.constant 0 : i32
      %dma_start3A_31 = tpu.memref_slice %arg5[%dma_start3A_29, %dma_start3A_30] : memref<10240x128xf32, #tpu.memory_space<hbm>> -> memref<10240x128xf32, #tpu.memory_space<hbm>>
      tpu.enqueue_indirect_dma source(%dma_start3A_31 : memref<10240x128xf32, #tpu.memory_space<hbm>>) target(%arg15 : memref<128x128xf32, #tpu.memory_space<vmem>>) offsets(%arg13 : memref<128xi32, #tpu.memory_space<vmem>>) semaphore(%arg18 : memref<!tpu.dma_semaphore, #tpu.memory_space<semaphore_mem>>)
      %dma_wait3A = arith.constant 0 : i32
      %dma_wait3A_32 = arith.constant 0 : i32
      %dma_wait3A_33 = tpu.memref_slice %arg4[%dma_wait3A, %dma_wait3A_32] : memref<10240x128xf32, #tpu.memory_space<hbm>> -> memref<10240x128xf32, #tpu.memory_space<hbm>>
      tpu.wait_indirect_dma semaphore(%arg17 : memref<!tpu.dma_semaphore, #tpu.memory_space<semaphore_mem>>) src(%dma_wait3A_33 : memref<10240x128xf32, #tpu.memory_space<hbm>>) dst(%arg14 : memref<128x128xf32, #tpu.memory_space<vmem>>)
      %dma_wait3A_34 = arith.constant 0 : i32
      %dma_wait3A_35 = arith.constant 0 : i32
      %dma_wait3A_36 = tpu.memref_slice %arg5[%dma_wait3A_34, %dma_wait3A_35] : memref<10240x128xf32, #tpu.memory_space<hbm>> -> memref<10240x128xf32, #tpu.memory_space<hbm>>
      tpu.wait_indirect_dma semaphore(%arg18 : memref<!tpu.dma_semaphore, #tpu.memory_space<semaphore_mem>>) src(%dma_wait3A_36 : memref<10240x128xf32, #tpu.memory_space<hbm>>) dst(%arg15 : memref<128x128xf32, #tpu.memory_space<vmem>>)
      %iota3A = tpu.iota {dimensions = array<i32: 0>} : vector<16xi32>
      %scan3A_37 = arith.constant 0 : i32
      %scan3A_38 = arith.constant 0 : i32
      %scan3A_39 = arith.constant 8 : i32
      %scan3A_40 = arith.addi %scan3A_38, %scan3A_39 : i32
      %scan3A_41 = arith.constant 1 : i32
      scf.for %scan3A_43 = %scan3A_38 to %scan3A_40 step %scan3A_41  : i32 {
        %mul3A_44 = arith.constant 16 : i32
        %mul3A_45 = arith.muli %scan3A_43, %mul3A_44 : i32
        %add3A_46 = vector.broadcast %mul3A_45 : i32 to vector<16xi32>
        %add3A_47 = arith.addi %add3A_46, %iota3A : vector<16xi32>
        %broadcast_in_dim3A = arith.constant 0.000000e+00 : f32
        %broadcast_in_dim3A_48 = vector.broadcast %broadcast_in_dim3A : f32 to vector<16xf32>
        %broadcast_in_dim3A_49 = arith.constant 0.000000e+00 : f32
        %broadcast_in_dim3A_50 = vector.broadcast %broadcast_in_dim3A_49 : f32 to vector<16xf32>
        %broadcast_in_dim3A_51 = arith.constant 0.000000e+00 : f32
        %broadcast_in_dim3A_52 = vector.broadcast %broadcast_in_dim3A_51 : f32 to vector<16xf32>
        %broadcast_in_dim3A_53 = arith.constant 0.000000e+00 : f32
        %broadcast_in_dim3A_54 = vector.broadcast %broadcast_in_dim3A_53 : f32 to vector<16xf32>
        %broadcast_in_dim3A_55 = arith.constant 0.000000e+00 : f32
        %broadcast_in_dim3A_56 = vector.broadcast %broadcast_in_dim3A_55 : f32 to vector<16xf32>
        %broadcast_in_dim3A_57 = arith.constant 0.000000e+00 : f32
        %broadcast_in_dim3A_58 = vector.broadcast %broadcast_in_dim3A_57 : f32 to vector<16xf32>
        %broadcast_in_dim3A_59 = arith.constant 0.000000e+00 : f32
        %broadcast_in_dim3A_60 = vector.broadcast %broadcast_in_dim3A_59 : f32 to vector<16xf32>
        %broadcast_in_dim3A_61 = arith.constant 0.000000e+00 : f32
        %broadcast_in_dim3A_62 = vector.broadcast %broadcast_in_dim3A_61 : f32 to vector<16xf32>
        %scan3A_63 = arith.constant 0 : i32
        %scan3A_64 = arith.constant 16 : i32
        %scan3A_65 = arith.addi %scan3A_63, %scan3A_64 : i32
        %scan3A_66 = arith.constant 1 : i32
        %scan3A_67:8 = scf.for %scan3A_83 = %scan3A_63 to %scan3A_65 step %scan3A_66 iter_args(%scan3A_84 = %broadcast_in_dim3A_48, %scan3A_85 = %broadcast_in_dim3A_50, %scan3A_86 = %broadcast_in_dim3A_52, %scan3A_87 = %broadcast_in_dim3A_54, %scan3A_88 = %broadcast_in_dim3A_56, %scan3A_89 = %broadcast_in_dim3A_58, %scan3A_90 = %broadcast_in_dim3A_60, %scan3A_91 = %broadcast_in_dim3A_62) -> (vector<16xf32>, vector<16xf32>, vector<16xf32>, vector<16xf32>, vector<16xf32>, vector<16xf32>, vector<16xf32>, vector<16xf32>)  : i32 {
          %mul3A_92 = arith.constant 8 : i32
          %mul3A_93 = arith.muli %scan3A_83, %mul3A_92 : i32
          %add3A_94 = arith.constant 0 : i32
          %add3A_95 = arith.addi %mul3A_93, %add3A_94 : i32
          %broadcast_in_dim3A_96 = vector.broadcast %add3A_95 : i32 to vector<16xi32>
          %gather3A = tpu.vector_load_idx %arg14[%add3A_47, %broadcast_in_dim3A_96] : memref<128x128xf32, #tpu.memory_space<vmem>>[vector<16xi32>, vector<16xi32>], vector<16xf32>,
          %gather3A_97 = tpu.vector_load_idx %arg15[%add3A_47, %broadcast_in_dim3A_96] : memref<128x128xf32, #tpu.memory_space<vmem>>[vector<16xi32>, vector<16xi32>], vector<16xf32>,
          %gather3A_98 = tpu.vector_load_idx %arg16[%broadcast_in_dim3A_96] : memref<128xf32, #tpu.memory_space<vmem>>[vector<16xi32>], vector<16xf32>,
          %add3A_99 = arith.addf %gather3A, %gather3A_97 : vector<16xf32>
          %mul3A_100 = arith.constant 2.000000e-01 : f32
          %mul3A_101 = vector.broadcast %mul3A_100 : f32 to vector<16xf32>
          %mul3A_102 = arith.mulf %mul3A_101, %add3A_99 : vector<16xf32>
          %max3A = arith.maximumf %add3A_99, %mul3A_102 : vector<16xf32>
          %mul3A_103 = arith.mulf %gather3A_98, %max3A : vector<16xf32>
          %add3A_104 = arith.addf %scan3A_84, %mul3A_103 : vector<16xf32>
          %mul3A_105 = arith.constant 8 : i32
          %mul3A_106 = arith.muli %scan3A_83, %mul3A_105 : i32
          %add3A_107 = arith.constant 1 : i32
          %add3A_108 = arith.addi %mul3A_106, %add3A_107 : i32
          %broadcast_in_dim3A_109 = vector.broadcast %add3A_108 : i32 to vector<16xi32>
          %gather3A_110 = tpu.vector_load_idx %arg14[%add3A_47, %broadcast_in_dim3A_109] : memref<128x128xf32, #tpu.memory_space<vmem>>[vector<16xi32>, vector<16xi32>], vector<16xf32>,
          %gather3A_111 = tpu.vector_load_idx %arg15[%add3A_47, %broadcast_in_dim3A_109] : memref<128x128xf32, #tpu.memory_space<vmem>>[vector<16xi32>, vector<16xi32>], vector<16xf32>,
          %gather3A_112 = tpu.vector_load_idx %arg16[%broadcast_in_dim3A_109] : memref<128xf32, #tpu.memory_space<vmem>>[vector<16xi32>], vector<16xf32>,
          %add3A_113 = arith.addf %gather3A_110, %gather3A_111 : vector<16xf32>
          %mul3A_114 = arith.constant 2.000000e-01 : f32
          %mul3A_115 = vector.broadcast %mul3A_114 : f32 to vector<16xf32>
          %mul3A_116 = arith.mulf %mul3A_115, %add3A_113 : vector<16xf32>
          %max3A_117 = arith.maximumf %add3A_113, %mul3A_116 : vector<16xf32>
          %mul3A_118 = arith.mulf %gather3A_112, %max3A_117 : vector<16xf32>
          %add3A_119 = arith.addf %scan3A_85, %mul3A_118 : vector<16xf32>
          %mul3A_120 = arith.constant 8 : i32
          %mul3A_121 = arith.muli %scan3A_83, %mul3A_120 : i32
          %add3A_122 = arith.constant 2 : i32
          %add3A_123 = arith.addi %mul3A_121, %add3A_122 : i32
          %broadcast_in_dim3A_124 = vector.broadcast %add3A_123 : i32 to vector<16xi32>
          %gather3A_125 = tpu.vector_load_idx %arg14[%add3A_47, %broadcast_in_dim3A_124] : memref<128x128xf32, #tpu.memory_space<vmem>>[vector<16xi32>, vector<16xi32>], vector<16xf32>,
          %gather3A_126 = tpu.vector_load_idx %arg15[%add3A_47, %broadcast_in_dim3A_124] : memref<128x128xf32, #tpu.memory_space<vmem>>[vector<16xi32>, vector<16xi32>], vector<16xf32>,
          %gather3A_127 = tpu.vector_load_idx %arg16[%broadcast_in_dim3A_124] : memref<128xf32, #tpu.memory_space<vmem>>[vector<16xi32>], vector<16xf32>,
          %add3A_128 = arith.addf %gather3A_125, %gather3A_126 : vector<16xf32>
          %mul3A_129 = arith.constant 2.000000e-01 : f32
          %mul3A_130 = vector.broadcast %mul3A_129 : f32 to vector<16xf32>
          %mul3A_131 = arith.mulf %mul3A_130, %add3A_128 : vector<16xf32>
          %max3A_132 = arith.maximumf %add3A_128, %mul3A_131 : vector<16xf32>
          %mul3A_133 = arith.mulf %gather3A_127, %max3A_132 : vector<16xf32>
          %add3A_134 = arith.addf %scan3A_86, %mul3A_133 : vector<16xf32>
          %mul3A_135 = arith.constant 8 : i32
          %mul3A_136 = arith.muli %scan3A_83, %mul3A_135 : i32
          %add3A_137 = arith.constant 3 : i32
          %add3A_138 = arith.addi %mul3A_136, %add3A_137 : i32
          %broadcast_in_dim3A_139 = vector.broadcast %add3A_138 : i32 to vector<16xi32>
          %gather3A_140 = tpu.vector_load_idx %arg14[%add3A_47, %broadcast_in_dim3A_139] : memref<128x128xf32, #tpu.memory_space<vmem>>[vector<16xi32>, vector<16xi32>], vector<16xf32>,
          %gather3A_141 = tpu.vector_load_idx %arg15[%add3A_47, %broadcast_in_dim3A_139] : memref<128x128xf32, #tpu.memory_space<vmem>>[vector<16xi32>, vector<16xi32>], vector<16xf32>,
          %gather3A_142 = tpu.vector_load_idx %arg16[%broadcast_in_dim3A_139] : memref<128xf32, #tpu.memory_space<vmem>>[vector<16xi32>], vector<16xf32>,
          %add3A_143 = arith.addf %gather3A_140, %gather3A_141 : vector<16xf32>
          %mul3A_144 = arith.constant 2.000000e-01 : f32
          %mul3A_145 = vector.broadcast %mul3A_144 : f32 to vector<16xf32>
          %mul3A_146 = arith.mulf %mul3A_145, %add3A_143 : vector<16xf32>
          %max3A_147 = arith.maximumf %add3A_143, %mul3A_146 : vector<16xf32>
          %mul3A_148 = arith.mulf %gather3A_142, %max3A_147 : vector<16xf32>
          %add3A_149 = arith.addf %scan3A_87, %mul3A_148 : vector<16xf32>
          %mul3A_150 = arith.constant 8 : i32
          %mul3A_151 = arith.muli %scan3A_83, %mul3A_150 : i32
          %add3A_152 = arith.constant 4 : i32
          %add3A_153 = arith.addi %mul3A_151, %add3A_152 : i32
          %broadcast_in_dim3A_154 = vector.broadcast %add3A_153 : i32 to vector<16xi32>
          %gather3A_155 = tpu.vector_load_idx %arg14[%add3A_47, %broadcast_in_dim3A_154] : memref<128x128xf32, #tpu.memory_space<vmem>>[vector<16xi32>, vector<16xi32>], vector<16xf32>,
          %gather3A_156 = tpu.vector_load_idx %arg15[%add3A_47, %broadcast_in_dim3A_154] : memref<128x128xf32, #tpu.memory_space<vmem>>[vector<16xi32>, vector<16xi32>], vector<16xf32>,
          %gather3A_157 = tpu.vector_load_idx %arg16[%broadcast_in_dim3A_154] : memref<128xf32, #tpu.memory_space<vmem>>[vector<16xi32>], vector<16xf32>,
          %add3A_158 = arith.addf %gather3A_155, %gather3A_156 : vector<16xf32>
          %mul3A_159 = arith.constant 2.000000e-01 : f32
          %mul3A_160 = vector.broadcast %mul3A_159 : f32 to vector<16xf32>
          %mul3A_161 = arith.mulf %mul3A_160, %add3A_158 : vector<16xf32>
          %max3A_162 = arith.maximumf %add3A_158, %mul3A_161 : vector<16xf32>
          %mul3A_163 = arith.mulf %gather3A_157, %max3A_162 : vector<16xf32>
          %add3A_164 = arith.addf %scan3A_88, %mul3A_163 : vector<16xf32>
          %mul3A_165 = arith.constant 8 : i32
          %mul3A_166 = arith.muli %scan3A_83, %mul3A_165 : i32
          %add3A_167 = arith.constant 5 : i32
          %add3A_168 = arith.addi %mul3A_166, %add3A_167 : i32
          %broadcast_in_dim3A_169 = vector.broadcast %add3A_168 : i32 to vector<16xi32>
          %gather3A_170 = tpu.vector_load_idx %arg14[%add3A_47, %broadcast_in_dim3A_169] : memref<128x128xf32, #tpu.memory_space<vmem>>[vector<16xi32>, vector<16xi32>], vector<16xf32>,
          %gather3A_171 = tpu.vector_load_idx %arg15[%add3A_47, %broadcast_in_dim3A_169] : memref<128x128xf32, #tpu.memory_space<vmem>>[vector<16xi32>, vector<16xi32>], vector<16xf32>,
          %gather3A_172 = tpu.vector_load_idx %arg16[%broadcast_in_dim3A_169] : memref<128xf32, #tpu.memory_space<vmem>>[vector<16xi32>], vector<16xf32>,
          %add3A_173 = arith.addf %gather3A_170, %gather3A_171 : vector<16xf32>
          %mul3A_174 = arith.constant 2.000000e-01 : f32
          %mul3A_175 = vector.broadcast %mul3A_174 : f32 to vector<16xf32>
          %mul3A_176 = arith.mulf %mul3A_175, %add3A_173 : vector<16xf32>
          %max3A_177 = arith.maximumf %add3A_173, %mul3A_176 : vector<16xf32>
          %mul3A_178 = arith.mulf %gather3A_172, %max3A_177 : vector<16xf32>
          %add3A_179 = arith.addf %scan3A_89, %mul3A_178 : vector<16xf32>
          %mul3A_180 = arith.constant 8 : i32
          %mul3A_181 = arith.muli %scan3A_83, %mul3A_180 : i32
          %add3A_182 = arith.constant 6 : i32
          %add3A_183 = arith.addi %mul3A_181, %add3A_182 : i32
          %broadcast_in_dim3A_184 = vector.broadcast %add3A_183 : i32 to vector<16xi32>
          %gather3A_185 = tpu.vector_load_idx %arg14[%add3A_47, %broadcast_in_dim3A_184] : memref<128x128xf32, #tpu.memory_space<vmem>>[vector<16xi32>, vector<16xi32>], vector<16xf32>,
          %gather3A_186 = tpu.vector_load_idx %arg15[%add3A_47, %broadcast_in_dim3A_184] : memref<128x128xf32, #tpu.memory_space<vmem>>[vector<16xi32>, vector<16xi32>], vector<16xf32>,
          %gather3A_187 = tpu.vector_load_idx %arg16[%broadcast_in_dim3A_184] : memref<128xf32, #tpu.memory_space<vmem>>[vector<16xi32>], vector<16xf32>,
          %add3A_188 = arith.addf %gather3A_185, %gather3A_186 : vector<16xf32>
          %mul3A_189 = arith.constant 2.000000e-01 : f32
          %mul3A_190 = vector.broadcast %mul3A_189 : f32 to vector<16xf32>
          %mul3A_191 = arith.mulf %mul3A_190, %add3A_188 : vector<16xf32>
          %max3A_192 = arith.maximumf %add3A_188, %mul3A_191 : vector<16xf32>
          %mul3A_193 = arith.mulf %gather3A_187, %max3A_192 : vector<16xf32>
          %add3A_194 = arith.addf %scan3A_90, %mul3A_193 : vector<16xf32>
          %mul3A_195 = arith.constant 8 : i32
          %mul3A_196 = arith.muli %scan3A_83, %mul3A_195 : i32
          %add3A_197 = arith.constant 7 : i32
          %add3A_198 = arith.addi %mul3A_196, %add3A_197 : i32
          %broadcast_in_dim3A_199 = vector.broadcast %add3A_198 : i32 to vector<16xi32>
          %gather3A_200 = tpu.vector_load_idx %arg14[%add3A_47, %broadcast_in_dim3A_199] : memref<128x128xf32, #tpu.memory_space<vmem>>[vector<16xi32>, vector<16xi32>], vector<16xf32>,
          %gather3A_201 = tpu.vector_load_idx %arg15[%add3A_47, %broadcast_in_dim3A_199] : memref<128x128xf32, #tpu.memory_space<vmem>>[vector<16xi32>, vector<16xi32>], vector<16xf32>,
          %gather3A_202 = tpu.vector_load_idx %arg16[%broadcast_in_dim3A_199] : memref<128xf32, #tpu.memory_space<vmem>>[vector<16xi32>], vector<16xf32>,
          %add3A_203 = arith.addf %gather3A_200, %gather3A_201 : vector<16xf32>
          %mul3A_204 = arith.constant 2.000000e-01 : f32
          %mul3A_205 = vector.broadcast %mul3A_204 : f32 to vector<16xf32>
          %mul3A_206 = arith.mulf %mul3A_205, %add3A_203 : vector<16xf32>
          %max3A_207 = arith.maximumf %add3A_203, %mul3A_206 : vector<16xf32>
          %mul3A_208 = arith.mulf %gather3A_202, %max3A_207 : vector<16xf32>
          %add3A_209 = arith.addf %scan3A_91, %mul3A_208 : vector<16xf32>
          scf.yield %add3A_104, %add3A_119, %add3A_134, %add3A_149, %add3A_164, %add3A_179, %add3A_194, %add3A_209 : vector<16xf32>, vector<16xf32>, vector<16xf32>, vector<16xf32>, vector<16xf32>, vector<16xf32>, vector<16xf32>, vector<16xf32>
        }
        %scan3A_68 = arith.constant 16 : i32
        %add3A_69 = arith.addf %scan3A_67#0, %scan3A_67#1 : vector<16xf32>
        %add3A_70 = arith.addf %scan3A_67#2, %scan3A_67#3 : vector<16xf32>
        %add3A_71 = arith.addf %add3A_69, %add3A_70 : vector<16xf32>
        %add3A_72 = arith.addf %scan3A_67#4, %scan3A_67#5 : vector<16xf32>
        %add3A_73 = arith.addf %scan3A_67#6, %scan3A_67#7 : vector<16xf32>
        %add3A_74 = arith.addf %add3A_72, %add3A_73 : vector<16xf32>
        %add3A_75 = arith.addf %add3A_71, %add3A_74 : vector<16xf32>
        %exp3A = math.exp %add3A_75 : vector<16xf32>
        %get3A = arith.index_cast %mul3A_45 : i32 to index
        %get3A_76 = tpu.vector_load %arg13[%get3A] {strides = array<i32>} : memref<128xi32, #tpu.memory_space<vmem>>, vector<16xi32>,
        tpu.vector_store_idx %arg11[%get3A_76], %exp3A {add = true} : memref<10240xf32, #tpu.memory_space<vmem>>[vector<16xi32>], vector<16xf32>,
        %scan3A_77 = arith.constant 0 : i32
        %scan3A_78 = arith.constant 0 : i32
        %scan3A_79 = arith.constant 32 : i32
        %scan3A_80 = arith.addi %scan3A_78, %scan3A_79 : i32
        %scan3A_81 = arith.constant 1 : i32
        scf.for %scan3A_83 = %scan3A_78 to %scan3A_80 step %scan3A_81  : i32 {
          %mul3A_84 = arith.constant 4 : i32
          %mul3A_85 = arith.muli %scan3A_83, %mul3A_84 : i32
          %add3A_86 = arith.constant 0 : i32
          %add3A_87 = arith.addi %mul3A_85, %add3A_86 : i32
          %broadcast_in_dim3A_88 = vector.broadcast %add3A_87 : i32 to vector<16xi32>
          %gather3A = tpu.vector_load_idx %arg14[%add3A_47, %broadcast_in_dim3A_88] : memref<128x128xf32, #tpu.memory_space<vmem>>[vector<16xi32>, vector<16xi32>], vector<16xf32>,
          %mul3A_89 = arith.mulf %gather3A, %exp3A : vector<16xf32>
          tpu.vector_store_idx %arg14[%add3A_47, %broadcast_in_dim3A_88], %mul3A_89 : memref<128x128xf32, #tpu.memory_space<vmem>>[vector<16xi32>, vector<16xi32>], vector<16xf32>,
          %mul3A_90 = arith.constant 4 : i32
          %mul3A_91 = arith.muli %scan3A_83, %mul3A_90 : i32
          %add3A_92 = arith.constant 1 : i32
          %add3A_93 = arith.addi %mul3A_91, %add3A_92 : i32
          %broadcast_in_dim3A_94 = vector.broadcast %add3A_93 : i32 to vector<16xi32>
          %gather3A_95 = tpu.vector_load_idx %arg14[%add3A_47, %broadcast_in_dim3A_94] : memref<128x128xf32, #tpu.memory_space<vmem>>[vector<16xi32>, vector<16xi32>], vector<16xf32>,
          %mul3A_96 = arith.mulf %gather3A_95, %exp3A : vector<16xf32>
          tpu.vector_store_idx %arg14[%add3A_47, %broadcast_in_dim3A_94], %mul3A_96 : memref<128x128xf32, #tpu.memory_space<vmem>>[vector<16xi32>, vector<16xi32>], vector<16xf32>,
          %mul3A_97 = arith.constant 4 : i32
          %mul3A_98 = arith.muli %scan3A_83, %mul3A_97 : i32
          %add3A_99 = arith.constant 2 : i32
          %add3A_100 = arith.addi %mul3A_98, %add3A_99 : i32
          %broadcast_in_dim3A_101 = vector.broadcast %add3A_100 : i32 to vector<16xi32>
          %gather3A_102 = tpu.vector_load_idx %arg14[%add3A_47, %broadcast_in_dim3A_101] : memref<128x128xf32, #tpu.memory_space<vmem>>[vector<16xi32>, vector<16xi32>], vector<16xf32>,
          %mul3A_103 = arith.mulf %gather3A_102, %exp3A : vector<16xf32>
          tpu.vector_store_idx %arg14[%add3A_47, %broadcast_in_dim3A_101], %mul3A_103 : memref<128x128xf32, #tpu.memory_space<vmem>>[vector<16xi32>, vector<16xi32>], vector<16xf32>,
          %mul3A_104 = arith.constant 4 : i32
          %mul3A_105 = arith.muli %scan3A_83, %mul3A_104 : i32
          %add3A_106 = arith.constant 3 : i32
          %add3A_107 = arith.addi %mul3A_105, %add3A_106 : i32
          %broadcast_in_dim3A_108 = vector.broadcast %add3A_107 : i32 to vector<16xi32>
          %gather3A_109 = tpu.vector_load_idx %arg14[%add3A_47, %broadcast_in_dim3A_108] : memref<128x128xf32, #tpu.memory_space<vmem>>[vector<16xi32>, vector<16xi32>], vector<16xf32>,
          %mul3A_110 = arith.mulf %gather3A_109, %exp3A : vector<16xf32>
          tpu.vector_store_idx %arg14[%add3A_47, %broadcast_in_dim3A_108], %mul3A_110 : memref<128x128xf32, #tpu.memory_space<vmem>>[vector<16xi32>, vector<16xi32>], vector<16xf32>,
        }
        %scan3A_82 = arith.constant 32 : i32
      }
      %scan3A_42 = arith.constant 8 : i32
      "tpu.region"() ({
        %run_scoped3A = tpu.sem_alloc : memref<!tpu.dma_semaphore, #tpu.memory_space<semaphore_mem>>
        %dma_start3A_43 = arith.constant 0 : i32
        %dma_start3A_44 = arith.constant 0 : i32
        %dma_start3A_45 = tpu.memref_slice %arg10[%dma_start3A_43, %dma_start3A_44] : memref<10240x128xf32, #tpu.memory_space<vmem_shared>> -> memref<10240x128xf32, #tpu.memory_space<vmem_shared>>
        tpu.enqueue_indirect_dma source(%arg14 : memref<128x128xf32, #tpu.memory_space<vmem>>) target(%dma_start3A_45 : memref<10240x128xf32, #tpu.memory_space<vmem_shared>>) offsets(%arg13 : memref<128xi32, #tpu.memory_space<vmem>>) semaphore(%run_scoped3A : memref<!tpu.dma_semaphore, #tpu.memory_space<semaphore_mem>>) {add = true}
        %dma_wait3A_46 = arith.constant 0 : i32
        %dma_wait3A_47 = arith.constant 0 : i32
        %dma_wait3A_48 = tpu.memref_slice %arg10[%dma_wait3A_46, %dma_wait3A_47] : memref<10240x128xf32, #tpu.memory_space<vmem_shared>> -> memref<10240x128xf32, #tpu.memory_space<vmem_shared>>
        tpu.wait_indirect_dma semaphore(%run_scoped3A : memref<!tpu.dma_semaphore, #tpu.memory_space<semaphore_mem>>) src(%arg14 : memref<128x128xf32, #tpu.memory_space<vmem>>) dst(%dma_wait3A_48 : memref<10240x128xf32, #tpu.memory_space<vmem_shared>>)
        tpu.yield
      }) : () -> ()
    }
    %scan3A_15 = arith.constant 81 : i32
    %barrier3A_16 = arith.constant 0 : index
    tpu.barrier barrier_id(%barrier3A_16)
    "tpu.region"() ({
      %run_scoped3A = tpu.sem_alloc : memref<!tpu.dma_semaphore, #tpu.memory_space<semaphore_mem>>
      %dma_start3A = arith.constant 0 : i32
      %dma_start3A_21 = tpu.memref_slice %arg9[%add3A, %dma_start3A] : memref<32x10240xf32, #tpu.memory_space<hbm>> -> memref<1x10240xf32, #tpu.memory_space<hbm>>
      %dma_start3A_22 = tpu.memref_squeeze %dma_start3A_21 : memref<1x10240xf32, #tpu.memory_space<hbm>> -> memref<10240xf32, #tpu.memory_space<hbm>>
      %dma_start3A_23 = arith.constant 0 : i32
      %dma_start3A_24 = tpu.memref_slice %arg9[%add3A, %dma_start3A_23] : memref<32x10240xf32, #tpu.memory_space<hbm>> -> memref<1x10240xf32, #tpu.memory_space<hbm>>
      %dma_start3A_25 = tpu.memref_squeeze %dma_start3A_24 : memref<1x10240xf32, #tpu.memory_space<hbm>> -> memref<10240xf32, #tpu.memory_space<hbm>>
      tpu.enqueue_dma source(%arg11 : memref<10240xf32, #tpu.memory_space<vmem>>) target(%dma_start3A_25 : memref<10240xf32, #tpu.memory_space<hbm>>) target_semaphore(%run_scoped3A : memref<!tpu.dma_semaphore, #tpu.memory_space<semaphore_mem>>)
      %dma_wait3A = arith.constant 0 : i32
      %dma_wait3A_26 = tpu.memref_slice %arg9[%add3A, %dma_wait3A] : memref<32x10240xf32, #tpu.memory_space<hbm>> -> memref<1x10240xf32, #tpu.memory_space<hbm>>
      %dma_wait3A_27 = tpu.memref_squeeze %dma_wait3A_26 : memref<1x10240xf32, #tpu.memory_space<hbm>> -> memref<10240xf32, #tpu.memory_space<hbm>>
      %dma_wait3A_28 = arith.constant 0 : i32
      %dma_wait3A_29 = tpu.memref_slice %arg9[%add3A, %dma_wait3A_28] : memref<32x10240xf32, #tpu.memory_space<hbm>> -> memref<1x10240xf32, #tpu.memory_space<hbm>>
      %dma_wait3A_30 = tpu.memref_squeeze %dma_wait3A_29 : memref<1x10240xf32, #tpu.memory_space<hbm>> -> memref<10240xf32, #tpu.memory_space<hbm>>
      tpu.wait_dma2 semaphore(%run_scoped3A : memref<!tpu.dma_semaphore, #tpu.memory_space<semaphore_mem>>) src(%arg11 : memref<10240xf32, #tpu.memory_space<vmem>>) dst(%dma_wait3A_30 : memref<10240xf32, #tpu.memory_space<hbm>>)
      tpu.yield
    }) : () -> ()
    %mul3A_17 = arith.constant 640 : i32
    %mul3A_18 = arith.muli %arg1, %mul3A_17 : i32
    %mul3A_19 = arith.constant 640 : i32
    %mul3A_20 = arith.muli %arg1, %mul3A_19 : i32
    "tpu.region"() ({
      %run_scoped3A = tpu.sem_alloc : memref<!tpu.dma_semaphore, #tpu.memory_space<semaphore_mem>>
      %dma_start3A = arith.constant 0 : i32
      %dma_start3A_21 = tpu.memref_slice %arg8[%arg0, %mul3A_20, %dma_start3A] : memref<2x10240x128xf32, #tpu.memory_space<hbm>> -> memref<1x640x128xf32, #tpu.memory_space<hbm>>
      %dma_start3A_22 = tpu.memref_squeeze %dma_start3A_21 : memref<1x640x128xf32, #tpu.memory_space<hbm>> -> memref<640x128xf32, #tpu.memory_space<hbm>>
      %dma_start3A_23 = arith.constant 0 : i32
      %dma_start3A_24 = tpu.memref_slice %arg10[%mul3A_18, %dma_start3A_23] : memref<10240x128xf32, #tpu.memory_space<vmem_shared>> -> memref<640x128xf32, #tpu.memory_space<vmem_shared>>
      tpu.enqueue_dma source(%dma_start3A_24 : memref<640x128xf32, #tpu.memory_space<vmem_shared>>) target(%dma_start3A_22 : memref<640x128xf32, #tpu.memory_space<hbm>>) target_semaphore(%run_scoped3A : memref<!tpu.dma_semaphore, #tpu.memory_space<semaphore_mem>>)
      %dma_wait3A = arith.constant 0 : i32
      %dma_wait3A_25 = tpu.memref_slice %arg8[%arg0, %mul3A_20, %dma_wait3A] : memref<2x10240x128xf32, #tpu.memory_space<hbm>> -> memref<1x640x128xf32, #tpu.memory_space<hbm>>
      %dma_wait3A_26 = tpu.memref_squeeze %dma_wait3A_25 : memref<1x640x128xf32, #tpu.memory_space<hbm>> -> memref<640x128xf32, #tpu.memory_space<hbm>>
      %dma_wait3A_27 = arith.constant 0 : i32
      %dma_wait3A_28 = tpu.memref_slice %arg10[%mul3A_18, %dma_wait3A_27] : memref<10240x128xf32, #tpu.memory_space<vmem_shared>> -> memref<640x128xf32, #tpu.memory_space<vmem_shared>>
      tpu.wait_dma2 semaphore(%run_scoped3A : memref<!tpu.dma_semaphore, #tpu.memory_space<semaphore_mem>>) src(%dma_wait3A_28 : memref<640x128xf32, #tpu.memory_space<vmem_shared>>) dst(%dma_wait3A_26 : memref<640x128xf32, #tpu.memory_space<hbm>>)
      tpu.yield
    }) : () -> ()
    return
  }
}

#map = affine_map<(d0, d1) -> (0)>
#map1 = affine_map<(d0, d1) -> (0, 0)>
#map2 = affine_map<(d0, d1) -> (0, 0, 0)>
module attributes {stable_mosaic.version = 14 : i64} {
  func.func @sc_edge(%arg0: i32, %arg1: i32, %arg2: memref<331776xi32, #tpu.memory_space<hbm>>, %arg3: memref<331776xi32, #tpu.memory_space<hbm>>, %arg4: memref<10240x128xf32, #tpu.memory_space<hbm>>, %arg5: memref<10240x128xf32, #tpu.memory_space<hbm>>, %arg6: memref<128xf32, #tpu.memory_space<hbm>>, %arg7: memref<10240x128xf32, #tpu.memory_space<hbm>>, %arg8: memref<2x10240x128xf32, #tpu.memory_space<hbm>>, %arg9: memref<32x10240xf32, #tpu.memory_space<hbm>>, %arg10: memref<10240x128xf32, #tpu.memory_space<vmem_shared>>, %arg11: memref<10240xf32, #tpu.memory_space<vmem>>, %arg12: memref<128xi32, #tpu.memory_space<vmem>>, %arg13: memref<128xi32, #tpu.memory_space<vmem>>, %arg14: memref<128x128xf32, #tpu.memory_space<vmem>>, %arg15: memref<128x128xf32, #tpu.memory_space<vmem>>, %arg16: memref<128xf32, #tpu.memory_space<vmem>>, %arg17: memref<!tpu.dma_semaphore, #tpu.memory_space<semaphore_mem>>, %arg18: memref<!tpu.dma_semaphore, #tpu.memory_space<semaphore_mem>>) attributes {dimension_semantics = [#tpu.dimension_semantics<core_parallel>, #tpu.dimension_semantics<subcore_parallel>], iteration_bounds = array<i64: 2, 16>, scalar_prefetch = 0 : i64, scratch_operands = 9 : i64, tpu.core_type = #tpu.core_type<sc_vector_subcore>, window_params = [{transform_indices = #map}, {transform_indices = #map}, {transform_indices = #map1}, {transform_indices = #map1}, {transform_indices = #map}, {transform_indices = #map1}, {transform_indices = #map2}, {transform_indices = #map1}]} {
    %mul3A = arith.constant 2 : i32
    %mul3A_0 = arith.muli %arg1, %mul3A : i32
    %add3A = arith.addi %mul3A_0, %arg0 : i32
    "tpu.region"() ({
      %run_scoped3A = tpu.sem_alloc : memref<!tpu.dma_semaphore, #tpu.memory_space<semaphore_mem>>
      tpu.enqueue_dma source(%arg6 : memref<128xf32, #tpu.memory_space<hbm>>) target(%arg16 : memref<128xf32, #tpu.memory_space<vmem>>) target_semaphore(%run_scoped3A : memref<!tpu.dma_semaphore, #tpu.memory_space<semaphore_mem>>)
      tpu.wait_dma2 semaphore(%run_scoped3A : memref<!tpu.dma_semaphore, #tpu.memory_space<semaphore_mem>>) src(%arg6 : memref<128xf32, #tpu.memory_space<hbm>>) dst(%arg16 : memref<128xf32, #tpu.memory_space<vmem>>)
      tpu.yield
    }) : () -> ()
    %mul3A_1 = arith.constant 640 : i32
    %mul3A_2 = arith.muli %arg1, %mul3A_1 : i32
    %mul3A_3 = arith.constant 640 : i32
    %mul3A_4 = arith.muli %arg1, %mul3A_3 : i32
    "tpu.region"() ({
      %run_scoped3A = tpu.sem_alloc : memref<!tpu.dma_semaphore, #tpu.memory_space<semaphore_mem>>
      %dma_start3A = arith.constant 0 : i32
      %dma_start3A_21 = tpu.memref_slice %arg10[%mul3A_4, %dma_start3A] : memref<10240x128xf32, #tpu.memory_space<vmem_shared>> -> memref<640x128xf32, #tpu.memory_space<vmem_shared>>
      %dma_start3A_22 = arith.constant 0 : i32
      %dma_start3A_23 = tpu.memref_slice %arg7[%mul3A_2, %dma_start3A_22] : memref<10240x128xf32, #tpu.memory_space<hbm>> -> memref<640x128xf32, #tpu.memory_space<hbm>>
      tpu.enqueue_dma source(%dma_start3A_23 : memref<640x128xf32, #tpu.memory_space<hbm>>) target(%dma_start3A_21 : memref<640x128xf32, #tpu.memory_space<vmem_shared>>) target_semaphore(%run_scoped3A : memref<!tpu.dma_semaphore, #tpu.memory_space<semaphore_mem>>)
      %dma_wait3A = arith.constant 0 : i32
      %dma_wait3A_24 = tpu.memref_slice %arg10[%mul3A_4, %dma_wait3A] : memref<10240x128xf32, #tpu.memory_space<vmem_shared>> -> memref<640x128xf32, #tpu.memory_space<vmem_shared>>
      %dma_wait3A_25 = arith.constant 0 : i32
      %dma_wait3A_26 = tpu.memref_slice %arg7[%mul3A_2, %dma_wait3A_25] : memref<10240x128xf32, #tpu.memory_space<hbm>> -> memref<640x128xf32, #tpu.memory_space<hbm>>
      tpu.wait_dma2 semaphore(%run_scoped3A : memref<!tpu.dma_semaphore, #tpu.memory_space<semaphore_mem>>) src(%dma_wait3A_26 : memref<640x128xf32, #tpu.memory_space<hbm>>) dst(%dma_wait3A_24 : memref<640x128xf32, #tpu.memory_space<vmem_shared>>)
      tpu.yield
    }) : () -> ()
    %scan3A = arith.constant 0 : i32
    %scan3A_5 = arith.constant 0 : i32
    %scan3A_6 = arith.constant 640 : i32
    %scan3A_7 = arith.addi %scan3A_5, %scan3A_6 : i32
    %scan3A_8 = arith.constant 1 : i32
    scf.for %scan3A_21 = %scan3A_5 to %scan3A_7 step %scan3A_8  : i32 {
      %broadcast_in_dim3A = arith.constant 0.000000e+00 : f32
      %broadcast_in_dim3A_22 = vector.broadcast %broadcast_in_dim3A : f32 to vector<16xf32>
      %mul3A_23 = arith.constant 16 : i32
      %mul3A_24 = arith.muli %scan3A_21, %mul3A_23 : i32
      %swap3A = arith.index_cast %mul3A_24 : i32 to index
      %swap3A_25 = tpu.vector_load %arg11[%swap3A] {strides = array<i32>} : memref<10240xf32, #tpu.memory_space<vmem>>, vector<16xf32>,
      tpu.vector_store %arg11[%swap3A], %broadcast_in_dim3A_22 {strides = array<i32>} : memref<10240xf32, #tpu.memory_space<vmem>>, vector<16xf32>,
    }
    %scan3A_9 = arith.constant 640 : i32
    %barrier3A = arith.constant 0 : index
    tpu.barrier barrier_id(%barrier3A)
    %scan3A_10 = arith.constant 0 : i32
    %scan3A_11 = arith.constant 0 : i32
    %scan3A_12 = arith.constant 81 : i32
    %scan3A_13 = arith.addi %scan3A_11, %scan3A_12 : i32
    %scan3A_14 = arith.constant 1 : i32
    scf.for %scan3A_21 = %scan3A_11 to %scan3A_13 step %scan3A_14  : i32 {
      %mul3A_22 = arith.constant 10368 : i32
      %mul3A_23 = arith.muli %add3A, %mul3A_22 : i32
      %mul3A_24 = arith.constant 128 : i32
      %mul3A_25 = arith.muli %scan3A_21, %mul3A_24 : i32
      %add3A_26 = arith.addi %mul3A_23, %mul3A_25 : i32
      "tpu.region"() ({
        %run_scoped3A = tpu.sem_alloc : memref<!tpu.dma_semaphore, #tpu.memory_space<semaphore_mem>>
        %dma_start3A_43 = tpu.memref_slice %arg2[%add3A_26] : memref<331776xi32, #tpu.memory_space<hbm>> -> memref<128xi32, #tpu.memory_space<hbm>>
        %dma_start3A_44 = tpu.memref_slice %arg2[%add3A_26] : memref<331776xi32, #tpu.memory_space<hbm>> -> memref<128xi32, #tpu.memory_space<hbm>>
        tpu.enqueue_dma source(%dma_start3A_44 : memref<128xi32, #tpu.memory_space<hbm>>) target(%arg12 : memref<128xi32, #tpu.memory_space<vmem>>) target_semaphore(%run_scoped3A : memref<!tpu.dma_semaphore, #tpu.memory_space<semaphore_mem>>)
        %dma_wait3A_45 = tpu.memref_slice %arg2[%add3A_26] : memref<331776xi32, #tpu.memory_space<hbm>> -> memref<128xi32, #tpu.memory_space<hbm>>
        %dma_wait3A_46 = tpu.memref_slice %arg2[%add3A_26] : memref<331776xi32, #tpu.memory_space<hbm>> -> memref<128xi32, #tpu.memory_space<hbm>>
        tpu.wait_dma2 semaphore(%run_scoped3A : memref<!tpu.dma_semaphore, #tpu.memory_space<semaphore_mem>>) src(%dma_wait3A_46 : memref<128xi32, #tpu.memory_space<hbm>>) dst(%arg12 : memref<128xi32, #tpu.memory_space<vmem>>)
        tpu.yield
      }) : () -> ()
      "tpu.region"() ({
        %run_scoped3A = tpu.sem_alloc : memref<!tpu.dma_semaphore, #tpu.memory_space<semaphore_mem>>
        %dma_start3A_43 = tpu.memref_slice %arg3[%add3A_26] : memref<331776xi32, #tpu.memory_space<hbm>> -> memref<128xi32, #tpu.memory_space<hbm>>
        %dma_start3A_44 = tpu.memref_slice %arg3[%add3A_26] : memref<331776xi32, #tpu.memory_space<hbm>> -> memref<128xi32, #tpu.memory_space<hbm>>
        tpu.enqueue_dma source(%dma_start3A_44 : memref<128xi32, #tpu.memory_space<hbm>>) target(%arg13 : memref<128xi32, #tpu.memory_space<vmem>>) target_semaphore(%run_scoped3A : memref<!tpu.dma_semaphore, #tpu.memory_space<semaphore_mem>>)
        %dma_wait3A_45 = tpu.memref_slice %arg3[%add3A_26] : memref<331776xi32, #tpu.memory_space<hbm>> -> memref<128xi32, #tpu.memory_space<hbm>>
        %dma_wait3A_46 = tpu.memref_slice %arg3[%add3A_26] : memref<331776xi32, #tpu.memory_space<hbm>> -> memref<128xi32, #tpu.memory_space<hbm>>
        tpu.wait_dma2 semaphore(%run_scoped3A : memref<!tpu.dma_semaphore, #tpu.memory_space<semaphore_mem>>) src(%dma_wait3A_46 : memref<128xi32, #tpu.memory_space<hbm>>) dst(%arg13 : memref<128xi32, #tpu.memory_space<vmem>>)
        tpu.yield
      }) : () -> ()
      %dma_start3A = arith.constant 0 : i32
      %dma_start3A_27 = arith.constant 0 : i32
      %dma_start3A_28 = tpu.memref_slice %arg4[%dma_start3A, %dma_start3A_27] : memref<10240x128xf32, #tpu.memory_space<hbm>> -> memref<10240x128xf32, #tpu.memory_space<hbm>>
      tpu.enqueue_indirect_dma source(%dma_start3A_28 : memref<10240x128xf32, #tpu.memory_space<hbm>>) target(%arg14 : memref<128x128xf32, #tpu.memory_space<vmem>>) offsets(%arg12 : memref<128xi32, #tpu.memory_space<vmem>>) semaphore(%arg17 : memref<!tpu.dma_semaphore, #tpu.memory_space<semaphore_mem>>)
      %dma_start3A_29 = arith.constant 0 : i32
      %dma_start3A_30 = arith.constant 0 : i32
      %dma_start3A_31 = tpu.memref_slice %arg5[%dma_start3A_29, %dma_start3A_30] : memref<10240x128xf32, #tpu.memory_space<hbm>> -> memref<10240x128xf32, #tpu.memory_space<hbm>>
      tpu.enqueue_indirect_dma source(%dma_start3A_31 : memref<10240x128xf32, #tpu.memory_space<hbm>>) target(%arg15 : memref<128x128xf32, #tpu.memory_space<vmem>>) offsets(%arg13 : memref<128xi32, #tpu.memory_space<vmem>>) semaphore(%arg18 : memref<!tpu.dma_semaphore, #tpu.memory_space<semaphore_mem>>)
      %dma_wait3A = arith.constant 0 : i32
      %dma_wait3A_32 = arith.constant 0 : i32
      %dma_wait3A_33 = tpu.memref_slice %arg4[%dma_wait3A, %dma_wait3A_32] : memref<10240x128xf32, #tpu.memory_space<hbm>> -> memref<10240x128xf32, #tpu.memory_space<hbm>>
      tpu.wait_indirect_dma semaphore(%arg17 : memref<!tpu.dma_semaphore, #tpu.memory_space<semaphore_mem>>) src(%dma_wait3A_33 : memref<10240x128xf32, #tpu.memory_space<hbm>>) dst(%arg14 : memref<128x128xf32, #tpu.memory_space<vmem>>)
      %dma_wait3A_34 = arith.constant 0 : i32
      %dma_wait3A_35 = arith.constant 0 : i32
      %dma_wait3A_36 = tpu.memref_slice %arg5[%dma_wait3A_34, %dma_wait3A_35] : memref<10240x128xf32, #tpu.memory_space<hbm>> -> memref<10240x128xf32, #tpu.memory_space<hbm>>
      tpu.wait_indirect_dma semaphore(%arg18 : memref<!tpu.dma_semaphore, #tpu.memory_space<semaphore_mem>>) src(%dma_wait3A_36 : memref<10240x128xf32, #tpu.memory_space<hbm>>) dst(%arg15 : memref<128x128xf32, #tpu.memory_space<vmem>>)
      %iota3A = tpu.iota {dimensions = array<i32: 0>} : vector<16xi32>
      %scan3A_37 = arith.constant 0 : i32
      %scan3A_38 = arith.constant 0 : i32
      %scan3A_39 = arith.constant 8 : i32
      %scan3A_40 = arith.addi %scan3A_38, %scan3A_39 : i32
      %scan3A_41 = arith.constant 1 : i32
      scf.for %scan3A_43 = %scan3A_38 to %scan3A_40 step %scan3A_41  : i32 {
        %mul3A_44 = arith.constant 16 : i32
        %mul3A_45 = arith.muli %scan3A_43, %mul3A_44 : i32
        %add3A_46 = vector.broadcast %mul3A_45 : i32 to vector<16xi32>
        %add3A_47 = arith.addi %add3A_46, %iota3A : vector<16xi32>
        %broadcast_in_dim3A = arith.constant 0.000000e+00 : f32
        %broadcast_in_dim3A_48 = vector.broadcast %broadcast_in_dim3A : f32 to vector<16xf32>
        %broadcast_in_dim3A_49 = arith.constant 0.000000e+00 : f32
        %broadcast_in_dim3A_50 = vector.broadcast %broadcast_in_dim3A_49 : f32 to vector<16xf32>
        %broadcast_in_dim3A_51 = arith.constant 0.000000e+00 : f32
        %broadcast_in_dim3A_52 = vector.broadcast %broadcast_in_dim3A_51 : f32 to vector<16xf32>
        %broadcast_in_dim3A_53 = arith.constant 0.000000e+00 : f32
        %broadcast_in_dim3A_54 = vector.broadcast %broadcast_in_dim3A_53 : f32 to vector<16xf32>
        %broadcast_in_dim3A_55 = arith.constant 0.000000e+00 : f32
        %broadcast_in_dim3A_56 = vector.broadcast %broadcast_in_dim3A_55 : f32 to vector<16xf32>
        %broadcast_in_dim3A_57 = arith.constant 0.000000e+00 : f32
        %broadcast_in_dim3A_58 = vector.broadcast %broadcast_in_dim3A_57 : f32 to vector<16xf32>
        %broadcast_in_dim3A_59 = arith.constant 0.000000e+00 : f32
        %broadcast_in_dim3A_60 = vector.broadcast %broadcast_in_dim3A_59 : f32 to vector<16xf32>
        %broadcast_in_dim3A_61 = arith.constant 0.000000e+00 : f32
        %broadcast_in_dim3A_62 = vector.broadcast %broadcast_in_dim3A_61 : f32 to vector<16xf32>
        %scan3A_63 = arith.constant 0 : i32
        %scan3A_64 = arith.constant 16 : i32
        %scan3A_65 = arith.addi %scan3A_63, %scan3A_64 : i32
        %scan3A_66 = arith.constant 1 : i32
        %scan3A_67:8 = scf.for %scan3A_83 = %scan3A_63 to %scan3A_65 step %scan3A_66 iter_args(%scan3A_84 = %broadcast_in_dim3A_48, %scan3A_85 = %broadcast_in_dim3A_50, %scan3A_86 = %broadcast_in_dim3A_52, %scan3A_87 = %broadcast_in_dim3A_54, %scan3A_88 = %broadcast_in_dim3A_56, %scan3A_89 = %broadcast_in_dim3A_58, %scan3A_90 = %broadcast_in_dim3A_60, %scan3A_91 = %broadcast_in_dim3A_62) -> (vector<16xf32>, vector<16xf32>, vector<16xf32>, vector<16xf32>, vector<16xf32>, vector<16xf32>, vector<16xf32>, vector<16xf32>)  : i32 {
          %mul3A_92 = arith.constant 8 : i32
          %mul3A_93 = arith.muli %scan3A_83, %mul3A_92 : i32
          %add3A_94 = arith.constant 0 : i32
          %add3A_95 = arith.addi %mul3A_93, %add3A_94 : i32
          %broadcast_in_dim3A_96 = vector.broadcast %add3A_95 : i32 to vector<16xi32>
          %gather3A = tpu.vector_load_idx %arg14[%add3A_47, %broadcast_in_dim3A_96] : memref<128x128xf32, #tpu.memory_space<vmem>>[vector<16xi32>, vector<16xi32>], vector<16xf32>,
          %gather3A_97 = tpu.vector_load_idx %arg15[%add3A_47, %broadcast_in_dim3A_96] : memref<128x128xf32, #tpu.memory_space<vmem>>[vector<16xi32>, vector<16xi32>], vector<16xf32>,
          %gather3A_98 = tpu.vector_load_idx %arg16[%broadcast_in_dim3A_96] : memref<128xf32, #tpu.memory_space<vmem>>[vector<16xi32>], vector<16xf32>,
          %add3A_99 = arith.addf %gather3A, %gather3A_97 : vector<16xf32>
          %mul3A_100 = arith.constant 2.000000e-01 : f32
          %mul3A_101 = vector.broadcast %mul3A_100 : f32 to vector<16xf32>
          %mul3A_102 = arith.mulf %mul3A_101, %add3A_99 : vector<16xf32>
          %max3A = arith.maximumf %add3A_99, %mul3A_102 : vector<16xf32>
          %mul3A_103 = arith.mulf %gather3A_98, %max3A : vector<16xf32>
          %add3A_104 = arith.addf %scan3A_84, %mul3A_103 : vector<16xf32>
          %mul3A_105 = arith.constant 8 : i32
          %mul3A_106 = arith.muli %scan3A_83, %mul3A_105 : i32
          %add3A_107 = arith.constant 1 : i32
          %add3A_108 = arith.addi %mul3A_106, %add3A_107 : i32
          %broadcast_in_dim3A_109 = vector.broadcast %add3A_108 : i32 to vector<16xi32>
          %gather3A_110 = tpu.vector_load_idx %arg14[%add3A_47, %broadcast_in_dim3A_109] : memref<128x128xf32, #tpu.memory_space<vmem>>[vector<16xi32>, vector<16xi32>], vector<16xf32>,
          %gather3A_111 = tpu.vector_load_idx %arg15[%add3A_47, %broadcast_in_dim3A_109] : memref<128x128xf32, #tpu.memory_space<vmem>>[vector<16xi32>, vector<16xi32>], vector<16xf32>,
          %gather3A_112 = tpu.vector_load_idx %arg16[%broadcast_in_dim3A_109] : memref<128xf32, #tpu.memory_space<vmem>>[vector<16xi32>], vector<16xf32>,
          %add3A_113 = arith.addf %gather3A_110, %gather3A_111 : vector<16xf32>
          %mul3A_114 = arith.constant 2.000000e-01 : f32
          %mul3A_115 = vector.broadcast %mul3A_114 : f32 to vector<16xf32>
          %mul3A_116 = arith.mulf %mul3A_115, %add3A_113 : vector<16xf32>
          %max3A_117 = arith.maximumf %add3A_113, %mul3A_116 : vector<16xf32>
          %mul3A_118 = arith.mulf %gather3A_112, %max3A_117 : vector<16xf32>
          %add3A_119 = arith.addf %scan3A_85, %mul3A_118 : vector<16xf32>
          %mul3A_120 = arith.constant 8 : i32
          %mul3A_121 = arith.muli %scan3A_83, %mul3A_120 : i32
          %add3A_122 = arith.constant 2 : i32
          %add3A_123 = arith.addi %mul3A_121, %add3A_122 : i32
          %broadcast_in_dim3A_124 = vector.broadcast %add3A_123 : i32 to vector<16xi32>
          %gather3A_125 = tpu.vector_load_idx %arg14[%add3A_47, %broadcast_in_dim3A_124] : memref<128x128xf32, #tpu.memory_space<vmem>>[vector<16xi32>, vector<16xi32>], vector<16xf32>,
          %gather3A_126 = tpu.vector_load_idx %arg15[%add3A_47, %broadcast_in_dim3A_124] : memref<128x128xf32, #tpu.memory_space<vmem>>[vector<16xi32>, vector<16xi32>], vector<16xf32>,
          %gather3A_127 = tpu.vector_load_idx %arg16[%broadcast_in_dim3A_124] : memref<128xf32, #tpu.memory_space<vmem>>[vector<16xi32>], vector<16xf32>,
          %add3A_128 = arith.addf %gather3A_125, %gather3A_126 : vector<16xf32>
          %mul3A_129 = arith.constant 2.000000e-01 : f32
          %mul3A_130 = vector.broadcast %mul3A_129 : f32 to vector<16xf32>
          %mul3A_131 = arith.mulf %mul3A_130, %add3A_128 : vector<16xf32>
          %max3A_132 = arith.maximumf %add3A_128, %mul3A_131 : vector<16xf32>
          %mul3A_133 = arith.mulf %gather3A_127, %max3A_132 : vector<16xf32>
          %add3A_134 = arith.addf %scan3A_86, %mul3A_133 : vector<16xf32>
          %mul3A_135 = arith.constant 8 : i32
          %mul3A_136 = arith.muli %scan3A_83, %mul3A_135 : i32
          %add3A_137 = arith.constant 3 : i32
          %add3A_138 = arith.addi %mul3A_136, %add3A_137 : i32
          %broadcast_in_dim3A_139 = vector.broadcast %add3A_138 : i32 to vector<16xi32>
          %gather3A_140 = tpu.vector_load_idx %arg14[%add3A_47, %broadcast_in_dim3A_139] : memref<128x128xf32, #tpu.memory_space<vmem>>[vector<16xi32>, vector<16xi32>], vector<16xf32>,
          %gather3A_141 = tpu.vector_load_idx %arg15[%add3A_47, %broadcast_in_dim3A_139] : memref<128x128xf32, #tpu.memory_space<vmem>>[vector<16xi32>, vector<16xi32>], vector<16xf32>,
          %gather3A_142 = tpu.vector_load_idx %arg16[%broadcast_in_dim3A_139] : memref<128xf32, #tpu.memory_space<vmem>>[vector<16xi32>], vector<16xf32>,
          %add3A_143 = arith.addf %gather3A_140, %gather3A_141 : vector<16xf32>
          %mul3A_144 = arith.constant 2.000000e-01 : f32
          %mul3A_145 = vector.broadcast %mul3A_144 : f32 to vector<16xf32>
          %mul3A_146 = arith.mulf %mul3A_145, %add3A_143 : vector<16xf32>
          %max3A_147 = arith.maximumf %add3A_143, %mul3A_146 : vector<16xf32>
          %mul3A_148 = arith.mulf %gather3A_142, %max3A_147 : vector<16xf32>
          %add3A_149 = arith.addf %scan3A_87, %mul3A_148 : vector<16xf32>
          %mul3A_150 = arith.constant 8 : i32
          %mul3A_151 = arith.muli %scan3A_83, %mul3A_150 : i32
          %add3A_152 = arith.constant 4 : i32
          %add3A_153 = arith.addi %mul3A_151, %add3A_152 : i32
          %broadcast_in_dim3A_154 = vector.broadcast %add3A_153 : i32 to vector<16xi32>
          %gather3A_155 = tpu.vector_load_idx %arg14[%add3A_47, %broadcast_in_dim3A_154] : memref<128x128xf32, #tpu.memory_space<vmem>>[vector<16xi32>, vector<16xi32>], vector<16xf32>,
          %gather3A_156 = tpu.vector_load_idx %arg15[%add3A_47, %broadcast_in_dim3A_154] : memref<128x128xf32, #tpu.memory_space<vmem>>[vector<16xi32>, vector<16xi32>], vector<16xf32>,
          %gather3A_157 = tpu.vector_load_idx %arg16[%broadcast_in_dim3A_154] : memref<128xf32, #tpu.memory_space<vmem>>[vector<16xi32>], vector<16xf32>,
          %add3A_158 = arith.addf %gather3A_155, %gather3A_156 : vector<16xf32>
          %mul3A_159 = arith.constant 2.000000e-01 : f32
          %mul3A_160 = vector.broadcast %mul3A_159 : f32 to vector<16xf32>
          %mul3A_161 = arith.mulf %mul3A_160, %add3A_158 : vector<16xf32>
          %max3A_162 = arith.maximumf %add3A_158, %mul3A_161 : vector<16xf32>
          %mul3A_163 = arith.mulf %gather3A_157, %max3A_162 : vector<16xf32>
          %add3A_164 = arith.addf %scan3A_88, %mul3A_163 : vector<16xf32>
          %mul3A_165 = arith.constant 8 : i32
          %mul3A_166 = arith.muli %scan3A_83, %mul3A_165 : i32
          %add3A_167 = arith.constant 5 : i32
          %add3A_168 = arith.addi %mul3A_166, %add3A_167 : i32
          %broadcast_in_dim3A_169 = vector.broadcast %add3A_168 : i32 to vector<16xi32>
          %gather3A_170 = tpu.vector_load_idx %arg14[%add3A_47, %broadcast_in_dim3A_169] : memref<128x128xf32, #tpu.memory_space<vmem>>[vector<16xi32>, vector<16xi32>], vector<16xf32>,
          %gather3A_171 = tpu.vector_load_idx %arg15[%add3A_47, %broadcast_in_dim3A_169] : memref<128x128xf32, #tpu.memory_space<vmem>>[vector<16xi32>, vector<16xi32>], vector<16xf32>,
          %gather3A_172 = tpu.vector_load_idx %arg16[%broadcast_in_dim3A_169] : memref<128xf32, #tpu.memory_space<vmem>>[vector<16xi32>], vector<16xf32>,
          %add3A_173 = arith.addf %gather3A_170, %gather3A_171 : vector<16xf32>
          %mul3A_174 = arith.constant 2.000000e-01 : f32
          %mul3A_175 = vector.broadcast %mul3A_174 : f32 to vector<16xf32>
          %mul3A_176 = arith.mulf %mul3A_175, %add3A_173 : vector<16xf32>
          %max3A_177 = arith.maximumf %add3A_173, %mul3A_176 : vector<16xf32>
          %mul3A_178 = arith.mulf %gather3A_172, %max3A_177 : vector<16xf32>
          %add3A_179 = arith.addf %scan3A_89, %mul3A_178 : vector<16xf32>
          %mul3A_180 = arith.constant 8 : i32
          %mul3A_181 = arith.muli %scan3A_83, %mul3A_180 : i32
          %add3A_182 = arith.constant 6 : i32
          %add3A_183 = arith.addi %mul3A_181, %add3A_182 : i32
          %broadcast_in_dim3A_184 = vector.broadcast %add3A_183 : i32 to vector<16xi32>
          %gather3A_185 = tpu.vector_load_idx %arg14[%add3A_47, %broadcast_in_dim3A_184] : memref<128x128xf32, #tpu.memory_space<vmem>>[vector<16xi32>, vector<16xi32>], vector<16xf32>,
          %gather3A_186 = tpu.vector_load_idx %arg15[%add3A_47, %broadcast_in_dim3A_184] : memref<128x128xf32, #tpu.memory_space<vmem>>[vector<16xi32>, vector<16xi32>], vector<16xf32>,
          %gather3A_187 = tpu.vector_load_idx %arg16[%broadcast_in_dim3A_184] : memref<128xf32, #tpu.memory_space<vmem>>[vector<16xi32>], vector<16xf32>,
          %add3A_188 = arith.addf %gather3A_185, %gather3A_186 : vector<16xf32>
          %mul3A_189 = arith.constant 2.000000e-01 : f32
          %mul3A_190 = vector.broadcast %mul3A_189 : f32 to vector<16xf32>
          %mul3A_191 = arith.mulf %mul3A_190, %add3A_188 : vector<16xf32>
          %max3A_192 = arith.maximumf %add3A_188, %mul3A_191 : vector<16xf32>
          %mul3A_193 = arith.mulf %gather3A_187, %max3A_192 : vector<16xf32>
          %add3A_194 = arith.addf %scan3A_90, %mul3A_193 : vector<16xf32>
          %mul3A_195 = arith.constant 8 : i32
          %mul3A_196 = arith.muli %scan3A_83, %mul3A_195 : i32
          %add3A_197 = arith.constant 7 : i32
          %add3A_198 = arith.addi %mul3A_196, %add3A_197 : i32
          %broadcast_in_dim3A_199 = vector.broadcast %add3A_198 : i32 to vector<16xi32>
          %gather3A_200 = tpu.vector_load_idx %arg14[%add3A_47, %broadcast_in_dim3A_199] : memref<128x128xf32, #tpu.memory_space<vmem>>[vector<16xi32>, vector<16xi32>], vector<16xf32>,
          %gather3A_201 = tpu.vector_load_idx %arg15[%add3A_47, %broadcast_in_dim3A_199] : memref<128x128xf32, #tpu.memory_space<vmem>>[vector<16xi32>, vector<16xi32>], vector<16xf32>,
          %gather3A_202 = tpu.vector_load_idx %arg16[%broadcast_in_dim3A_199] : memref<128xf32, #tpu.memory_space<vmem>>[vector<16xi32>], vector<16xf32>,
          %add3A_203 = arith.addf %gather3A_200, %gather3A_201 : vector<16xf32>
          %mul3A_204 = arith.constant 2.000000e-01 : f32
          %mul3A_205 = vector.broadcast %mul3A_204 : f32 to vector<16xf32>
          %mul3A_206 = arith.mulf %mul3A_205, %add3A_203 : vector<16xf32>
          %max3A_207 = arith.maximumf %add3A_203, %mul3A_206 : vector<16xf32>
          %mul3A_208 = arith.mulf %gather3A_202, %max3A_207 : vector<16xf32>
          %add3A_209 = arith.addf %scan3A_91, %mul3A_208 : vector<16xf32>
          scf.yield %add3A_104, %add3A_119, %add3A_134, %add3A_149, %add3A_164, %add3A_179, %add3A_194, %add3A_209 : vector<16xf32>, vector<16xf32>, vector<16xf32>, vector<16xf32>, vector<16xf32>, vector<16xf32>, vector<16xf32>, vector<16xf32>
        }
        %scan3A_68 = arith.constant 16 : i32
        %add3A_69 = arith.addf %scan3A_67#0, %scan3A_67#1 : vector<16xf32>
        %add3A_70 = arith.addf %scan3A_67#2, %scan3A_67#3 : vector<16xf32>
        %add3A_71 = arith.addf %add3A_69, %add3A_70 : vector<16xf32>
        %add3A_72 = arith.addf %scan3A_67#4, %scan3A_67#5 : vector<16xf32>
        %add3A_73 = arith.addf %scan3A_67#6, %scan3A_67#7 : vector<16xf32>
        %add3A_74 = arith.addf %add3A_72, %add3A_73 : vector<16xf32>
        %add3A_75 = arith.addf %add3A_71, %add3A_74 : vector<16xf32>
        %exp3A = math.exp %add3A_75 : vector<16xf32>
        %get3A = arith.index_cast %mul3A_45 : i32 to index
        %get3A_76 = tpu.vector_load %arg13[%get3A] {strides = array<i32>} : memref<128xi32, #tpu.memory_space<vmem>>, vector<16xi32>,
        tpu.vector_store_idx %arg11[%get3A_76], %exp3A {add = true} : memref<10240xf32, #tpu.memory_space<vmem>>[vector<16xi32>], vector<16xf32>,
        %scan3A_77 = arith.constant 0 : i32
        %scan3A_78 = arith.constant 0 : i32
        %scan3A_79 = arith.constant 32 : i32
        %scan3A_80 = arith.addi %scan3A_78, %scan3A_79 : i32
        %scan3A_81 = arith.constant 1 : i32
        scf.for %scan3A_83 = %scan3A_78 to %scan3A_80 step %scan3A_81  : i32 {
          %mul3A_84 = arith.constant 4 : i32
          %mul3A_85 = arith.muli %scan3A_83, %mul3A_84 : i32
          %add3A_86 = arith.constant 0 : i32
          %add3A_87 = arith.addi %mul3A_85, %add3A_86 : i32
          %broadcast_in_dim3A_88 = vector.broadcast %add3A_87 : i32 to vector<16xi32>
          %gather3A = tpu.vector_load_idx %arg14[%add3A_47, %broadcast_in_dim3A_88] : memref<128x128xf32, #tpu.memory_space<vmem>>[vector<16xi32>, vector<16xi32>], vector<16xf32>,
          %mul3A_89 = arith.mulf %gather3A, %exp3A : vector<16xf32>
          tpu.vector_store_idx %arg14[%add3A_47, %broadcast_in_dim3A_88], %mul3A_89 : memref<128x128xf32, #tpu.memory_space<vmem>>[vector<16xi32>, vector<16xi32>], vector<16xf32>,
          %mul3A_90 = arith.constant 4 : i32
          %mul3A_91 = arith.muli %scan3A_83, %mul3A_90 : i32
          %add3A_92 = arith.constant 1 : i32
          %add3A_93 = arith.addi %mul3A_91, %add3A_92 : i32
          %broadcast_in_dim3A_94 = vector.broadcast %add3A_93 : i32 to vector<16xi32>
          %gather3A_95 = tpu.vector_load_idx %arg14[%add3A_47, %broadcast_in_dim3A_94] : memref<128x128xf32, #tpu.memory_space<vmem>>[vector<16xi32>, vector<16xi32>], vector<16xf32>,
          %mul3A_96 = arith.mulf %gather3A_95, %exp3A : vector<16xf32>
          tpu.vector_store_idx %arg14[%add3A_47, %broadcast_in_dim3A_94], %mul3A_96 : memref<128x128xf32, #tpu.memory_space<vmem>>[vector<16xi32>, vector<16xi32>], vector<16xf32>,
          %mul3A_97 = arith.constant 4 : i32
          %mul3A_98 = arith.muli %scan3A_83, %mul3A_97 : i32
          %add3A_99 = arith.constant 2 : i32
          %add3A_100 = arith.addi %mul3A_98, %add3A_99 : i32
          %broadcast_in_dim3A_101 = vector.broadcast %add3A_100 : i32 to vector<16xi32>
          %gather3A_102 = tpu.vector_load_idx %arg14[%add3A_47, %broadcast_in_dim3A_101] : memref<128x128xf32, #tpu.memory_space<vmem>>[vector<16xi32>, vector<16xi32>], vector<16xf32>,
          %mul3A_103 = arith.mulf %gather3A_102, %exp3A : vector<16xf32>
          tpu.vector_store_idx %arg14[%add3A_47, %broadcast_in_dim3A_101], %mul3A_103 : memref<128x128xf32, #tpu.memory_space<vmem>>[vector<16xi32>, vector<16xi32>], vector<16xf32>,
          %mul3A_104 = arith.constant 4 : i32
          %mul3A_105 = arith.muli %scan3A_83, %mul3A_104 : i32
          %add3A_106 = arith.constant 3 : i32
          %add3A_107 = arith.addi %mul3A_105, %add3A_106 : i32
          %broadcast_in_dim3A_108 = vector.broadcast %add3A_107 : i32 to vector<16xi32>
          %gather3A_109 = tpu.vector_load_idx %arg14[%add3A_47, %broadcast_in_dim3A_108] : memref<128x128xf32, #tpu.memory_space<vmem>>[vector<16xi32>, vector<16xi32>], vector<16xf32>,
          %mul3A_110 = arith.mulf %gather3A_109, %exp3A : vector<16xf32>
          tpu.vector_store_idx %arg14[%add3A_47, %broadcast_in_dim3A_108], %mul3A_110 : memref<128x128xf32, #tpu.memory_space<vmem>>[vector<16xi32>, vector<16xi32>], vector<16xf32>,
        }
        %scan3A_82 = arith.constant 32 : i32
      }
      %scan3A_42 = arith.constant 8 : i32
      "tpu.region"() ({
        %run_scoped3A = tpu.sem_alloc : memref<!tpu.dma_semaphore, #tpu.memory_space<semaphore_mem>>
        %dma_start3A_43 = arith.constant 0 : i32
        %dma_start3A_44 = arith.constant 0 : i32
        %dma_start3A_45 = tpu.memref_slice %arg10[%dma_start3A_43, %dma_start3A_44] : memref<10240x128xf32, #tpu.memory_space<vmem_shared>> -> memref<10240x128xf32, #tpu.memory_space<vmem_shared>>
        tpu.enqueue_indirect_dma source(%arg14 : memref<128x128xf32, #tpu.memory_space<vmem>>) target(%dma_start3A_45 : memref<10240x128xf32, #tpu.memory_space<vmem_shared>>) offsets(%arg13 : memref<128xi32, #tpu.memory_space<vmem>>) semaphore(%run_scoped3A : memref<!tpu.dma_semaphore, #tpu.memory_space<semaphore_mem>>) {add = true}
        %dma_wait3A_46 = arith.constant 0 : i32
        %dma_wait3A_47 = arith.constant 0 : i32
        %dma_wait3A_48 = tpu.memref_slice %arg10[%dma_wait3A_46, %dma_wait3A_47] : memref<10240x128xf32, #tpu.memory_space<vmem_shared>> -> memref<10240x128xf32, #tpu.memory_space<vmem_shared>>
        tpu.wait_indirect_dma semaphore(%run_scoped3A : memref<!tpu.dma_semaphore, #tpu.memory_space<semaphore_mem>>) src(%arg14 : memref<128x128xf32, #tpu.memory_space<vmem>>) dst(%dma_wait3A_48 : memref<10240x128xf32, #tpu.memory_space<vmem_shared>>)
        tpu.yield
      }) : () -> ()
    }
    %scan3A_15 = arith.constant 81 : i32
    %barrier3A_16 = arith.constant 0 : index
    tpu.barrier barrier_id(%barrier3A_16)
    "tpu.region"() ({
      %run_scoped3A = tpu.sem_alloc : memref<!tpu.dma_semaphore, #tpu.memory_space<semaphore_mem>>
      %dma_start3A = arith.constant 0 : i32
      %dma_start3A_21 = tpu.memref_slice %arg9[%add3A, %dma_start3A] : memref<32x10240xf32, #tpu.memory_space<hbm>> -> memref<1x10240xf32, #tpu.memory_space<hbm>>
      %dma_start3A_22 = tpu.memref_squeeze %dma_start3A_21 : memref<1x10240xf32, #tpu.memory_space<hbm>> -> memref<10240xf32, #tpu.memory_space<hbm>>
      %dma_start3A_23 = arith.constant 0 : i32
      %dma_start3A_24 = tpu.memref_slice %arg9[%add3A, %dma_start3A_23] : memref<32x10240xf32, #tpu.memory_space<hbm>> -> memref<1x10240xf32, #tpu.memory_space<hbm>>
      %dma_start3A_25 = tpu.memref_squeeze %dma_start3A_24 : memref<1x10240xf32, #tpu.memory_space<hbm>> -> memref<10240xf32, #tpu.memory_space<hbm>>
      tpu.enqueue_dma source(%arg11 : memref<10240xf32, #tpu.memory_space<vmem>>) target(%dma_start3A_25 : memref<10240xf32, #tpu.memory_space<hbm>>) target_semaphore(%run_scoped3A : memref<!tpu.dma_semaphore, #tpu.memory_space<semaphore_mem>>)
      %dma_wait3A = arith.constant 0 : i32
      %dma_wait3A_26 = tpu.memref_slice %arg9[%add3A, %dma_wait3A] : memref<32x10240xf32, #tpu.memory_space<hbm>> -> memref<1x10240xf32, #tpu.memory_space<hbm>>
      %dma_wait3A_27 = tpu.memref_squeeze %dma_wait3A_26 : memref<1x10240xf32, #tpu.memory_space<hbm>> -> memref<10240xf32, #tpu.memory_space<hbm>>
      %dma_wait3A_28 = arith.constant 0 : i32
      %dma_wait3A_29 = tpu.memref_slice %arg9[%add3A, %dma_wait3A_28] : memref<32x10240xf32, #tpu.memory_space<hbm>> -> memref<1x10240xf32, #tpu.memory_space<hbm>>
      %dma_wait3A_30 = tpu.memref_squeeze %dma_wait3A_29 : memref<1x10240xf32, #tpu.memory_space<hbm>> -> memref<10240xf32, #tpu.memory_space<hbm>>
      tpu.wait_dma2 semaphore(%run_scoped3A : memref<!tpu.dma_semaphore, #tpu.memory_space<semaphore_mem>>) src(%arg11 : memref<10240xf32, #tpu.memory_space<vmem>>) dst(%dma_wait3A_30 : memref<10240xf32, #tpu.memory_space<hbm>>)
      tpu.yield
    }) : () -> ()
    %mul3A_17 = arith.constant 640 : i32
    %mul3A_18 = arith.muli %arg1, %mul3A_17 : i32
    %mul3A_19 = arith.constant 640 : i32
    %mul3A_20 = arith.muli %arg1, %mul3A_19 : i32
    "tpu.region"() ({
      %run_scoped3A = tpu.sem_alloc : memref<!tpu.dma_semaphore, #tpu.memory_space<semaphore_mem>>
      %dma_start3A = arith.constant 0 : i32
      %dma_start3A_21 = tpu.memref_slice %arg8[%arg0, %mul3A_20, %dma_start3A] : memref<2x10240x128xf32, #tpu.memory_space<hbm>> -> memref<1x640x128xf32, #tpu.memory_space<hbm>>
      %dma_start3A_22 = tpu.memref_squeeze %dma_start3A_21 : memref<1x640x128xf32, #tpu.memory_space<hbm>> -> memref<640x128xf32, #tpu.memory_space<hbm>>
      %dma_start3A_23 = arith.constant 0 : i32
      %dma_start3A_24 = tpu.memref_slice %arg10[%mul3A_18, %dma_start3A_23] : memref<10240x128xf32, #tpu.memory_space<vmem_shared>> -> memref<640x128xf32, #tpu.memory_space<vmem_shared>>
      tpu.enqueue_dma source(%dma_start3A_24 : memref<640x128xf32, #tpu.memory_space<vmem_shared>>) target(%dma_start3A_22 : memref<640x128xf32, #tpu.memory_space<hbm>>) target_semaphore(%run_scoped3A : memref<!tpu.dma_semaphore, #tpu.memory_space<semaphore_mem>>)
      %dma_wait3A = arith.constant 0 : i32
      %dma_wait3A_25 = tpu.memref_slice %arg8[%arg0, %mul3A_20, %dma_wait3A] : memref<2x10240x128xf32, #tpu.memory_space<hbm>> -> memref<1x640x128xf32, #tpu.memory_space<hbm>>
      %dma_wait3A_26 = tpu.memref_squeeze %dma_wait3A_25 : memref<1x640x128xf32, #tpu.memory_space<hbm>> -> memref<640x128xf32, #tpu.memory_space<hbm>>
      %dma_wait3A_27 = arith.constant 0 : i32
      %dma_wait3A_28 = tpu.memref_slice %arg10[%mul3A_18, %dma_wait3A_27] : memref<10240x128xf32, #tpu.memory_space<vmem_shared>> -> memref<640x128xf32, #tpu.memory_space<vmem_shared>>
      tpu.wait_dma2 semaphore(%run_scoped3A : memref<!tpu.dma_semaphore, #tpu.memory_space<semaphore_mem>>) src(%dma_wait3A_28 : memref<640x128xf32, #tpu.memory_space<vmem_shared>>) dst(%dma_wait3A_26 : memref<640x128xf32, #tpu.memory_space<hbm>>)
      tpu.yield
    }) : () -> ()
    return
  }
}

#map = affine_map<(d0, d1) -> (0)>
#map1 = affine_map<(d0, d1) -> (0, 0)>
#map2 = affine_map<(d0, d1) -> (0, 0, 0)>
module attributes {stable_mosaic.version = 14 : i64} {
  func.func @sc_edge(%arg0: i32, %arg1: i32, %arg2: memref<331776xi32, #tpu.memory_space<hbm>>, %arg3: memref<331776xi32, #tpu.memory_space<hbm>>, %arg4: memref<10240x128xf32, #tpu.memory_space<hbm>>, %arg5: memref<10240x128xf32, #tpu.memory_space<hbm>>, %arg6: memref<128xf32, #tpu.memory_space<hbm>>, %arg7: memref<10240x128xf32, #tpu.memory_space<hbm>>, %arg8: memref<2x10240x128xf32, #tpu.memory_space<hbm>>, %arg9: memref<32x10240xf32, #tpu.memory_space<hbm>>, %arg10: memref<10240x128xf32, #tpu.memory_space<vmem_shared>>, %arg11: memref<10240xf32, #tpu.memory_space<vmem>>, %arg12: memref<128xi32, #tpu.memory_space<vmem>>, %arg13: memref<128xi32, #tpu.memory_space<vmem>>, %arg14: memref<128x128xf32, #tpu.memory_space<vmem>>, %arg15: memref<128x128xf32, #tpu.memory_space<vmem>>, %arg16: memref<128xf32, #tpu.memory_space<vmem>>, %arg17: memref<!tpu.dma_semaphore, #tpu.memory_space<semaphore_mem>>, %arg18: memref<!tpu.dma_semaphore, #tpu.memory_space<semaphore_mem>>) attributes {dimension_semantics = [#tpu.dimension_semantics<core_parallel>, #tpu.dimension_semantics<subcore_parallel>], iteration_bounds = array<i64: 2, 16>, scalar_prefetch = 0 : i64, scratch_operands = 9 : i64, tpu.core_type = #tpu.core_type<sc_vector_subcore>, window_params = [{transform_indices = #map}, {transform_indices = #map}, {transform_indices = #map1}, {transform_indices = #map1}, {transform_indices = #map}, {transform_indices = #map1}, {transform_indices = #map2}, {transform_indices = #map1}]} {
    %mul3A = arith.constant 2 : i32
    %mul3A_0 = arith.muli %arg1, %mul3A : i32
    %add3A = arith.addi %mul3A_0, %arg0 : i32
    "tpu.region"() ({
      %run_scoped3A = tpu.sem_alloc : memref<!tpu.dma_semaphore, #tpu.memory_space<semaphore_mem>>
      tpu.enqueue_dma source(%arg6 : memref<128xf32, #tpu.memory_space<hbm>>) target(%arg16 : memref<128xf32, #tpu.memory_space<vmem>>) target_semaphore(%run_scoped3A : memref<!tpu.dma_semaphore, #tpu.memory_space<semaphore_mem>>)
      tpu.wait_dma2 semaphore(%run_scoped3A : memref<!tpu.dma_semaphore, #tpu.memory_space<semaphore_mem>>) src(%arg6 : memref<128xf32, #tpu.memory_space<hbm>>) dst(%arg16 : memref<128xf32, #tpu.memory_space<vmem>>)
      tpu.yield
    }) : () -> ()
    %mul3A_1 = arith.constant 640 : i32
    %mul3A_2 = arith.muli %arg1, %mul3A_1 : i32
    %mul3A_3 = arith.constant 640 : i32
    %mul3A_4 = arith.muli %arg1, %mul3A_3 : i32
    "tpu.region"() ({
      %run_scoped3A = tpu.sem_alloc : memref<!tpu.dma_semaphore, #tpu.memory_space<semaphore_mem>>
      %dma_start3A = arith.constant 0 : i32
      %dma_start3A_21 = tpu.memref_slice %arg10[%mul3A_4, %dma_start3A] : memref<10240x128xf32, #tpu.memory_space<vmem_shared>> -> memref<640x128xf32, #tpu.memory_space<vmem_shared>>
      %dma_start3A_22 = arith.constant 0 : i32
      %dma_start3A_23 = tpu.memref_slice %arg7[%mul3A_2, %dma_start3A_22] : memref<10240x128xf32, #tpu.memory_space<hbm>> -> memref<640x128xf32, #tpu.memory_space<hbm>>
      tpu.enqueue_dma source(%dma_start3A_23 : memref<640x128xf32, #tpu.memory_space<hbm>>) target(%dma_start3A_21 : memref<640x128xf32, #tpu.memory_space<vmem_shared>>) target_semaphore(%run_scoped3A : memref<!tpu.dma_semaphore, #tpu.memory_space<semaphore_mem>>)
      %dma_wait3A = arith.constant 0 : i32
      %dma_wait3A_24 = tpu.memref_slice %arg10[%mul3A_4, %dma_wait3A] : memref<10240x128xf32, #tpu.memory_space<vmem_shared>> -> memref<640x128xf32, #tpu.memory_space<vmem_shared>>
      %dma_wait3A_25 = arith.constant 0 : i32
      %dma_wait3A_26 = tpu.memref_slice %arg7[%mul3A_2, %dma_wait3A_25] : memref<10240x128xf32, #tpu.memory_space<hbm>> -> memref<640x128xf32, #tpu.memory_space<hbm>>
      tpu.wait_dma2 semaphore(%run_scoped3A : memref<!tpu.dma_semaphore, #tpu.memory_space<semaphore_mem>>) src(%dma_wait3A_26 : memref<640x128xf32, #tpu.memory_space<hbm>>) dst(%dma_wait3A_24 : memref<640x128xf32, #tpu.memory_space<vmem_shared>>)
      tpu.yield
    }) : () -> ()
    %scan3A = arith.constant 0 : i32
    %scan3A_5 = arith.constant 0 : i32
    %scan3A_6 = arith.constant 640 : i32
    %scan3A_7 = arith.addi %scan3A_5, %scan3A_6 : i32
    %scan3A_8 = arith.constant 1 : i32
    scf.for %scan3A_21 = %scan3A_5 to %scan3A_7 step %scan3A_8  : i32 {
      %broadcast_in_dim3A = arith.constant 0.000000e+00 : f32
      %broadcast_in_dim3A_22 = vector.broadcast %broadcast_in_dim3A : f32 to vector<16xf32>
      %mul3A_23 = arith.constant 16 : i32
      %mul3A_24 = arith.muli %scan3A_21, %mul3A_23 : i32
      %swap3A = arith.index_cast %mul3A_24 : i32 to index
      %swap3A_25 = tpu.vector_load %arg11[%swap3A] {strides = array<i32>} : memref<10240xf32, #tpu.memory_space<vmem>>, vector<16xf32>,
      tpu.vector_store %arg11[%swap3A], %broadcast_in_dim3A_22 {strides = array<i32>} : memref<10240xf32, #tpu.memory_space<vmem>>, vector<16xf32>,
    }
    %scan3A_9 = arith.constant 640 : i32
    %barrier3A = arith.constant 0 : index
    tpu.barrier barrier_id(%barrier3A)
    %scan3A_10 = arith.constant 0 : i32
    %scan3A_11 = arith.constant 0 : i32
    %scan3A_12 = arith.constant 81 : i32
    %scan3A_13 = arith.addi %scan3A_11, %scan3A_12 : i32
    %scan3A_14 = arith.constant 1 : i32
    scf.for %scan3A_21 = %scan3A_11 to %scan3A_13 step %scan3A_14  : i32 {
      %mul3A_22 = arith.constant 10368 : i32
      %mul3A_23 = arith.muli %add3A, %mul3A_22 : i32
      %mul3A_24 = arith.constant 128 : i32
      %mul3A_25 = arith.muli %scan3A_21, %mul3A_24 : i32
      %add3A_26 = arith.addi %mul3A_23, %mul3A_25 : i32
      "tpu.region"() ({
        %run_scoped3A = tpu.sem_alloc : memref<!tpu.dma_semaphore, #tpu.memory_space<semaphore_mem>>
        %dma_start3A_43 = tpu.memref_slice %arg2[%add3A_26] : memref<331776xi32, #tpu.memory_space<hbm>> -> memref<128xi32, #tpu.memory_space<hbm>>
        %dma_start3A_44 = tpu.memref_slice %arg2[%add3A_26] : memref<331776xi32, #tpu.memory_space<hbm>> -> memref<128xi32, #tpu.memory_space<hbm>>
        tpu.enqueue_dma source(%dma_start3A_44 : memref<128xi32, #tpu.memory_space<hbm>>) target(%arg12 : memref<128xi32, #tpu.memory_space<vmem>>) target_semaphore(%run_scoped3A : memref<!tpu.dma_semaphore, #tpu.memory_space<semaphore_mem>>)
        %dma_wait3A_45 = tpu.memref_slice %arg2[%add3A_26] : memref<331776xi32, #tpu.memory_space<hbm>> -> memref<128xi32, #tpu.memory_space<hbm>>
        %dma_wait3A_46 = tpu.memref_slice %arg2[%add3A_26] : memref<331776xi32, #tpu.memory_space<hbm>> -> memref<128xi32, #tpu.memory_space<hbm>>
        tpu.wait_dma2 semaphore(%run_scoped3A : memref<!tpu.dma_semaphore, #tpu.memory_space<semaphore_mem>>) src(%dma_wait3A_46 : memref<128xi32, #tpu.memory_space<hbm>>) dst(%arg12 : memref<128xi32, #tpu.memory_space<vmem>>)
        tpu.yield
      }) : () -> ()
      "tpu.region"() ({
        %run_scoped3A = tpu.sem_alloc : memref<!tpu.dma_semaphore, #tpu.memory_space<semaphore_mem>>
        %dma_start3A_43 = tpu.memref_slice %arg3[%add3A_26] : memref<331776xi32, #tpu.memory_space<hbm>> -> memref<128xi32, #tpu.memory_space<hbm>>
        %dma_start3A_44 = tpu.memref_slice %arg3[%add3A_26] : memref<331776xi32, #tpu.memory_space<hbm>> -> memref<128xi32, #tpu.memory_space<hbm>>
        tpu.enqueue_dma source(%dma_start3A_44 : memref<128xi32, #tpu.memory_space<hbm>>) target(%arg13 : memref<128xi32, #tpu.memory_space<vmem>>) target_semaphore(%run_scoped3A : memref<!tpu.dma_semaphore, #tpu.memory_space<semaphore_mem>>)
        %dma_wait3A_45 = tpu.memref_slice %arg3[%add3A_26] : memref<331776xi32, #tpu.memory_space<hbm>> -> memref<128xi32, #tpu.memory_space<hbm>>
        %dma_wait3A_46 = tpu.memref_slice %arg3[%add3A_26] : memref<331776xi32, #tpu.memory_space<hbm>> -> memref<128xi32, #tpu.memory_space<hbm>>
        tpu.wait_dma2 semaphore(%run_scoped3A : memref<!tpu.dma_semaphore, #tpu.memory_space<semaphore_mem>>) src(%dma_wait3A_46 : memref<128xi32, #tpu.memory_space<hbm>>) dst(%arg13 : memref<128xi32, #tpu.memory_space<vmem>>)
        tpu.yield
      }) : () -> ()
      %dma_start3A = arith.constant 0 : i32
      %dma_start3A_27 = arith.constant 0 : i32
      %dma_start3A_28 = tpu.memref_slice %arg4[%dma_start3A, %dma_start3A_27] : memref<10240x128xf32, #tpu.memory_space<hbm>> -> memref<10240x128xf32, #tpu.memory_space<hbm>>
      tpu.enqueue_indirect_dma source(%dma_start3A_28 : memref<10240x128xf32, #tpu.memory_space<hbm>>) target(%arg14 : memref<128x128xf32, #tpu.memory_space<vmem>>) offsets(%arg12 : memref<128xi32, #tpu.memory_space<vmem>>) semaphore(%arg17 : memref<!tpu.dma_semaphore, #tpu.memory_space<semaphore_mem>>)
      %dma_start3A_29 = arith.constant 0 : i32
      %dma_start3A_30 = arith.constant 0 : i32
      %dma_start3A_31 = tpu.memref_slice %arg5[%dma_start3A_29, %dma_start3A_30] : memref<10240x128xf32, #tpu.memory_space<hbm>> -> memref<10240x128xf32, #tpu.memory_space<hbm>>
      tpu.enqueue_indirect_dma source(%dma_start3A_31 : memref<10240x128xf32, #tpu.memory_space<hbm>>) target(%arg15 : memref<128x128xf32, #tpu.memory_space<vmem>>) offsets(%arg13 : memref<128xi32, #tpu.memory_space<vmem>>) semaphore(%arg18 : memref<!tpu.dma_semaphore, #tpu.memory_space<semaphore_mem>>)
      %dma_wait3A = arith.constant 0 : i32
      %dma_wait3A_32 = arith.constant 0 : i32
      %dma_wait3A_33 = tpu.memref_slice %arg4[%dma_wait3A, %dma_wait3A_32] : memref<10240x128xf32, #tpu.memory_space<hbm>> -> memref<10240x128xf32, #tpu.memory_space<hbm>>
      tpu.wait_indirect_dma semaphore(%arg17 : memref<!tpu.dma_semaphore, #tpu.memory_space<semaphore_mem>>) src(%dma_wait3A_33 : memref<10240x128xf32, #tpu.memory_space<hbm>>) dst(%arg14 : memref<128x128xf32, #tpu.memory_space<vmem>>)
      %dma_wait3A_34 = arith.constant 0 : i32
      %dma_wait3A_35 = arith.constant 0 : i32
      %dma_wait3A_36 = tpu.memref_slice %arg5[%dma_wait3A_34, %dma_wait3A_35] : memref<10240x128xf32, #tpu.memory_space<hbm>> -> memref<10240x128xf32, #tpu.memory_space<hbm>>
      tpu.wait_indirect_dma semaphore(%arg18 : memref<!tpu.dma_semaphore, #tpu.memory_space<semaphore_mem>>) src(%dma_wait3A_36 : memref<10240x128xf32, #tpu.memory_space<hbm>>) dst(%arg15 : memref<128x128xf32, #tpu.memory_space<vmem>>)
      %iota3A = tpu.iota {dimensions = array<i32: 0>} : vector<16xi32>
      %scan3A_37 = arith.constant 0 : i32
      %scan3A_38 = arith.constant 0 : i32
      %scan3A_39 = arith.constant 8 : i32
      %scan3A_40 = arith.addi %scan3A_38, %scan3A_39 : i32
      %scan3A_41 = arith.constant 1 : i32
      scf.for %scan3A_43 = %scan3A_38 to %scan3A_40 step %scan3A_41  : i32 {
        %mul3A_44 = arith.constant 16 : i32
        %mul3A_45 = arith.muli %scan3A_43, %mul3A_44 : i32
        %add3A_46 = vector.broadcast %mul3A_45 : i32 to vector<16xi32>
        %add3A_47 = arith.addi %add3A_46, %iota3A : vector<16xi32>
        %broadcast_in_dim3A = arith.constant 0.000000e+00 : f32
        %broadcast_in_dim3A_48 = vector.broadcast %broadcast_in_dim3A : f32 to vector<16xf32>
        %broadcast_in_dim3A_49 = arith.constant 0.000000e+00 : f32
        %broadcast_in_dim3A_50 = vector.broadcast %broadcast_in_dim3A_49 : f32 to vector<16xf32>
        %broadcast_in_dim3A_51 = arith.constant 0.000000e+00 : f32
        %broadcast_in_dim3A_52 = vector.broadcast %broadcast_in_dim3A_51 : f32 to vector<16xf32>
        %broadcast_in_dim3A_53 = arith.constant 0.000000e+00 : f32
        %broadcast_in_dim3A_54 = vector.broadcast %broadcast_in_dim3A_53 : f32 to vector<16xf32>
        %broadcast_in_dim3A_55 = arith.constant 0.000000e+00 : f32
        %broadcast_in_dim3A_56 = vector.broadcast %broadcast_in_dim3A_55 : f32 to vector<16xf32>
        %broadcast_in_dim3A_57 = arith.constant 0.000000e+00 : f32
        %broadcast_in_dim3A_58 = vector.broadcast %broadcast_in_dim3A_57 : f32 to vector<16xf32>
        %broadcast_in_dim3A_59 = arith.constant 0.000000e+00 : f32
        %broadcast_in_dim3A_60 = vector.broadcast %broadcast_in_dim3A_59 : f32 to vector<16xf32>
        %broadcast_in_dim3A_61 = arith.constant 0.000000e+00 : f32
        %broadcast_in_dim3A_62 = vector.broadcast %broadcast_in_dim3A_61 : f32 to vector<16xf32>
        %scan3A_63 = arith.constant 0 : i32
        %scan3A_64 = arith.constant 16 : i32
        %scan3A_65 = arith.addi %scan3A_63, %scan3A_64 : i32
        %scan3A_66 = arith.constant 1 : i32
        %scan3A_67:8 = scf.for %scan3A_83 = %scan3A_63 to %scan3A_65 step %scan3A_66 iter_args(%scan3A_84 = %broadcast_in_dim3A_48, %scan3A_85 = %broadcast_in_dim3A_50, %scan3A_86 = %broadcast_in_dim3A_52, %scan3A_87 = %broadcast_in_dim3A_54, %scan3A_88 = %broadcast_in_dim3A_56, %scan3A_89 = %broadcast_in_dim3A_58, %scan3A_90 = %broadcast_in_dim3A_60, %scan3A_91 = %broadcast_in_dim3A_62) -> (vector<16xf32>, vector<16xf32>, vector<16xf32>, vector<16xf32>, vector<16xf32>, vector<16xf32>, vector<16xf32>, vector<16xf32>)  : i32 {
          %mul3A_92 = arith.constant 8 : i32
          %mul3A_93 = arith.muli %scan3A_83, %mul3A_92 : i32
          %add3A_94 = arith.constant 0 : i32
          %add3A_95 = arith.addi %mul3A_93, %add3A_94 : i32
          %broadcast_in_dim3A_96 = vector.broadcast %add3A_95 : i32 to vector<16xi32>
          %gather3A = tpu.vector_load_idx %arg14[%add3A_47, %broadcast_in_dim3A_96] : memref<128x128xf32, #tpu.memory_space<vmem>>[vector<16xi32>, vector<16xi32>], vector<16xf32>,
          %gather3A_97 = tpu.vector_load_idx %arg15[%add3A_47, %broadcast_in_dim3A_96] : memref<128x128xf32, #tpu.memory_space<vmem>>[vector<16xi32>, vector<16xi32>], vector<16xf32>,
          %gather3A_98 = tpu.vector_load_idx %arg16[%broadcast_in_dim3A_96] : memref<128xf32, #tpu.memory_space<vmem>>[vector<16xi32>], vector<16xf32>,
          %add3A_99 = arith.addf %gather3A, %gather3A_97 : vector<16xf32>
          %mul3A_100 = arith.constant 2.000000e-01 : f32
          %mul3A_101 = vector.broadcast %mul3A_100 : f32 to vector<16xf32>
          %mul3A_102 = arith.mulf %mul3A_101, %add3A_99 : vector<16xf32>
          %max3A = arith.maximumf %add3A_99, %mul3A_102 : vector<16xf32>
          %mul3A_103 = arith.mulf %gather3A_98, %max3A : vector<16xf32>
          %add3A_104 = arith.addf %scan3A_84, %mul3A_103 : vector<16xf32>
          %mul3A_105 = arith.constant 8 : i32
          %mul3A_106 = arith.muli %scan3A_83, %mul3A_105 : i32
          %add3A_107 = arith.constant 1 : i32
          %add3A_108 = arith.addi %mul3A_106, %add3A_107 : i32
          %broadcast_in_dim3A_109 = vector.broadcast %add3A_108 : i32 to vector<16xi32>
          %gather3A_110 = tpu.vector_load_idx %arg14[%add3A_47, %broadcast_in_dim3A_109] : memref<128x128xf32, #tpu.memory_space<vmem>>[vector<16xi32>, vector<16xi32>], vector<16xf32>,
          %gather3A_111 = tpu.vector_load_idx %arg15[%add3A_47, %broadcast_in_dim3A_109] : memref<128x128xf32, #tpu.memory_space<vmem>>[vector<16xi32>, vector<16xi32>], vector<16xf32>,
          %gather3A_112 = tpu.vector_load_idx %arg16[%broadcast_in_dim3A_109] : memref<128xf32, #tpu.memory_space<vmem>>[vector<16xi32>], vector<16xf32>,
          %add3A_113 = arith.addf %gather3A_110, %gather3A_111 : vector<16xf32>
          %mul3A_114 = arith.constant 2.000000e-01 : f32
          %mul3A_115 = vector.broadcast %mul3A_114 : f32 to vector<16xf32>
          %mul3A_116 = arith.mulf %mul3A_115, %add3A_113 : vector<16xf32>
          %max3A_117 = arith.maximumf %add3A_113, %mul3A_116 : vector<16xf32>
          %mul3A_118 = arith.mulf %gather3A_112, %max3A_117 : vector<16xf32>
          %add3A_119 = arith.addf %scan3A_85, %mul3A_118 : vector<16xf32>
          %mul3A_120 = arith.constant 8 : i32
          %mul3A_121 = arith.muli %scan3A_83, %mul3A_120 : i32
          %add3A_122 = arith.constant 2 : i32
          %add3A_123 = arith.addi %mul3A_121, %add3A_122 : i32
          %broadcast_in_dim3A_124 = vector.broadcast %add3A_123 : i32 to vector<16xi32>
          %gather3A_125 = tpu.vector_load_idx %arg14[%add3A_47, %broadcast_in_dim3A_124] : memref<128x128xf32, #tpu.memory_space<vmem>>[vector<16xi32>, vector<16xi32>], vector<16xf32>,
          %gather3A_126 = tpu.vector_load_idx %arg15[%add3A_47, %broadcast_in_dim3A_124] : memref<128x128xf32, #tpu.memory_space<vmem>>[vector<16xi32>, vector<16xi32>], vector<16xf32>,
          %gather3A_127 = tpu.vector_load_idx %arg16[%broadcast_in_dim3A_124] : memref<128xf32, #tpu.memory_space<vmem>>[vector<16xi32>], vector<16xf32>,
          %add3A_128 = arith.addf %gather3A_125, %gather3A_126 : vector<16xf32>
          %mul3A_129 = arith.constant 2.000000e-01 : f32
          %mul3A_130 = vector.broadcast %mul3A_129 : f32 to vector<16xf32>
          %mul3A_131 = arith.mulf %mul3A_130, %add3A_128 : vector<16xf32>
          %max3A_132 = arith.maximumf %add3A_128, %mul3A_131 : vector<16xf32>
          %mul3A_133 = arith.mulf %gather3A_127, %max3A_132 : vector<16xf32>
          %add3A_134 = arith.addf %scan3A_86, %mul3A_133 : vector<16xf32>
          %mul3A_135 = arith.constant 8 : i32
          %mul3A_136 = arith.muli %scan3A_83, %mul3A_135 : i32
          %add3A_137 = arith.constant 3 : i32
          %add3A_138 = arith.addi %mul3A_136, %add3A_137 : i32
          %broadcast_in_dim3A_139 = vector.broadcast %add3A_138 : i32 to vector<16xi32>
          %gather3A_140 = tpu.vector_load_idx %arg14[%add3A_47, %broadcast_in_dim3A_139] : memref<128x128xf32, #tpu.memory_space<vmem>>[vector<16xi32>, vector<16xi32>], vector<16xf32>,
          %gather3A_141 = tpu.vector_load_idx %arg15[%add3A_47, %broadcast_in_dim3A_139] : memref<128x128xf32, #tpu.memory_space<vmem>>[vector<16xi32>, vector<16xi32>], vector<16xf32>,
          %gather3A_142 = tpu.vector_load_idx %arg16[%broadcast_in_dim3A_139] : memref<128xf32, #tpu.memory_space<vmem>>[vector<16xi32>], vector<16xf32>,
          %add3A_143 = arith.addf %gather3A_140, %gather3A_141 : vector<16xf32>
          %mul3A_144 = arith.constant 2.000000e-01 : f32
          %mul3A_145 = vector.broadcast %mul3A_144 : f32 to vector<16xf32>
          %mul3A_146 = arith.mulf %mul3A_145, %add3A_143 : vector<16xf32>
          %max3A_147 = arith.maximumf %add3A_143, %mul3A_146 : vector<16xf32>
          %mul3A_148 = arith.mulf %gather3A_142, %max3A_147 : vector<16xf32>
          %add3A_149 = arith.addf %scan3A_87, %mul3A_148 : vector<16xf32>
          %mul3A_150 = arith.constant 8 : i32
          %mul3A_151 = arith.muli %scan3A_83, %mul3A_150 : i32
          %add3A_152 = arith.constant 4 : i32
          %add3A_153 = arith.addi %mul3A_151, %add3A_152 : i32
          %broadcast_in_dim3A_154 = vector.broadcast %add3A_153 : i32 to vector<16xi32>
          %gather3A_155 = tpu.vector_load_idx %arg14[%add3A_47, %broadcast_in_dim3A_154] : memref<128x128xf32, #tpu.memory_space<vmem>>[vector<16xi32>, vector<16xi32>], vector<16xf32>,
          %gather3A_156 = tpu.vector_load_idx %arg15[%add3A_47, %broadcast_in_dim3A_154] : memref<128x128xf32, #tpu.memory_space<vmem>>[vector<16xi32>, vector<16xi32>], vector<16xf32>,
          %gather3A_157 = tpu.vector_load_idx %arg16[%broadcast_in_dim3A_154] : memref<128xf32, #tpu.memory_space<vmem>>[vector<16xi32>], vector<16xf32>,
          %add3A_158 = arith.addf %gather3A_155, %gather3A_156 : vector<16xf32>
          %mul3A_159 = arith.constant 2.000000e-01 : f32
          %mul3A_160 = vector.broadcast %mul3A_159 : f32 to vector<16xf32>
          %mul3A_161 = arith.mulf %mul3A_160, %add3A_158 : vector<16xf32>
          %max3A_162 = arith.maximumf %add3A_158, %mul3A_161 : vector<16xf32>
          %mul3A_163 = arith.mulf %gather3A_157, %max3A_162 : vector<16xf32>
          %add3A_164 = arith.addf %scan3A_88, %mul3A_163 : vector<16xf32>
          %mul3A_165 = arith.constant 8 : i32
          %mul3A_166 = arith.muli %scan3A_83, %mul3A_165 : i32
          %add3A_167 = arith.constant 5 : i32
          %add3A_168 = arith.addi %mul3A_166, %add3A_167 : i32
          %broadcast_in_dim3A_169 = vector.broadcast %add3A_168 : i32 to vector<16xi32>
          %gather3A_170 = tpu.vector_load_idx %arg14[%add3A_47, %broadcast_in_dim3A_169] : memref<128x128xf32, #tpu.memory_space<vmem>>[vector<16xi32>, vector<16xi32>], vector<16xf32>,
          %gather3A_171 = tpu.vector_load_idx %arg15[%add3A_47, %broadcast_in_dim3A_169] : memref<128x128xf32, #tpu.memory_space<vmem>>[vector<16xi32>, vector<16xi32>], vector<16xf32>,
          %gather3A_172 = tpu.vector_load_idx %arg16[%broadcast_in_dim3A_169] : memref<128xf32, #tpu.memory_space<vmem>>[vector<16xi32>], vector<16xf32>,
          %add3A_173 = arith.addf %gather3A_170, %gather3A_171 : vector<16xf32>
          %mul3A_174 = arith.constant 2.000000e-01 : f32
          %mul3A_175 = vector.broadcast %mul3A_174 : f32 to vector<16xf32>
          %mul3A_176 = arith.mulf %mul3A_175, %add3A_173 : vector<16xf32>
          %max3A_177 = arith.maximumf %add3A_173, %mul3A_176 : vector<16xf32>
          %mul3A_178 = arith.mulf %gather3A_172, %max3A_177 : vector<16xf32>
          %add3A_179 = arith.addf %scan3A_89, %mul3A_178 : vector<16xf32>
          %mul3A_180 = arith.constant 8 : i32
          %mul3A_181 = arith.muli %scan3A_83, %mul3A_180 : i32
          %add3A_182 = arith.constant 6 : i32
          %add3A_183 = arith.addi %mul3A_181, %add3A_182 : i32
          %broadcast_in_dim3A_184 = vector.broadcast %add3A_183 : i32 to vector<16xi32>
          %gather3A_185 = tpu.vector_load_idx %arg14[%add3A_47, %broadcast_in_dim3A_184] : memref<128x128xf32, #tpu.memory_space<vmem>>[vector<16xi32>, vector<16xi32>], vector<16xf32>,
          %gather3A_186 = tpu.vector_load_idx %arg15[%add3A_47, %broadcast_in_dim3A_184] : memref<128x128xf32, #tpu.memory_space<vmem>>[vector<16xi32>, vector<16xi32>], vector<16xf32>,
          %gather3A_187 = tpu.vector_load_idx %arg16[%broadcast_in_dim3A_184] : memref<128xf32, #tpu.memory_space<vmem>>[vector<16xi32>], vector<16xf32>,
          %add3A_188 = arith.addf %gather3A_185, %gather3A_186 : vector<16xf32>
          %mul3A_189 = arith.constant 2.000000e-01 : f32
          %mul3A_190 = vector.broadcast %mul3A_189 : f32 to vector<16xf32>
          %mul3A_191 = arith.mulf %mul3A_190, %add3A_188 : vector<16xf32>
          %max3A_192 = arith.maximumf %add3A_188, %mul3A_191 : vector<16xf32>
          %mul3A_193 = arith.mulf %gather3A_187, %max3A_192 : vector<16xf32>
          %add3A_194 = arith.addf %scan3A_90, %mul3A_193 : vector<16xf32>
          %mul3A_195 = arith.constant 8 : i32
          %mul3A_196 = arith.muli %scan3A_83, %mul3A_195 : i32
          %add3A_197 = arith.constant 7 : i32
          %add3A_198 = arith.addi %mul3A_196, %add3A_197 : i32
          %broadcast_in_dim3A_199 = vector.broadcast %add3A_198 : i32 to vector<16xi32>
          %gather3A_200 = tpu.vector_load_idx %arg14[%add3A_47, %broadcast_in_dim3A_199] : memref<128x128xf32, #tpu.memory_space<vmem>>[vector<16xi32>, vector<16xi32>], vector<16xf32>,
          %gather3A_201 = tpu.vector_load_idx %arg15[%add3A_47, %broadcast_in_dim3A_199] : memref<128x128xf32, #tpu.memory_space<vmem>>[vector<16xi32>, vector<16xi32>], vector<16xf32>,
          %gather3A_202 = tpu.vector_load_idx %arg16[%broadcast_in_dim3A_199] : memref<128xf32, #tpu.memory_space<vmem>>[vector<16xi32>], vector<16xf32>,
          %add3A_203 = arith.addf %gather3A_200, %gather3A_201 : vector<16xf32>
          %mul3A_204 = arith.constant 2.000000e-01 : f32
          %mul3A_205 = vector.broadcast %mul3A_204 : f32 to vector<16xf32>
          %mul3A_206 = arith.mulf %mul3A_205, %add3A_203 : vector<16xf32>
          %max3A_207 = arith.maximumf %add3A_203, %mul3A_206 : vector<16xf32>
          %mul3A_208 = arith.mulf %gather3A_202, %max3A_207 : vector<16xf32>
          %add3A_209 = arith.addf %scan3A_91, %mul3A_208 : vector<16xf32>
          scf.yield %add3A_104, %add3A_119, %add3A_134, %add3A_149, %add3A_164, %add3A_179, %add3A_194, %add3A_209 : vector<16xf32>, vector<16xf32>, vector<16xf32>, vector<16xf32>, vector<16xf32>, vector<16xf32>, vector<16xf32>, vector<16xf32>
        }
        %scan3A_68 = arith.constant 16 : i32
        %add3A_69 = arith.addf %scan3A_67#0, %scan3A_67#1 : vector<16xf32>
        %add3A_70 = arith.addf %scan3A_67#2, %scan3A_67#3 : vector<16xf32>
        %add3A_71 = arith.addf %add3A_69, %add3A_70 : vector<16xf32>
        %add3A_72 = arith.addf %scan3A_67#4, %scan3A_67#5 : vector<16xf32>
        %add3A_73 = arith.addf %scan3A_67#6, %scan3A_67#7 : vector<16xf32>
        %add3A_74 = arith.addf %add3A_72, %add3A_73 : vector<16xf32>
        %add3A_75 = arith.addf %add3A_71, %add3A_74 : vector<16xf32>
        %exp3A = math.exp %add3A_75 : vector<16xf32>
        %get3A = arith.index_cast %mul3A_45 : i32 to index
        %get3A_76 = tpu.vector_load %arg13[%get3A] {strides = array<i32>} : memref<128xi32, #tpu.memory_space<vmem>>, vector<16xi32>,
        tpu.vector_store_idx %arg11[%get3A_76], %exp3A {add = true} : memref<10240xf32, #tpu.memory_space<vmem>>[vector<16xi32>], vector<16xf32>,
        %scan3A_77 = arith.constant 0 : i32
        %scan3A_78 = arith.constant 0 : i32
        %scan3A_79 = arith.constant 32 : i32
        %scan3A_80 = arith.addi %scan3A_78, %scan3A_79 : i32
        %scan3A_81 = arith.constant 1 : i32
        scf.for %scan3A_83 = %scan3A_78 to %scan3A_80 step %scan3A_81  : i32 {
          %mul3A_84 = arith.constant 4 : i32
          %mul3A_85 = arith.muli %scan3A_83, %mul3A_84 : i32
          %add3A_86 = arith.constant 0 : i32
          %add3A_87 = arith.addi %mul3A_85, %add3A_86 : i32
          %broadcast_in_dim3A_88 = vector.broadcast %add3A_87 : i32 to vector<16xi32>
          %gather3A = tpu.vector_load_idx %arg14[%add3A_47, %broadcast_in_dim3A_88] : memref<128x128xf32, #tpu.memory_space<vmem>>[vector<16xi32>, vector<16xi32>], vector<16xf32>,
          %mul3A_89 = arith.mulf %gather3A, %exp3A : vector<16xf32>
          tpu.vector_store_idx %arg14[%add3A_47, %broadcast_in_dim3A_88], %mul3A_89 : memref<128x128xf32, #tpu.memory_space<vmem>>[vector<16xi32>, vector<16xi32>], vector<16xf32>,
          %mul3A_90 = arith.constant 4 : i32
          %mul3A_91 = arith.muli %scan3A_83, %mul3A_90 : i32
          %add3A_92 = arith.constant 1 : i32
          %add3A_93 = arith.addi %mul3A_91, %add3A_92 : i32
          %broadcast_in_dim3A_94 = vector.broadcast %add3A_93 : i32 to vector<16xi32>
          %gather3A_95 = tpu.vector_load_idx %arg14[%add3A_47, %broadcast_in_dim3A_94] : memref<128x128xf32, #tpu.memory_space<vmem>>[vector<16xi32>, vector<16xi32>], vector<16xf32>,
          %mul3A_96 = arith.mulf %gather3A_95, %exp3A : vector<16xf32>
          tpu.vector_store_idx %arg14[%add3A_47, %broadcast_in_dim3A_94], %mul3A_96 : memref<128x128xf32, #tpu.memory_space<vmem>>[vector<16xi32>, vector<16xi32>], vector<16xf32>,
          %mul3A_97 = arith.constant 4 : i32
          %mul3A_98 = arith.muli %scan3A_83, %mul3A_97 : i32
          %add3A_99 = arith.constant 2 : i32
          %add3A_100 = arith.addi %mul3A_98, %add3A_99 : i32
          %broadcast_in_dim3A_101 = vector.broadcast %add3A_100 : i32 to vector<16xi32>
          %gather3A_102 = tpu.vector_load_idx %arg14[%add3A_47, %broadcast_in_dim3A_101] : memref<128x128xf32, #tpu.memory_space<vmem>>[vector<16xi32>, vector<16xi32>], vector<16xf32>,
          %mul3A_103 = arith.mulf %gather3A_102, %exp3A : vector<16xf32>
          tpu.vector_store_idx %arg14[%add3A_47, %broadcast_in_dim3A_101], %mul3A_103 : memref<128x128xf32, #tpu.memory_space<vmem>>[vector<16xi32>, vector<16xi32>], vector<16xf32>,
          %mul3A_104 = arith.constant 4 : i32
          %mul3A_105 = arith.muli %scan3A_83, %mul3A_104 : i32
          %add3A_106 = arith.constant 3 : i32
          %add3A_107 = arith.addi %mul3A_105, %add3A_106 : i32
          %broadcast_in_dim3A_108 = vector.broadcast %add3A_107 : i32 to vector<16xi32>
          %gather3A_109 = tpu.vector_load_idx %arg14[%add3A_47, %broadcast_in_dim3A_108] : memref<128x128xf32, #tpu.memory_space<vmem>>[vector<16xi32>, vector<16xi32>], vector<16xf32>,
          %mul3A_110 = arith.mulf %gather3A_109, %exp3A : vector<16xf32>
          tpu.vector_store_idx %arg14[%add3A_47, %broadcast_in_dim3A_108], %mul3A_110 : memref<128x128xf32, #tpu.memory_space<vmem>>[vector<16xi32>, vector<16xi32>], vector<16xf32>,
        }
        %scan3A_82 = arith.constant 32 : i32
      }
      %scan3A_42 = arith.constant 8 : i32
      "tpu.region"() ({
        %run_scoped3A = tpu.sem_alloc : memref<!tpu.dma_semaphore, #tpu.memory_space<semaphore_mem>>
        %dma_start3A_43 = arith.constant 0 : i32
        %dma_start3A_44 = arith.constant 0 : i32
        %dma_start3A_45 = tpu.memref_slice %arg10[%dma_start3A_43, %dma_start3A_44] : memref<10240x128xf32, #tpu.memory_space<vmem_shared>> -> memref<10240x128xf32, #tpu.memory_space<vmem_shared>>
        tpu.enqueue_indirect_dma source(%arg14 : memref<128x128xf32, #tpu.memory_space<vmem>>) target(%dma_start3A_45 : memref<10240x128xf32, #tpu.memory_space<vmem_shared>>) offsets(%arg13 : memref<128xi32, #tpu.memory_space<vmem>>) semaphore(%run_scoped3A : memref<!tpu.dma_semaphore, #tpu.memory_space<semaphore_mem>>) {add = true}
        %dma_wait3A_46 = arith.constant 0 : i32
        %dma_wait3A_47 = arith.constant 0 : i32
        %dma_wait3A_48 = tpu.memref_slice %arg10[%dma_wait3A_46, %dma_wait3A_47] : memref<10240x128xf32, #tpu.memory_space<vmem_shared>> -> memref<10240x128xf32, #tpu.memory_space<vmem_shared>>
        tpu.wait_indirect_dma semaphore(%run_scoped3A : memref<!tpu.dma_semaphore, #tpu.memory_space<semaphore_mem>>) src(%arg14 : memref<128x128xf32, #tpu.memory_space<vmem>>) dst(%dma_wait3A_48 : memref<10240x128xf32, #tpu.memory_space<vmem_shared>>)
        tpu.yield
      }) : () -> ()
    }
    %scan3A_15 = arith.constant 81 : i32
    %barrier3A_16 = arith.constant 0 : index
    tpu.barrier barrier_id(%barrier3A_16)
    "tpu.region"() ({
      %run_scoped3A = tpu.sem_alloc : memref<!tpu.dma_semaphore, #tpu.memory_space<semaphore_mem>>
      %dma_start3A = arith.constant 0 : i32
      %dma_start3A_21 = tpu.memref_slice %arg9[%add3A, %dma_start3A] : memref<32x10240xf32, #tpu.memory_space<hbm>> -> memref<1x10240xf32, #tpu.memory_space<hbm>>
      %dma_start3A_22 = tpu.memref_squeeze %dma_start3A_21 : memref<1x10240xf32, #tpu.memory_space<hbm>> -> memref<10240xf32, #tpu.memory_space<hbm>>
      %dma_start3A_23 = arith.constant 0 : i32
      %dma_start3A_24 = tpu.memref_slice %arg9[%add3A, %dma_start3A_23] : memref<32x10240xf32, #tpu.memory_space<hbm>> -> memref<1x10240xf32, #tpu.memory_space<hbm>>
      %dma_start3A_25 = tpu.memref_squeeze %dma_start3A_24 : memref<1x10240xf32, #tpu.memory_space<hbm>> -> memref<10240xf32, #tpu.memory_space<hbm>>
      tpu.enqueue_dma source(%arg11 : memref<10240xf32, #tpu.memory_space<vmem>>) target(%dma_start3A_25 : memref<10240xf32, #tpu.memory_space<hbm>>) target_semaphore(%run_scoped3A : memref<!tpu.dma_semaphore, #tpu.memory_space<semaphore_mem>>)
      %dma_wait3A = arith.constant 0 : i32
      %dma_wait3A_26 = tpu.memref_slice %arg9[%add3A, %dma_wait3A] : memref<32x10240xf32, #tpu.memory_space<hbm>> -> memref<1x10240xf32, #tpu.memory_space<hbm>>
      %dma_wait3A_27 = tpu.memref_squeeze %dma_wait3A_26 : memref<1x10240xf32, #tpu.memory_space<hbm>> -> memref<10240xf32, #tpu.memory_space<hbm>>
      %dma_wait3A_28 = arith.constant 0 : i32
      %dma_wait3A_29 = tpu.memref_slice %arg9[%add3A, %dma_wait3A_28] : memref<32x10240xf32, #tpu.memory_space<hbm>> -> memref<1x10240xf32, #tpu.memory_space<hbm>>
      %dma_wait3A_30 = tpu.memref_squeeze %dma_wait3A_29 : memref<1x10240xf32, #tpu.memory_space<hbm>> -> memref<10240xf32, #tpu.memory_space<hbm>>
      tpu.wait_dma2 semaphore(%run_scoped3A : memref<!tpu.dma_semaphore, #tpu.memory_space<semaphore_mem>>) src(%arg11 : memref<10240xf32, #tpu.memory_space<vmem>>) dst(%dma_wait3A_30 : memref<10240xf32, #tpu.memory_space<hbm>>)
      tpu.yield
    }) : () -> ()
    %mul3A_17 = arith.constant 640 : i32
    %mul3A_18 = arith.muli %arg1, %mul3A_17 : i32
    %mul3A_19 = arith.constant 640 : i32
    %mul3A_20 = arith.muli %arg1, %mul3A_19 : i32
    "tpu.region"() ({
      %run_scoped3A = tpu.sem_alloc : memref<!tpu.dma_semaphore, #tpu.memory_space<semaphore_mem>>
      %dma_start3A = arith.constant 0 : i32
      %dma_start3A_21 = tpu.memref_slice %arg8[%arg0, %mul3A_20, %dma_start3A] : memref<2x10240x128xf32, #tpu.memory_space<hbm>> -> memref<1x640x128xf32, #tpu.memory_space<hbm>>
      %dma_start3A_22 = tpu.memref_squeeze %dma_start3A_21 : memref<1x640x128xf32, #tpu.memory_space<hbm>> -> memref<640x128xf32, #tpu.memory_space<hbm>>
      %dma_start3A_23 = arith.constant 0 : i32
      %dma_start3A_24 = tpu.memref_slice %arg10[%mul3A_18, %dma_start3A_23] : memref<10240x128xf32, #tpu.memory_space<vmem_shared>> -> memref<640x128xf32, #tpu.memory_space<vmem_shared>>
      tpu.enqueue_dma source(%dma_start3A_24 : memref<640x128xf32, #tpu.memory_space<vmem_shared>>) target(%dma_start3A_22 : memref<640x128xf32, #tpu.memory_space<hbm>>) target_semaphore(%run_scoped3A : memref<!tpu.dma_semaphore, #tpu.memory_space<semaphore_mem>>)
      %dma_wait3A = arith.constant 0 : i32
      %dma_wait3A_25 = tpu.memref_slice %arg8[%arg0, %mul3A_20, %dma_wait3A] : memref<2x10240x128xf32, #tpu.memory_space<hbm>> -> memref<1x640x128xf32, #tpu.memory_space<hbm>>
      %dma_wait3A_26 = tpu.memref_squeeze %dma_wait3A_25 : memref<1x640x128xf32, #tpu.memory_space<hbm>> -> memref<640x128xf32, #tpu.memory_space<hbm>>
      %dma_wait3A_27 = arith.constant 0 : i32
      %dma_wait3A_28 = tpu.memref_slice %arg10[%mul3A_18, %dma_wait3A_27] : memref<10240x128xf32, #tpu.memory_space<vmem_shared>> -> memref<640x128xf32, #tpu.memory_space<vmem_shared>>
      tpu.wait_dma2 semaphore(%run_scoped3A : memref<!tpu.dma_semaphore, #tpu.memory_space<semaphore_mem>>) src(%dma_wait3A_28 : memref<640x128xf32, #tpu.memory_space<vmem_shared>>) dst(%dma_wait3A_26 : memref<640x128xf32, #tpu.memory_space<hbm>>)
      tpu.yield
    }) : () -> ()
    return
  }
}

module attributes {stable_mosaic.version = 14 : i64} {
  func.func @_tc_lin_body(%arg0: i32, %arg1: memref<1024x128xf32, #tpu.memory_space<vmem>>, %arg2: memref<128x128xf32, #tpu.memory_space<vmem>>, %arg3: memref<128x128xf32, #tpu.memory_space<vmem>>, %arg4: memref<1x128xf32, #tpu.memory_space<vmem>>, %arg5: memref<128x128xf32, #tpu.memory_space<vmem>>, %arg6: memref<128x128xf32, #tpu.memory_space<vmem>>, %arg7: memref<1x128xf32, #tpu.memory_space<vmem>>, %arg8: memref<1024x128xf32, #tpu.memory_space<vmem>>, %arg9: memref<1024x128xf32, #tpu.memory_space<vmem>>) attributes {dimension_semantics = [#tpu.dimension_semantics<arbitrary>], iteration_bounds = array<i64: 10>, scalar_prefetch = 0 : i64, scratch_operands = 0 : i64, tpu.core_type = #tpu.core_type<tc>, window_params = [{transform_indices = @transform_0, window_bounds = array<i64: 1024, 128>}, {pipeline_mode = #tpu.pipeline_mode<synchronous>, transform_indices = @transform_1, window_bounds = array<i64: 128, 128>}, {pipeline_mode = #tpu.pipeline_mode<synchronous>, transform_indices = @transform_2, window_bounds = array<i64: 128, 128>}, {pipeline_mode = #tpu.pipeline_mode<synchronous>, transform_indices = @transform_3, window_bounds = array<i64: 1, 128>}, {pipeline_mode = #tpu.pipeline_mode<synchronous>, transform_indices = @transform_4, window_bounds = array<i64: 128, 128>}, {pipeline_mode = #tpu.pipeline_mode<synchronous>, transform_indices = @transform_5, window_bounds = array<i64: 128, 128>}, {pipeline_mode = #tpu.pipeline_mode<synchronous>, transform_indices = @transform_6, window_bounds = array<i64: 1, 128>}, {transform_indices = @transform_7, window_bounds = array<i64: 1024, 128>}, {transform_indices = @transform_8, window_bounds = array<i64: 1024, 128>}]} {
    %get3A = arith.constant 0 : index
    %get3A_0 = arith.constant 0 : index
    %get3A_1 = vector.load %arg1[%get3A, %get3A_0] : memref<1024x128xf32, #tpu.memory_space<vmem>>, vector<1024x128xf32>
    %get3A_2 = arith.constant 0 : index
    %get3A_3 = arith.constant 0 : index
    %get3A_4 = vector.load %arg2[%get3A_2, %get3A_3] : memref<128x128xf32, #tpu.memory_space<vmem>>, vector<128x128xf32>
    %get3A_5 = arith.constant 0 : index
    %get3A_6 = arith.constant 0 : index
    %get3A_7 = vector.load %arg3[%get3A_5, %get3A_6] : memref<128x128xf32, #tpu.memory_space<vmem>>, vector<128x128xf32>
    %add3A = arith.addf %get3A_4, %get3A_7 : vector<128x128xf32>
    %dot_general3A = arith.constant dense<0.000000e+00> : vector<1024x128xf32>
    %dot_general3A_8 = tpu.matmul %get3A_1, %add3A, %dot_general3A {dimension_numbers = #tpu.dot_dimension_numbers<[1], [0], [0], [1], [0, 0, 1, 1], [], []>, transpose_lhs_hint = false} : vector<1024x128xf32>, vector<128x128xf32>, vector<1024x128xf32> -> vector<1024x128xf32>
    %get3A_9 = arith.constant 0 : index
    %get3A_10 = arith.constant 0 : index
    %get3A_11 = vector.load %arg4[%get3A_9, %get3A_10] : memref<1x128xf32, #tpu.memory_space<vmem>>, vector<1x128xf32>
    %add3A_12 = vector.broadcast %get3A_11 : vector<1x128xf32> to vector<1024x128xf32>
    %add3A_13 = arith.addf %dot_general3A_8, %add3A_12 : vector<1024x128xf32>
    %swap3A = arith.constant 0 : index
    %swap3A_14 = arith.constant 0 : index
    %swap3A_15 = vector.load %arg8[%swap3A, %swap3A_14] : memref<1024x128xf32, #tpu.memory_space<vmem>>, vector<1024x128xf32>
    tpu.vector_store %arg8[%swap3A, %swap3A_14], %add3A_13 {strides = array<i32>} : memref<1024x128xf32, #tpu.memory_space<vmem>>, vector<1024x128xf32>,
    %get3A_16 = arith.constant 0 : index
    %get3A_17 = arith.constant 0 : index
    %get3A_18 = vector.load %arg5[%get3A_16, %get3A_17] : memref<128x128xf32, #tpu.memory_space<vmem>>, vector<128x128xf32>
    %get3A_19 = arith.constant 0 : index
    %get3A_20 = arith.constant 0 : index
    %get3A_21 = vector.load %arg6[%get3A_19, %get3A_20] : memref<128x128xf32, #tpu.memory_space<vmem>>, vector<128x128xf32>
    %add3A_22 = arith.addf %get3A_18, %get3A_21 : vector<128x128xf32>
    %dot_general3A_23 = arith.constant dense<0.000000e+00> : vector<1024x128xf32>
    %dot_general3A_24 = tpu.matmul %get3A_1, %add3A_22, %dot_general3A_23 {dimension_numbers = #tpu.dot_dimension_numbers<[1], [0], [0], [1], [0, 0, 1, 1], [], []>, transpose_lhs_hint = false} : vector<1024x128xf32>, vector<128x128xf32>, vector<1024x128xf32> -> vector<1024x128xf32>
    %get3A_25 = arith.constant 0 : index
    %get3A_26 = arith.constant 0 : index
    %get3A_27 = vector.load %arg7[%get3A_25, %get3A_26] : memref<1x128xf32, #tpu.memory_space<vmem>>, vector<1x128xf32>
    %add3A_28 = vector.broadcast %get3A_27 : vector<1x128xf32> to vector<1024x128xf32>
    %add3A_29 = arith.addf %dot_general3A_24, %add3A_28 : vector<1024x128xf32>
    %swap3A_30 = arith.constant 0 : index
    %swap3A_31 = arith.constant 0 : index
    %swap3A_32 = vector.load %arg9[%swap3A_30, %swap3A_31] : memref<1024x128xf32, #tpu.memory_space<vmem>>, vector<1024x128xf32>
    tpu.vector_store %arg9[%swap3A_30, %swap3A_31], %add3A_29 {strides = array<i32>} : memref<1024x128xf32, #tpu.memory_space<vmem>>, vector<1024x128xf32>,
    return
  }
  func.func @transform_0(%arg0: i32) -> (i32, i32) {
    %c0_i32 = arith.constant 0 : i32
    %c0_i32_0 = arith.constant 0 : i32
    return %arg0, %c0_i32 : i32, i32
  }
  func.func @transform_1(%arg0: i32) -> (i32, i32) {
    %c0_i32 = arith.constant 0 : i32
    %c0_i32_0 = arith.constant 0 : i32
    %c0_i32_1 = arith.constant 0 : i32
    return %c0_i32, %c0_i32_0 : i32, i32
  }
  func.func @transform_2(%arg0: i32) -> (i32, i32) {
    %c0_i32 = arith.constant 0 : i32
    %c0_i32_0 = arith.constant 0 : i32
    %c0_i32_1 = arith.constant 0 : i32
    return %c0_i32, %c0_i32_0 : i32, i32
  }
  func.func @transform_3(%arg0: i32) -> (i32, i32) {
    %c0_i32 = arith.constant 0 : i32
    %c0_i32_0 = arith.constant 0 : i32
    %c0_i32_1 = arith.constant 0 : i32
    return %c0_i32, %c0_i32_0 : i32, i32
  }
  func.func @transform_4(%arg0: i32) -> (i32, i32) {
    %c0_i32 = arith.constant 0 : i32
    %c0_i32_0 = arith.constant 0 : i32
    %c0_i32_1 = arith.constant 0 : i32
    return %c0_i32, %c0_i32_0 : i32, i32
  }
  func.func @transform_5(%arg0: i32) -> (i32, i32) {
    %c0_i32 = arith.constant 0 : i32
    %c0_i32_0 = arith.constant 0 : i32
    %c0_i32_1 = arith.constant 0 : i32
    return %c0_i32, %c0_i32_0 : i32, i32
  }
  func.func @transform_6(%arg0: i32) -> (i32, i32) {
    %c0_i32 = arith.constant 0 : i32
    %c0_i32_0 = arith.constant 0 : i32
    %c0_i32_1 = arith.constant 0 : i32
    return %c0_i32, %c0_i32_0 : i32, i32
  }
  func.func @transform_7(%arg0: i32) -> (i32, i32) {
    %c0_i32 = arith.constant 0 : i32
    %c0_i32_0 = arith.constant 0 : i32
    return %arg0, %c0_i32 : i32, i32
  }
  func.func @transform_8(%arg0: i32) -> (i32, i32) {
    %c0_i32 = arith.constant 0 : i32
    %c0_i32_0 = arith.constant 0 : i32
    return %arg0, %c0_i32 : i32, i32
  }
}

module attributes {stable_mosaic.version = 14 : i64} {
  func.func @_tc_epi_body(%arg0: i32, %arg1: memref<2x1024x128xf32, #tpu.memory_space<vmem>>, %arg2: memref<32x1024xf32, #tpu.memory_space<vmem>>, %arg3: memref<1x128xf32, #tpu.memory_space<vmem>>, %arg4: memref<128x128xf32, #tpu.memory_space<vmem>>, %arg5: memref<128x128xf32, #tpu.memory_space<vmem>>, %arg6: memref<1x128xf32, #tpu.memory_space<vmem>>, %arg7: memref<128x128xf32, #tpu.memory_space<vmem>>, %arg8: memref<128x128xf32, #tpu.memory_space<vmem>>, %arg9: memref<1x128xf32, #tpu.memory_space<vmem>>, %arg10: memref<1024x128xf32, #tpu.memory_space<vmem>>, %arg11: memref<1024x128xf32, #tpu.memory_space<vmem>>) attributes {dimension_semantics = [#tpu.dimension_semantics<arbitrary>], iteration_bounds = array<i64: 10>, scalar_prefetch = 0 : i64, scratch_operands = 0 : i64, tpu.core_type = #tpu.core_type<tc>, window_params = [{transform_indices = @transform_0, window_bounds = array<i64: 2, 1024, 128>}, {transform_indices = @transform_1, window_bounds = array<i64: 32, 1024>}, {pipeline_mode = #tpu.pipeline_mode<synchronous>, transform_indices = @transform_2, window_bounds = array<i64: 1, 128>}, {pipeline_mode = #tpu.pipeline_mode<synchronous>, transform_indices = @transform_3, window_bounds = array<i64: 128, 128>}, {pipeline_mode = #tpu.pipeline_mode<synchronous>, transform_indices = @transform_4, window_bounds = array<i64: 128, 128>}, {pipeline_mode = #tpu.pipeline_mode<synchronous>, transform_indices = @transform_5, window_bounds = array<i64: 1, 128>}, {pipeline_mode = #tpu.pipeline_mode<synchronous>, transform_indices = @transform_6, window_bounds = array<i64: 128, 128>}, {pipeline_mode = #tpu.pipeline_mode<synchronous>, transform_indices = @transform_7, window_bounds = array<i64: 128, 128>}, {pipeline_mode = #tpu.pipeline_mode<synchronous>, transform_indices = @transform_8, window_bounds = array<i64: 1, 128>}, {transform_indices = @transform_9, window_bounds = array<i64: 1024, 128>}, {transform_indices = @transform_10, window_bounds = array<i64: 1024, 128>}]} {
    %get3A = arith.constant 0 : index
    %get3A_0 = arith.constant 0 : index
    %get3A_1 = arith.constant 0 : index
    %get3A_2 = vector.load %arg1[%get3A, %get3A_0, %get3A_1] : memref<2x1024x128xf32, #tpu.memory_space<vmem>>, vector<1x1024x128xf32>
    %get3A_3 = vector.shape_cast %get3A_2 : vector<1x1024x128xf32> to vector<1024x128xf32>
    %get3A_4 = arith.constant 1 : index
    %get3A_5 = arith.constant 0 : index
    %get3A_6 = arith.constant 0 : index
    %get3A_7 = vector.load %arg1[%get3A_4, %get3A_5, %get3A_6] : memref<2x1024x128xf32, #tpu.memory_space<vmem>>, vector<1x1024x128xf32>
    %get3A_8 = vector.shape_cast %get3A_7 : vector<1x1024x128xf32> to vector<1024x128xf32>
    %add3A = arith.addf %get3A_3, %get3A_8 : vector<1024x128xf32>
    %get3A_9 = arith.constant 0 : index
    %get3A_10 = arith.constant 0 : index
    %get3A_11 = vector.load %arg2[%get3A_9, %get3A_10] : memref<32x1024xf32, #tpu.memory_space<vmem>>, vector<32x1024xf32>
    %reduce_sum3A = arith.constant dense<0.000000e+00> : vector<1024xf32>
    %reduce_sum3A_12 = vector.multi_reduction <add>, %get3A_11, %reduce_sum3A [0] : vector<32x1024xf32> to vector<1024xf32>
    %max3A = arith.constant 1.000000e-30 : f32
    %max3A_13 = vector.broadcast %max3A : f32 to vector<1024xf32>
    %max3A_14 = arith.maximumf %reduce_sum3A_12, %max3A_13 : vector<1024xf32>
    %div3A = arith.constant 1.000000e+00 : f32
    %div3A_15 = vector.broadcast %div3A : f32 to vector<1024xf32>
    %div3A_16 = arith.divf %div3A_15, %max3A_14 : vector<1024xf32>
    %broadcast_in_dim3A = vector.shape_cast %div3A_16 : vector<1024xf32> to vector<1024x1xf32>
    %mul3A = vector.broadcast %broadcast_in_dim3A : vector<1024x1xf32> to vector<1024x128xf32>
    %mul3A_17 = arith.mulf %add3A, %mul3A : vector<1024x128xf32>
    %get3A_18 = arith.constant 0 : index
    %get3A_19 = arith.constant 0 : index
    %get3A_20 = vector.load %arg3[%get3A_18, %get3A_19] : memref<1x128xf32, #tpu.memory_space<vmem>>, vector<1x128xf32>
    %add3A_21 = vector.broadcast %get3A_20 : vector<1x128xf32> to vector<1024x128xf32>
    %add3A_22 = arith.addf %mul3A_17, %add3A_21 : vector<1024x128xf32>
    %max3A_23 = arith.constant 0.000000e+00 : f32
    %max3A_24 = vector.broadcast %max3A_23 : f32 to vector<1024x128xf32>
    %max3A_25 = arith.maximumf %add3A_22, %max3A_24 : vector<1024x128xf32>
    %convert_element_type3A = arith.truncf %max3A_25 : vector<1024x128xf32> to vector<1024x128xbf16>
    %convert_element_type3A_26 = arith.extf %convert_element_type3A : vector<1024x128xbf16> to vector<1024x128xf32>
    %get3A_27 = arith.constant 0 : index
    %get3A_28 = arith.constant 0 : index
    %get3A_29 = vector.load %arg4[%get3A_27, %get3A_28] : memref<128x128xf32, #tpu.memory_space<vmem>>, vector<128x128xf32>
    %get3A_30 = arith.constant 0 : index
    %get3A_31 = arith.constant 0 : index
    %get3A_32 = vector.load %arg5[%get3A_30, %get3A_31] : memref<128x128xf32, #tpu.memory_space<vmem>>, vector<128x128xf32>
    %add3A_33 = arith.addf %get3A_29, %get3A_32 : vector<128x128xf32>
    %dot_general3A = arith.constant dense<0.000000e+00> : vector<1024x128xf32>
    %dot_general3A_34 = tpu.matmul %convert_element_type3A_26, %add3A_33, %dot_general3A {dimension_numbers = #tpu.dot_dimension_numbers<[1], [0], [0], [1], [0, 0, 1, 1], [], []>, transpose_lhs_hint = false} : vector<1024x128xf32>, vector<128x128xf32>, vector<1024x128xf32> -> vector<1024x128xf32>
    %get3A_35 = arith.constant 0 : index
    %get3A_36 = arith.constant 0 : index
    %get3A_37 = vector.load %arg6[%get3A_35, %get3A_36] : memref<1x128xf32, #tpu.memory_space<vmem>>, vector<1x128xf32>
    %add3A_38 = vector.broadcast %get3A_37 : vector<1x128xf32> to vector<1024x128xf32>
    %add3A_39 = arith.addf %dot_general3A_34, %add3A_38 : vector<1024x128xf32>
    %swap3A = arith.constant 0 : index
    %swap3A_40 = arith.constant 0 : index
    %swap3A_41 = vector.load %arg10[%swap3A, %swap3A_40] : memref<1024x128xf32, #tpu.memory_space<vmem>>, vector<1024x128xf32>
    tpu.vector_store %arg10[%swap3A, %swap3A_40], %add3A_39 {strides = array<i32>} : memref<1024x128xf32, #tpu.memory_space<vmem>>, vector<1024x128xf32>,
    %get3A_42 = arith.constant 0 : index
    %get3A_43 = arith.constant 0 : index
    %get3A_44 = vector.load %arg7[%get3A_42, %get3A_43] : memref<128x128xf32, #tpu.memory_space<vmem>>, vector<128x128xf32>
    %get3A_45 = arith.constant 0 : index
    %get3A_46 = arith.constant 0 : index
    %get3A_47 = vector.load %arg8[%get3A_45, %get3A_46] : memref<128x128xf32, #tpu.memory_space<vmem>>, vector<128x128xf32>
    %add3A_48 = arith.addf %get3A_44, %get3A_47 : vector<128x128xf32>
    %dot_general3A_49 = arith.constant dense<0.000000e+00> : vector<1024x128xf32>
    %dot_general3A_50 = tpu.matmul %convert_element_type3A_26, %add3A_48, %dot_general3A_49 {dimension_numbers = #tpu.dot_dimension_numbers<[1], [0], [0], [1], [0, 0, 1, 1], [], []>, transpose_lhs_hint = false} : vector<1024x128xf32>, vector<128x128xf32>, vector<1024x128xf32> -> vector<1024x128xf32>
    %get3A_51 = arith.constant 0 : index
    %get3A_52 = arith.constant 0 : index
    %get3A_53 = vector.load %arg9[%get3A_51, %get3A_52] : memref<1x128xf32, #tpu.memory_space<vmem>>, vector<1x128xf32>
    %add3A_54 = vector.broadcast %get3A_53 : vector<1x128xf32> to vector<1024x128xf32>
    %add3A_55 = arith.addf %dot_general3A_50, %add3A_54 : vector<1024x128xf32>
    %swap3A_56 = arith.constant 0 : index
    %swap3A_57 = arith.constant 0 : index
    %swap3A_58 = vector.load %arg11[%swap3A_56, %swap3A_57] : memref<1024x128xf32, #tpu.memory_space<vmem>>, vector<1024x128xf32>
    tpu.vector_store %arg11[%swap3A_56, %swap3A_57], %add3A_55 {strides = array<i32>} : memref<1024x128xf32, #tpu.memory_space<vmem>>, vector<1024x128xf32>,
    return
  }
  func.func @transform_0(%arg0: i32) -> (i32, i32, i32) {
    %c0_i32 = arith.constant 0 : i32
    %c0_i32_0 = arith.constant 0 : i32
    %c0_i32_1 = arith.constant 0 : i32
    return %c0_i32, %arg0, %c0_i32_0 : i32, i32, i32
  }
  func.func @transform_1(%arg0: i32) -> (i32, i32) {
    %c0_i32 = arith.constant 0 : i32
    %c0_i32_0 = arith.constant 0 : i32
    return %c0_i32, %arg0 : i32, i32
  }
  func.func @transform_2(%arg0: i32) -> (i32, i32) {
    %c0_i32 = arith.constant 0 : i32
    %c0_i32_0 = arith.constant 0 : i32
    %c0_i32_1 = arith.constant 0 : i32
    return %c0_i32, %c0_i32_0 : i32, i32
  }
  func.func @transform_3(%arg0: i32) -> (i32, i32) {
    %c0_i32 = arith.constant 0 : i32
    %c0_i32_0 = arith.constant 0 : i32
    %c0_i32_1 = arith.constant 0 : i32
    return %c0_i32, %c0_i32_0 : i32, i32
  }
  func.func @transform_4(%arg0: i32) -> (i32, i32) {
    %c0_i32 = arith.constant 0 : i32
    %c0_i32_0 = arith.constant 0 : i32
    %c0_i32_1 = arith.constant 0 : i32
    return %c0_i32, %c0_i32_0 : i32, i32
  }
  func.func @transform_5(%arg0: i32) -> (i32, i32) {
    %c0_i32 = arith.constant 0 : i32
    %c0_i32_0 = arith.constant 0 : i32
    %c0_i32_1 = arith.constant 0 : i32
    return %c0_i32, %c0_i32_0 : i32, i32
  }
  func.func @transform_6(%arg0: i32) -> (i32, i32) {
    %c0_i32 = arith.constant 0 : i32
    %c0_i32_0 = arith.constant 0 : i32
    %c0_i32_1 = arith.constant 0 : i32
    return %c0_i32, %c0_i32_0 : i32, i32
  }
  func.func @transform_7(%arg0: i32) -> (i32, i32) {
    %c0_i32 = arith.constant 0 : i32
    %c0_i32_0 = arith.constant 0 : i32
    %c0_i32_1 = arith.constant 0 : i32
    return %c0_i32, %c0_i32_0 : i32, i32
  }
  func.func @transform_8(%arg0: i32) -> (i32, i32) {
    %c0_i32 = arith.constant 0 : i32
    %c0_i32_0 = arith.constant 0 : i32
    %c0_i32_1 = arith.constant 0 : i32
    return %c0_i32, %c0_i32_0 : i32, i32
  }
  func.func @transform_9(%arg0: i32) -> (i32, i32) {
    %c0_i32 = arith.constant 0 : i32
    %c0_i32_0 = arith.constant 0 : i32
    return %arg0, %c0_i32 : i32, i32
  }
  func.func @transform_10(%arg0: i32) -> (i32, i32) {
    %c0_i32 = arith.constant 0 : i32
    %c0_i32_0 = arith.constant 0 : i32
    return %arg0, %c0_i32 : i32, i32
  }
}

module attributes {stable_mosaic.version = 14 : i64} {
  func.func @_tc_final_body(%arg0: i32, %arg1: memref<2x1024x128xf32, #tpu.memory_space<vmem>>, %arg2: memref<32x1024xf32, #tpu.memory_space<vmem>>, %arg3: memref<1x128xf32, #tpu.memory_space<vmem>>, %arg4: memref<1x1024xi32, #tpu.memory_space<vmem>>, %arg5: memref<128x256xf32, #tpu.memory_space<vmem>>, %arg6: memref<128x256xf32, #tpu.memory_space<vmem>>, %arg7: memref<1x256xf32, #tpu.memory_space<vmem>>, %arg8: memref<256x2xf32, #tpu.memory_space<vmem>>, %arg9: memref<256x2xf32, #tpu.memory_space<vmem>>, %arg10: memref<1x2xf32, #tpu.memory_space<vmem>>, %arg11: memref<64x2xf32, #tpu.memory_space<vmem>>, %arg12: memref<64x128xf32, #tpu.memory_space<vmem>>, %arg13: memref<64x128xf32, #tpu.memory_space<vmem>>) attributes {dimension_semantics = [#tpu.dimension_semantics<arbitrary>], iteration_bounds = array<i64: 10>, scalar_prefetch = 0 : i64, scratch_operands = 2 : i64, tpu.core_type = #tpu.core_type<tc>, window_params = [{transform_indices = @transform_0, window_bounds = array<i64: 2, 1024, 128>}, {transform_indices = @transform_1, window_bounds = array<i64: 32, 1024>}, {pipeline_mode = #tpu.pipeline_mode<synchronous>, transform_indices = @transform_2, window_bounds = array<i64: 1, 128>}, {transform_indices = @transform_3, window_bounds = array<i64: 1, 1024>}, {pipeline_mode = #tpu.pipeline_mode<synchronous>, transform_indices = @transform_4, window_bounds = array<i64: 128, 256>}, {pipeline_mode = #tpu.pipeline_mode<synchronous>, transform_indices = @transform_5, window_bounds = array<i64: 128, 256>}, {pipeline_mode = #tpu.pipeline_mode<synchronous>, transform_indices = @transform_6, window_bounds = array<i64: 1, 256>}, {pipeline_mode = #tpu.pipeline_mode<synchronous>, transform_indices = @transform_7, window_bounds = array<i64: 256, 2>}, {pipeline_mode = #tpu.pipeline_mode<synchronous>, transform_indices = @transform_8, window_bounds = array<i64: 256, 2>}, {pipeline_mode = #tpu.pipeline_mode<synchronous>, transform_indices = @transform_9, window_bounds = array<i64: 1, 2>}, {pipeline_mode = #tpu.pipeline_mode<synchronous>, transform_indices = @transform_10, window_bounds = array<i64: 64, 2>}]} {
    %eq3A = arith.constant 0 : i32
    %eq3A_0 = arith.cmpi eq, %arg0, %eq3A : i32
    %convert_element_type3A = arith.extui %eq3A_0 : i1 to i32
    %cond3A = arith.constant 0 : i32
    %cond3A_1 = arith.cmpi ne, %convert_element_type3A, %cond3A : i32
    scf.if %cond3A_1 {
      %broadcast_in_dim3A_56 = arith.constant 0.000000e+00 : f32
      %broadcast_in_dim3A_57 = vector.broadcast %broadcast_in_dim3A_56 : f32 to vector<64x128xf32>
      %swap3A_58 = arith.constant 0 : index
      %swap3A_59 = arith.constant 0 : index
      %swap3A_60 = vector.load %arg12[%swap3A_58, %swap3A_59] : memref<64x128xf32, #tpu.memory_space<vmem>>, vector<64x128xf32>
      tpu.vector_store %arg12[%swap3A_58, %swap3A_59], %broadcast_in_dim3A_57 {strides = array<i32>} : memref<64x128xf32, #tpu.memory_space<vmem>>, vector<64x128xf32>,
      %broadcast_in_dim3A_61 = arith.constant 0.000000e+00 : f32
      %broadcast_in_dim3A_62 = vector.broadcast %broadcast_in_dim3A_61 : f32 to vector<64x128xf32>
      %swap3A_63 = arith.constant 0 : index
      %swap3A_64 = arith.constant 0 : index
      %swap3A_65 = vector.load %arg13[%swap3A_63, %swap3A_64] : memref<64x128xf32, #tpu.memory_space<vmem>>, vector<64x128xf32>
      tpu.vector_store %arg13[%swap3A_63, %swap3A_64], %broadcast_in_dim3A_62 {strides = array<i32>} : memref<64x128xf32, #tpu.memory_space<vmem>>, vector<64x128xf32>,
    } else {
    }
    %get3A = arith.constant 0 : index
    %get3A_2 = arith.constant 0 : index
    %get3A_3 = arith.constant 0 : index
    %get3A_4 = vector.load %arg1[%get3A, %get3A_2, %get3A_3] : memref<2x1024x128xf32, #tpu.memory_space<vmem>>, vector<1x1024x128xf32>
    %get3A_5 = vector.shape_cast %get3A_4 : vector<1x1024x128xf32> to vector<1024x128xf32>
    %get3A_6 = arith.constant 1 : index
    %get3A_7 = arith.constant 0 : index
    %get3A_8 = arith.constant 0 : index
    %get3A_9 = vector.load %arg1[%get3A_6, %get3A_7, %get3A_8] : memref<2x1024x128xf32, #tpu.memory_space<vmem>>, vector<1x1024x128xf32>
    %get3A_10 = vector.shape_cast %get3A_9 : vector<1x1024x128xf32> to vector<1024x128xf32>
    %add3A = arith.addf %get3A_5, %get3A_10 : vector<1024x128xf32>
    %get3A_11 = arith.constant 0 : index
    %get3A_12 = arith.constant 0 : index
    %get3A_13 = vector.load %arg2[%get3A_11, %get3A_12] : memref<32x1024xf32, #tpu.memory_space<vmem>>, vector<32x1024xf32>
    %reduce_sum3A = arith.constant dense<0.000000e+00> : vector<1024xf32>
    %reduce_sum3A_14 = vector.multi_reduction <add>, %get3A_13, %reduce_sum3A [0] : vector<32x1024xf32> to vector<1024xf32>
    %max3A = arith.constant 1.000000e-30 : f32
    %max3A_15 = vector.broadcast %max3A : f32 to vector<1024xf32>
    %max3A_16 = arith.maximumf %reduce_sum3A_14, %max3A_15 : vector<1024xf32>
    %div3A = arith.constant 1.000000e+00 : f32
    %div3A_17 = vector.broadcast %div3A : f32 to vector<1024xf32>
    %div3A_18 = arith.divf %div3A_17, %max3A_16 : vector<1024xf32>
    %broadcast_in_dim3A = vector.shape_cast %div3A_18 : vector<1024xf32> to vector<1024x1xf32>
    %mul3A = vector.broadcast %broadcast_in_dim3A : vector<1024x1xf32> to vector<1024x128xf32>
    %mul3A_19 = arith.mulf %add3A, %mul3A : vector<1024x128xf32>
    %get3A_20 = arith.constant 0 : index
    %get3A_21 = arith.constant 0 : index
    %get3A_22 = vector.load %arg3[%get3A_20, %get3A_21] : memref<1x128xf32, #tpu.memory_space<vmem>>, vector<1x128xf32>
    %add3A_23 = vector.broadcast %get3A_22 : vector<1x128xf32> to vector<1024x128xf32>
    %add3A_24 = arith.addf %mul3A_19, %add3A_23 : vector<1024x128xf32>
    %get3A_25 = arith.constant 0 : index
    %get3A_26 = arith.constant 0 : index
    %get3A_27 = vector.load %arg4[%get3A_25, %get3A_26] : memref<1x1024xi32, #tpu.memory_space<vmem>>, vector<1x1024xi32>
    %iota3A = tpu.iota {dimensions = array<i32: 0>} : vector<64x1024xi32>
    %eq3A_28 = vector.broadcast %get3A_27 : vector<1x1024xi32> to vector<64x1024xi32>
    %eq3A_29 = arith.cmpi eq, %eq3A_28, %iota3A : vector<64x1024xi32>
    %convert_element_type3A_30 = arith.extui %eq3A_29 : vector<64x1024xi1> to vector<64x1024xi32>
    %convert_element_type3A_31 = arith.sitofp %convert_element_type3A_30 : vector<64x1024xi32> to vector<64x1024xf32>
    %get3A_32 = arith.constant 0 : index
    %get3A_33 = arith.constant 0 : index
    %get3A_34 = vector.load %arg12[%get3A_32, %get3A_33] : memref<64x128xf32, #tpu.memory_space<vmem>>, vector<64x128xf32>
    %dot_general3A = arith.constant dense<0.000000e+00> : vector<64x128xf32>
    %dot_general3A_35 = tpu.matmul %convert_element_type3A_31, %add3A_24, %dot_general3A {dimension_numbers = #tpu.dot_dimension_numbers<[1], [0], [0], [1], [0, 0, 1, 1], [], []>, precision = #tpu.contract_precision<fp32>, transpose_lhs_hint = false} : vector<64x1024xf32>, vector<1024x128xf32>, vector<64x128xf32> -> vector<64x128xf32>
    %add3A_36 = arith.addf %get3A_34, %dot_general3A_35 : vector<64x128xf32>
    %swap3A = arith.constant 0 : index
    %swap3A_37 = arith.constant 0 : index
    %swap3A_38 = vector.load %arg12[%swap3A, %swap3A_37] : memref<64x128xf32, #tpu.memory_space<vmem>>, vector<64x128xf32>
    tpu.vector_store %arg12[%swap3A, %swap3A_37], %add3A_36 {strides = array<i32>} : memref<64x128xf32, #tpu.memory_space<vmem>>, vector<64x128xf32>,
    %get3A_39 = arith.constant 0 : index
    %get3A_40 = arith.constant 0 : index
    %get3A_41 = vector.load %arg13[%get3A_39, %get3A_40] : memref<64x128xf32, #tpu.memory_space<vmem>>, vector<64x128xf32>
    %reduce_sum3A_42 = arith.constant dense<0.000000e+00> : vector<64xf32>
    %reduce_sum3A_43 = vector.multi_reduction <add>, %convert_element_type3A_31, %reduce_sum3A_42 [1] : vector<64x1024xf32> to vector<64xf32>
    %broadcast_in_dim3A_44 = vector.shape_cast %reduce_sum3A_43 : vector<64xf32> to vector<64x1xf32>
    %broadcast_in_dim3A_45 = vector.shape_cast %broadcast_in_dim3A_44 : vector<64x1xf32> to vector<64x1xf32>
    %broadcast_in_dim3A_46 = vector.broadcast %broadcast_in_dim3A_45 : vector<64x1xf32> to vector<64x128xf32>
    %add3A_47 = arith.addf %get3A_41, %broadcast_in_dim3A_46 : vector<64x128xf32>
    %swap3A_48 = arith.constant 0 : index
    %swap3A_49 = arith.constant 0 : index
    %swap3A_50 = vector.load %arg13[%swap3A_48, %swap3A_49] : memref<64x128xf32, #tpu.memory_space<vmem>>, vector<64x128xf32>
    tpu.vector_store %arg13[%swap3A_48, %swap3A_49], %add3A_47 {strides = array<i32>} : memref<64x128xf32, #tpu.memory_space<vmem>>, vector<64x128xf32>,
    %eq3A_51 = arith.constant 9 : i32
    %eq3A_52 = arith.cmpi eq, %arg0, %eq3A_51 : i32
    %convert_element_type3A_53 = arith.extui %eq3A_52 : i1 to i32
    %cond3A_54 = arith.constant 0 : i32
    %cond3A_55 = arith.cmpi ne, %convert_element_type3A_53, %cond3A_54 : i32
    scf.if %cond3A_55 {
      %get3A_56 = arith.constant 0 : index
      %get3A_57 = arith.constant 0 : index
      %get3A_58 = vector.load %arg12[%get3A_56, %get3A_57] : memref<64x128xf32, #tpu.memory_space<vmem>>, vector<64x128xf32>
      %get3A_59 = arith.constant 0 : index
      %get3A_60 = arith.constant 0 : index
      %get3A_61 = vector.load %arg13[%get3A_59, %get3A_60] : memref<64x128xf32, #tpu.memory_space<vmem>>, vector<64x128xf32>
      %max3A_62 = arith.constant 1.000000e+00 : f32
      %max3A_63 = vector.broadcast %max3A_62 : f32 to vector<64x128xf32>
      %max3A_64 = arith.maximumf %get3A_61, %max3A_63 : vector<64x128xf32>
      %div3A_65 = arith.divf %get3A_58, %max3A_64 : vector<64x128xf32>
      %get3A_66 = arith.constant 0 : index
      %get3A_67 = arith.constant 0 : index
      %get3A_68 = vector.load %arg5[%get3A_66, %get3A_67] : memref<128x256xf32, #tpu.memory_space<vmem>>, vector<128x256xf32>
      %get3A_69 = arith.constant 0 : index
      %get3A_70 = arith.constant 0 : index
      %get3A_71 = vector.load %arg6[%get3A_69, %get3A_70] : memref<128x256xf32, #tpu.memory_space<vmem>>, vector<128x256xf32>
      %add3A_72 = arith.addf %get3A_68, %get3A_71 : vector<128x256xf32>
      %dot_general3A_73 = arith.constant dense<0.000000e+00> : vector<64x256xf32>
      %dot_general3A_74 = tpu.matmul %div3A_65, %add3A_72, %dot_general3A_73 {dimension_numbers = #tpu.dot_dimension_numbers<[1], [0], [0], [1], [0, 0, 1, 1], [], []>, transpose_lhs_hint = false} : vector<64x128xf32>, vector<128x256xf32>, vector<64x256xf32> -> vector<64x256xf32>
      %get3A_75 = arith.constant 0 : index
      %get3A_76 = arith.constant 0 : index
      %get3A_77 = vector.load %arg7[%get3A_75, %get3A_76] : memref<1x256xf32, #tpu.memory_space<vmem>>, vector<1x256xf32>
      %add3A_78 = vector.broadcast %get3A_77 : vector<1x256xf32> to vector<64x256xf32>
      %add3A_79 = arith.addf %dot_general3A_74, %add3A_78 : vector<64x256xf32>
      %reduce_sum3A_80 = arith.constant dense<0.000000e+00> : vector<256xf32>
      %reduce_sum3A_81 = vector.multi_reduction <add>, %add3A_79, %reduce_sum3A_80 [0] : vector<64x256xf32> to vector<256xf32>
      %broadcast_in_dim3A_82 = vector.shape_cast %reduce_sum3A_81 : vector<256xf32> to vector<1x256xf32>
      %div3A_83 = arith.constant 6.400000e+01 : f32
      %div3A_84 = vector.broadcast %div3A_83 : f32 to vector<1x256xf32>
      %div3A_85 = arith.divf %broadcast_in_dim3A_82, %div3A_84 : vector<1x256xf32>
      %sub3A = vector.broadcast %div3A_85 : vector<1x256xf32> to vector<64x256xf32>
      %sub3A_86 = arith.subf %add3A_79, %sub3A : vector<64x256xf32>
      %integer_pow3A = arith.mulf %sub3A_86, %sub3A_86 : vector<64x256xf32>
      %reduce_sum3A_87 = arith.constant dense<0.000000e+00> : vector<256xf32>
      %reduce_sum3A_88 = vector.multi_reduction <add>, %integer_pow3A, %reduce_sum3A_87 [0] : vector<64x256xf32> to vector<256xf32>
      %broadcast_in_dim3A_89 = vector.shape_cast %reduce_sum3A_88 : vector<256xf32> to vector<1x256xf32>
      %div3A_90 = arith.constant 6.400000e+01 : f32
      %div3A_91 = vector.broadcast %div3A_90 : f32 to vector<1x256xf32>
      %div3A_92 = arith.divf %broadcast_in_dim3A_89, %div3A_91 : vector<1x256xf32>
      %sub3A_93 = vector.broadcast %div3A_85 : vector<1x256xf32> to vector<64x256xf32>
      %sub3A_94 = arith.subf %add3A_79, %sub3A_93 : vector<64x256xf32>
      %add3A_95 = arith.constant 9.99999974E-6 : f32
      %add3A_96 = vector.broadcast %add3A_95 : f32 to vector<1x256xf32>
      %add3A_97 = arith.addf %div3A_92, %add3A_96 : vector<1x256xf32>
      %sqrt3A = math.sqrt %add3A_97 : vector<1x256xf32>
      %div3A_98 = vector.broadcast %sqrt3A : vector<1x256xf32> to vector<64x256xf32>
      %div3A_99 = arith.divf %sub3A_94, %div3A_98 : vector<64x256xf32>
      %max3A_100 = arith.constant 0.000000e+00 : f32
      %max3A_101 = vector.broadcast %max3A_100 : f32 to vector<64x256xf32>
      %max3A_102 = arith.maximumf %div3A_99, %max3A_101 : vector<64x256xf32>
      %get3A_103 = arith.constant 0 : index
      %get3A_104 = arith.constant 0 : index
      %get3A_105 = vector.load %arg8[%get3A_103, %get3A_104] : memref<256x2xf32, #tpu.memory_space<vmem>>, vector<256x2xf32>
      %get3A_106 = arith.constant 0 : index
      %get3A_107 = arith.constant 0 : index
      %get3A_108 = vector.load %arg9[%get3A_106, %get3A_107] : memref<256x2xf32, #tpu.memory_space<vmem>>, vector<256x2xf32>
      %add3A_109 = arith.addf %get3A_105, %get3A_108 : vector<256x2xf32>
      %dot_general3A_110 = arith.constant dense<0.000000e+00> : vector<64x2xf32>
      %dot_general3A_111 = tpu.matmul %max3A_102, %add3A_109, %dot_general3A_110 {dimension_numbers = #tpu.dot_dimension_numbers<[1], [0], [0], [1], [0, 0, 1, 1], [], []>, transpose_lhs_hint = false} : vector<64x256xf32>, vector<256x2xf32>, vector<64x2xf32> -> vector<64x2xf32>
      %get3A_112 = arith.constant 0 : index
      %get3A_113 = arith.constant 0 : index
      %get3A_114 = vector.load %arg10[%get3A_112, %get3A_113] : memref<1x2xf32, #tpu.memory_space<vmem>>, vector<1x2xf32>
      %add3A_115 = vector.broadcast %get3A_114 : vector<1x2xf32> to vector<64x2xf32>
      %add3A_116 = arith.addf %dot_general3A_111, %add3A_115 : vector<64x2xf32>
      %swap3A_117 = arith.constant 0 : index
      %swap3A_118 = arith.constant 0 : index
      %swap3A_119 = vector.load %arg11[%swap3A_117, %swap3A_118] : memref<64x2xf32, #tpu.memory_space<vmem>>, vector<64x2xf32>
      tpu.vector_store %arg11[%swap3A_117, %swap3A_118], %add3A_116 {strides = array<i32>} : memref<64x2xf32, #tpu.memory_space<vmem>>, vector<64x2xf32>,
    } else {
    }
    return
  }
  func.func @transform_0(%arg0: i32) -> (i32, i32, i32) {
    %c0_i32 = arith.constant 0 : i32
    %c0_i32_0 = arith.constant 0 : i32
    %c0_i32_1 = arith.constant 0 : i32
    return %c0_i32, %arg0, %c0_i32_0 : i32, i32, i32
  }
  func.func @transform_1(%arg0: i32) -> (i32, i32) {
    %c0_i32 = arith.constant 0 : i32
    %c0_i32_0 = arith.constant 0 : i32
    return %c0_i32, %arg0 : i32, i32
  }
  func.func @transform_2(%arg0: i32) -> (i32, i32) {
    %c0_i32 = arith.constant 0 : i32
    %c0_i32_0 = arith.constant 0 : i32
    %c0_i32_1 = arith.constant 0 : i32
    return %c0_i32, %c0_i32_0 : i32, i32
  }
  func.func @transform_3(%arg0: i32) -> (i32, i32) {
    %c0_i32 = arith.constant 0 : i32
    %c0_i32_0 = arith.constant 0 : i32
    return %c0_i32, %arg0 : i32, i32
  }
  func.func @transform_4(%arg0: i32) -> (i32, i32) {
    %c0_i32 = arith.constant 0 : i32
    %c0_i32_0 = arith.constant 0 : i32
    %c0_i32_1 = arith.constant 0 : i32
    return %c0_i32, %c0_i32_0 : i32, i32
  }
  func.func @transform_5(%arg0: i32) -> (i32, i32) {
    %c0_i32 = arith.constant 0 : i32
    %c0_i32_0 = arith.constant 0 : i32
    %c0_i32_1 = arith.constant 0 : i32
    return %c0_i32, %c0_i32_0 : i32, i32
  }
  func.func @transform_6(%arg0: i32) -> (i32, i32) {
    %c0_i32 = arith.constant 0 : i32
    %c0_i32_0 = arith.constant 0 : i32
    %c0_i32_1 = arith.constant 0 : i32
    return %c0_i32, %c0_i32_0 : i32, i32
  }
  func.func @transform_7(%arg0: i32) -> (i32, i32) {
    %c0_i32 = arith.constant 0 : i32
    %c0_i32_0 = arith.constant 0 : i32
    %c0_i32_1 = arith.constant 0 : i32
    return %c0_i32, %c0_i32_0 : i32, i32
  }
  func.func @transform_8(%arg0: i32) -> (i32, i32) {
    %c0_i32 = arith.constant 0 : i32
    %c0_i32_0 = arith.constant 0 : i32
    %c0_i32_1 = arith.constant 0 : i32
    return %c0_i32, %c0_i32_0 : i32, i32
  }
  func.func @transform_9(%arg0: i32) -> (i32, i32) {
    %c0_i32 = arith.constant 0 : i32
    %c0_i32_0 = arith.constant 0 : i32
    %c0_i32_1 = arith.constant 0 : i32
    return %c0_i32, %c0_i32_0 : i32, i32
  }
  func.func @transform_10(%arg0: i32) -> (i32, i32) {
    %c0_i32 = arith.constant 0 : i32
    %c0_i32_0 = arith.constant 0 : i32
    %c0_i32_1 = arith.constant 0 : i32
    return %c0_i32, %c0_i32_0 : i32, i32
  }
}

</mosaic_0001>

<sc_bundles>
// kernel: kernel.12.cloned.1.call-start
scs
__scs_entry_jumppad:
0x0: {  	(pc) =	sbr.rel $0x88, $3  }
0x1: {  	(tag) =	ssettag $0x0;
	lr =	simm.s32 $0x1  }
0x2: {  	[smem:$0x3F88] =	sst lr;
	_ =	strace $0xD0000000  }
0x3: {  	_ = 	snop  }
0x4: {  	_ = 	snop  }
0x5: {  	_ = 	snop  }
0x6: {  	_ = 	snop  }
0x7: {  	_ = 	snop  }
__scs_overlays_trampoline_lowered:
0x8: {  	[smem:$0x3F97] =	sst s0  }
0x9: {  	[smem:$0x3F98] =	sst s1  }
0xa: {  	[smem:$0x3F99] =	sst s2  }
0xb: {  	[smem:$0x3F9A] =	sst s3  }
0xc: {  	[smem:$0x3F9B] =	sst s4  }
0xd: {  	[smem:$0x3F9C] =	sst s5  }
0xe: {  	[smem:$0x3F9D] =	sst s6  }
0xf: {  	[smem:$0x3F9E] =	sst s7  }
0x10: {  	[smem:$0x3F9F] =	sst s8  }
0x11: {  	[smem:$0x3FA0] =	sst s9;
	s0 =	simm.s32 @!p0 $0x0  }
0x12: {  	s1 =	sld [smem:$0x3F86];
	s0 =	simm.s32 @p0 $0x1  }
0x13: {  	[smem:$0x3FA1] =	sst s0;
	s0 =	simm.s32 @!p1 $0x0  }
0x14: {  	s2 =	sld [smem:$0x3F85];
	s0 =	simm.s32 @p1 $0x1  }
0x15: {  	[smem:$0x3FA2] =	sst s0;
	s0 =	simm.s32 @!p2 $0x0  }
0x16: {  	s3 =	sld [smem:$0x3FDB];
	s0 =	simm.s32 @p2 $0x1  }
0x17: {  	s4 =	simm.s32 $0x1BF5;
	[smem:$0x3FA4] =	sst s0  }
0x18: {  	s0 =	sld [smem:$0x3F87];
	_ =	swait.ge [sflag:s4], $0x0  }
0x19: {  	s7 =	sld [smem:$0x3F88]  }
0x1a: {  	s8 =	sadd.s32 $0xFFFFE003, lr  }
0x1b: {  	s9 =	sadd.s32 $0xFFFFFEF7, lr;
	s5 =	simm.s32 $0xFFFFFFFF;
	p2 =	slt.u32 s8, $0xFFFFF086  }
0x1c: {  	p1 =	slt.u32 s9, $0xF7A;
	s5 =	simm.s32 @!p2 $0x0  }
0x1d: {  	s5 =	simm.s32 @p1 $0x1;
	p0 =	seq.s32 s7, s2  }
0x1e: {  	s7 =	smul.u32 @!p0 $0xF7A, s2;
	p2 =	seq.s32 @!p0 s5, $0x0  }
0x1f: {  	s9 =	smul.u32 $0xF7A, s1;
	s8 =	simm.s32 @!p0 $0x1BF5;
	p2 =	por !p2, p0  }
0x20: {  	[sflag:s8] =	ssyncset.s32 @!p0 $0xFFFFF086;
	s6 =	sadd.s32 @!p0 s3, s7;
	s7 =	simm.s32 @!p0 $0x108  }
0x21: {  	s3 =	sadd.s32 s3, s9;
	s6 =	sadd.s32 @!p0 $0x88, s6;
	s7 =	simm.s32 @p2 $0x1082  }
0x22: {  	[simem:s7], [sflag:s8] =	dma.local @!p0 [hbm:s6], $0xF7A  }
0x23: {  	s9 =	sor.u32 $0xD0000000, s2;
	s6 =	simm.s32 $0x108;
	_ =	swait.ge @!p0 [sflag:s8], $0x0  }
0x24: {  	s3 =	sadd.s32 $0x88, s3;
	s6 =	simm.s32 @!p1 $0x1082;
	[sflag:s4] =	ssyncset.s32 $0xFFFFF086  }
0x25: {  	[simem:s6], [sflag:s4] =	dma.local [hbm:s3], $0xF7A  }
0x26: {  	[smem:$0x3F88] =	sst s1;
	(tag) =	ssettag s2;
	_ =	strace s9  }
0x27: {  	s1 =	sld [smem:$0x3F98]  }
0x28: {  	s2 =	sld [smem:$0x3F99]  }
0x29: {  	s4 =	sld [smem:$0x3F9B]  }
0x2a: {  	p0 =	seq.s32 s5, $0x0;
	s5 =	sld [smem:$0x3F9C]  }
0x2b: {  	s6 =	sld [smem:$0x3F9D]  }
0x2c: {  	s7 =	sld [smem:$0x3F9E]  }
0x2d: {  	s3 =	simm.s32 $0x108;
	s8 =	sld [smem:$0x3F9F]  }
0x2e: {  	s3 =	simm.s32 @!p0 $0x1082;
	s9 =	sld [smem:$0x3FA0]  }
0x2f: {  	lr =	sadd.s32 s0, s3;
	s0 =	sld [smem:$0x3F97]  }
0x30: {  	s3 =	sld [smem:$0x3F9A]  }
0x31: {  	[smem:$0x3FA3] =	sst s10  }
0x32: {  	s10 =	sld [smem:$0x3FA1];
	_ =	sdelay $0x3  }
0x33: {  	p0 =	seq.s32 s10, $0x1;
	s10 =	sld [smem:$0x3FA3];
	_ =	sdelay $0x3  }
0x34: {  	[smem:$0x3FA3] =	sst s10  }
0x35: {  	s10 =	sld [smem:$0x3FA2];
	_ =	sdelay $0x3  }
0x36: {  	p1 =	seq.s32 s10, $0x1;
	s10 =	sld [smem:$0x3FA3];
	_ =	sdelay $0x3  }
0x37: {  	[smem:$0x3FA3] =	sst s10  }
0x38: {  	s10 =	sld [smem:$0x3FA4]  }
0x39: {  	_ = 	snop;
	(pc) =	sbr.ind lr, $3  }
0x3a: {  	_ = 	snop  }
0x3b: {  	_ = 	snop  }
0x3c: {  	p2 =	seq.s32 s10, $0x1;
	s10 =	sld [smem:$0x3FA3]  }
0x3d: {  	_ =	shalt  }
0x3e: {  	_ =	shalt  }
0x3f: {  	_ =	shalt  }
0x40: {  	_ =	shalt  }
0x41: {  	_ =	shalt  }
0x42: {  	_ =	shalt  }
0x43: {  	_ =	shalt  }
0x44: {  	_ =	shalt  }
0x45: {  	_ =	shalt  }
0x46: {  	_ =	shalt  }
0x47: {  	_ =	shalt  }
0x48: {  	_ =	shalt  }
0x49: {  	_ =	shalt  }
0x4a: {  	_ =	shalt  }
0x4b: {  	_ =	shalt  }
0x4c: {  	_ =	shalt  }
0x4d: {  	_ =	shalt  }
0x4e: {  	_ =	shalt  }
0x4f: {  	_ =	shalt  }
0x50: {  	_ =	shalt  }
0x51: {  	_ =	shalt  }
0x52: {  	_ =	shalt  }
0x53: {  	_ =	shalt  }
0x54: {  	_ =	shalt  }
0x55: {  	_ =	shalt  }
0x56: {  	_ =	shalt  }
0x57: {  	_ =	shalt  }
0x58: {  	_ =	shalt  }
0x59: {  	_ =	shalt  }
0x5a: {  	_ =	shalt  }
0x5b: {  	_ =	shalt  }
0x5c: {  	_ =	shalt  }
0x5d: {  	_ =	shalt  }
0x5e: {  	_ =	shalt  }
0x5f: {  	_ =	shalt  }
0x60: {  	_ =	shalt  }
0x61: {  	_ =	shalt  }
0x62: {  	_ =	shalt  }
0x63: {  	_ =	shalt  }
0x64: {  	_ =	shalt  }
0x65: {  	_ =	shalt  }
0x66: {  	_ =	shalt  }
0x67: {  	_ =	shalt  }
0x68: {  	_ =	shalt  }
0x69: {  	_ =	shalt  }
0x6a: {  	_ =	shalt  }
0x6b: {  	_ =	shalt  }
0x6c: {  	_ =	shalt  }
0x6d: {  	_ =	shalt  }
0x6e: {  	_ =	shalt  }
0x6f: {  	_ =	shalt  }
0x70: {  	_ =	shalt  }
0x71: {  	_ =	shalt  }
0x72: {  	_ =	shalt  }
0x73: {  	_ =	shalt  }
0x74: {  	_ =	shalt  }
0x75: {  	_ =	shalt  }
0x76: {  	_ =	shalt  }
0x77: {  	_ =	shalt  }
0x78: {  	_ =	shalt  }
0x79: {  	_ =	shalt  }
0x7a: {  	_ =	shalt  }
0x7b: {  	_ =	shalt  }
0x7c: {  	_ =	shalt  }
0x7d: {  	_ =	shalt  }
0x7e: {  	_ =	shalt  }
0x7f: {  	_ =	shalt  }
0x80: {  	_ =	shalt  }
0x81: {  	_ =	shalt  }
0x82: {  	_ =	shalt  }
0x83: {  	_ =	shalt  }
0x84: {  	_ =	shalt  }
0x85: {  	_ =	shalt  }
0x86: {  	_ =	shalt  }
0x87: {  	_ =	shalt  }
.Lfunc_end0:
.L_simem_size_0:
called_computation.1_lowered:
.L_overlay_start_0:
0x88: {  	s2 =	sld [smem:$0x3FD9]  }
0x89: {  	s3 =	sld [smem:$0x3FFE];
	_ =	sdelay $0x1  }
0x8a: {  	s1 =	srdreg.scid  }
0x8b: {  	s0 =	sand.u32 $0x1, s1  }
0x8c: {  	s17 =	sshll.u32 s0, $0xA;
	s2 =	sadd.s32 s3, s2  }
0x8d: {  	s2 =	sadd.s32 s2, s17  }
0x8e: {  	[smem:$0x3FAF] =	sst s2  }
0x8f: {  	_ = 	snop  }
0x90: {  	s2 =	sld [smem:$0x3FBC];
	(tm) =	ssettm $0x1  }
0x91: {  	s18 =	sld [smem:$0x3FFB];
	_ =	sdelay $0x3  }
0x92: {  	_ =	strace s18  }
0x93: {  	s3 =	sld [smem:$0x3FFC];
	_ =	sdelay $0x3  }
0x94: {  	_ =	strace s3  }
0x95: {  	s3 =	sld [smem:$0x3FFD];
	_ =	sdelay $0x3  }
0x96: {  	_ =	strace s3  }
0x97: {  	_ =	strace $0x8FFFFFFF  }
0x98: {  	s19 =	sld [smem:$0x3FDB];
	_ =	sdelay $0x1  }
0x99: {  	s4 =	simm.s32 $_scs_section_size  }
0x9a: {  	s5 =	simm.s32 $_size__tile_overlayer_lowered;
	s6 =	simm.s32 $_tile_overlayer_lowered  }
0x9b: {  	s22 =	simm.s32 $0x1BFF;
	s21 =	sshll.u32 s6, $0x1;
	s3 =	sadd.s32 s4, s19  }
0x9c: {  	s7 =	simm.s32 $0x0;
	s20 =	sshll.u32 s5, $0x1;
	s5 =	sadd.s32 s21, s3  }
0x9d: {  	[timem:s7], [sflag:s22] =	dma.local [hbm:s5], s20  }
0x9e: {  	_ =	swait.ge [sflag:s22], s20  }
0x9f: {  	s4 =	ssub.s32 $0x0, s20;
	[sflag:s22] =	ssyncset.done $0x0  }
0xa0: {  	[sflag:s22] =	ssyncadd.s32 s4;
	_ =	sdelay $0x1  }
0xa1: {  	s23 =	simm.s32 $0x1B8B  }
0xa2: {  	_ =	swait.ge [sflag:s23], $0x1  }
0xa3: {  	[sflag:s23] =	ssyncset.done $0x0  }
0xa4: {  	s25 =	simm.s32 $0x1B8E;
	s24 =	sld [smem:$0x3FFE];
	[sflag:s23] =	ssyncadd.s32 $0xFFFFFFFF  }
0xa5: {  	s26 =	simm.s32 $execute0_lowered;
	[smem:$0x3FD2] =	sst s25  }
0xa6: {  	s5 =	sshll.u32 s26, $0x1;
	_ =	strace $0x80000049;
	[dreg:$0x1] =	wrdreg $0xFFFFFFFF  }
0xa7: {  	s28 =	simm.s32 $_size_execute0_lowered;
	s3 =	sadd.s32 s3, s5;
	[dreg:$0x0] =	wrdreg $0x0  }
0xa8: {  	s5 =	sshll.u32 s28, $0x1;
	[dreg:$0x2] =	wrdreg s3  }
0xa9: {  	[dreg:$0x3] =	wrdreg s5  }
0xaa: {  	[dreg:$0x4] =	wrdreg $0xC0  }
0xab: {  	_ =	task [dreg:s7], $0x5FFFF  }
0xac: {  	[dreg:$0x1] =	wrdreg $0xFFFFFFFF  }
0xad: {  	[dreg:$0x0] =	wrdreg $0x60  }
0xae: {  	[dreg:$0x2] =	wrdreg s24  }
0xaf: {  	[dreg:$0x3] =	wrdreg s2  }
0xb0: {  	[dreg:$0x4] =	wrdreg $0x0  }
0xb1: {  	[dreg:$0x5] =	wrdreg $0x9  }
0xb2: {  	_ =	task.clear_ibuf [dreg:s7], $0x6FFFF;
	_ =	strace $0x90000049  }
0xb3: {  	s29 =	simm.s32 $0x9;
	_ =	strace $0x8000004B  }
0xb4: {  	_ =	swait.ge [sflag:s29], $0x1  }
0xb5: {  	[sflag:s29] =	ssyncadd.s32 $0xFFFFFFFF  }
0xb6: {  	_ =	strace $0x9000004B  }
0xb7: {  	_ =	sfence  }
0xb8: {  	s30 =	sld [smem:$0x0];
	_ =	sdelay $0x2  }
0xb9: {  	s31 =	sshll.u32 s1, $0xD;
	s1 =	sshrl.u32 s1, $0x2  }
0xba: {  	s3 =	sand.u32 $0x4000, s31;
	s1 =	sadd.s32 s1, s30  }
0xbb: {  	s0 =	sor.u32 s3, s0;
	s1 =	sshll.u32 s1, $0x11  }
0xbc: {  	s0 =	sor.u32 s1, s0  }
0xbd: {  	s0 =	sadd.s32 $0x8F2B, s0  }
0xbe: {  	[sflag:s0] =	ssyncadd.remote.s32 $0x1  }
0xbf: {  	_ =	sfence.sel $0xFFFF  }
0xc0: {  	[dreg:$0x0] =	wrdreg $0xFFFFFFFF;
	(pc) =	sbr.abs _section_cstart, $3  }
0xc1: {  	[dreg:$0x1] =	wrdreg $0xFFFFFFFF  }
0xc2: {  	_ =	task.clear_ibuf [dreg:s7], $0x2FFFF;
	_ =	strace $0x9FFFFFFF  }
0xc3: {  	(tm) =	ssettm $0x7FFFFFFF  }
tec
execute0_lowered:
.L_overlay_start_1:
0x0: {  	(tag) =	ssettag $0x1  }
0x1: {  	s0 =	rddreg [dreg:$0x0]  }
0x2: {  	s2 =	rddreg [dreg:$0x2]  }
0x3: {  	s1 =	simm.s32 $0x0;
	s16 =	stileid.u32;
	s23 =	srdreg.scid  }
0x4: {  	s14 =	simm.s32 $0x1E900;
	s15 =	simm.s32 $0x3;
	s18 =	simm.s32 $0x16800  }
0x5: {  	s19 =	simm.s32 $0x16880;
	s20 =	simm.s32 $0x80;
	s21 =	simm.s32 $0x16900  }
0x6: {  	s22 =	simm.s32 $0x1A900;
	s28 =	simm.s32 $0x0;
	s29 =	simm.s32 $0x0  }
0x7: {  	[smem:$0x7FF] =	sst s1;
	s5 =	sadd.s32 $0x6600, s0;
	s6 =	sadd.s32 $0x10800, s0  }
0x8: {  	s7 =	sadd.s32 $0x1AA00, s0;
	s3 =	smul.u32 $0x14000, s16;
	s1 =	sand.u32 $0x1, s23  }
0x9: {  	s8 =	sadd.s32 $0x42A00, s0;
	s9 =	sshll.u32 s16, $0x1;
	s11 =	sshrl.u32 s16, $0x2  }
0xa: {  	s26 =	smul.u32 $0x50000, s16;
	s31 =	sshll.u32 s16, $0x6;
	s23 =	simm.s32 $0x1  }
0xb: {  	_ =	strace $0x8000004A;
	s4 =	smul.u32 $0x140000, s1;
	s9 =	sor.u32 s1, s9  }
0xc: {  	s24 =	smul.u32 $0x14000, s11;
	s1 =	ssub.s32 $0x2, s1;
	s16 =	sor.u32 $0x1C03, s31  }
0xd: {  	s10 =	sshrl.u32 s3, $0x3;
	s25 =	sshll.u32 s9, $0x7;
	s12 =	sshrl.u32 s1, $0x1  }
0xe: {  	s30 =	sshrl.u32 s26, $0x2;
	s3 =	sadd.s32 s3, s4;
	s10 =	sadd.s32 s10, s0  }
0xf: {  	s11 =	sand.u32 $0x380, s25;
	s1 =	ssub.s32 s1, s12;
	s25 =	simm.s32 $0x14000  }
0x10: {  	s3 =	sshrl.u32 s3, $0x3;
	s4 =	sor.u32 s24, s11;
	s10 =	sadd.s32 $0x6AA00, s10  }
0x11: {  	s13 =	smax.u32 s1, $0x1;
	s24 =	simm.s32 $0x2;
	s4 =	sshrl.u32 s4, $0x3  }
0x12: {  	s3 =	sadd.s32 s3, s0;
	[dreg:$0x4] =	wrdreg s10;
	s0 =	sadd.s32 s4, s0  }
0x13: {  	v1 =	vlaneseq.u32;
	s10 =	smul.u32 $0x51, s9;
	s4 =	sadd.s32 s30, s2;
	s0 =	sadd.s32 $0xE2A00, s0  }
0x14: {  	v0 =	vimm.f32 $0.0e+00;
	v1 =	vmul.u32 $0x80, v1;
	s12 =	sadd.s32 $0x92A00, s3;
	s17 =	sshrl.u32 s4, $0x3;
	[dreg:$0x5] =	wrdreg s0  }
.LBB2_1:
0x15: {  	s0 =	rddreg [dreg:$0x1];
	s1 =	simm.s32 $0x0  }
0x16: {  	[tilespmem:s14], [sflag:$0x3] =	stream.linear.gather [hbm4b:s0+s1], $0x80, $0x38;
	[tilespmem:$0x1E980] =	vst v63  }
0x17: {  	_ =	swait.ge [sflag:s15], $0x80  }
0x18: {  	[sflag:s15] =	ssyncset.done $0x0  }
0x19: {  	s31 =	rddreg [dreg:$0x4];
	[sflag:s15] =	ssyncadd.s32 $0xFFFFFF80  }
0x1a: {  	[spmem:s17], [sflag:s16] =	dma.local [hbm:s31], $0x2800  }
0x1b: {  	_ =	swait.ge [sflag:s15], $0x2800  }
0x1c: {  	[sflag:s15] =	ssyncset.done $0x0  }
0x1d: {  	s0 =	simm.s32 $0x40;
	s1 =	simm.s32 $0x0;
	[sflag:s15] =	ssyncadd.s32 $0xFFFFD800  }
.LBB2_2:
0x1e: {  	p0 =	sne.s32 s0, $0x9FC0;
	[tilespmem:s1+$0x14000] =	vst v0;
	s1 =	smov.u32 s0;
	s0 =	sadd.s32 $0x40, s0  }
.Ltmp0:
0x1f: {  	(pc) =	sbr.rel @p0 .LBB2_2-.Ltmp0, $2  }
0x20: {  	_ =	sdelay $0x2  }
0x21: {  	s1 =	sshra.s32 s1, $0x2  }
0x22: {  	[tilespmem:s1+$0x14000] =	vst v0  }
0x23: {  	s30 =	simm.s32 $0x0;
	[bflag:$0x0] =	sbarrier.arrive $0xFFFF  }
.LBB2_4:
0x24: {  	s0 =	sadd.s32 s10, s30  }
0x25: {  	s0 =	sshll.u32 s0, $0x4  }
0x26: {  	s1 =	sadd.s32 s5, s0  }
0x27: {  	[tilespmem:s18], [sflag:$0x3] =	stream.linear.gather [hbm4b:s1+s29], $0x80, $0x38;
	[tilespmem:$0x1E980] =	vst v63  }
0x28: {  	_ =	swait.ge [sflag:s15], $0x80  }
0x29: {  	[sflag:s15] =	ssyncset.done $0x0  }
0x2a: {  	s0 =	sadd.s32 s6, s0;
	[sflag:s15] =	ssyncadd.s32 $0xFFFFFF80  }
0x2b: {  	[tilespmem:s19], [sflag:$0x3] =	stream.linear.gather [hbm4b:s0+s29], $0x80, $0x38;
	[tilespmem:$0x1E980] =	vst v63  }
0x2c: {  	_ =	swait.ge [sflag:s15], $0x80  }
0x2d: {  	[sflag:s15] =	ssyncset.done $0x0  }
0x2e: {  	[sflag:s15] =	ssyncadd.s32 $0xFFFFFF80  }
0x2f: {  	[tilespmem:s21], [sflag:$0x1] =	stream.indirect.gather [hbm4b:s7+s20], $0x80, s18, s20, $0xb8;
	[tilespmem:$0x1E980] =	vst v63  }
0x30: {  	_ = 	snop  }
0x31: {  	[tilespmem:s22], [sflag:$0x2] =	stream.indirect.gather [hbm4b:s8+s20], $0x80, s19, s20, $0xb8;
	[tilespmem:$0x1E980] =	vst v63  }
0x32: {  	_ =	swait.ge [sflag:s23], $0x4000  }
0x33: {  	[sflag:s23] =	ssyncset.done $0x0  }
0x34: {  	[sflag:s23] =	ssyncadd.s32 $0xFFFFC000  }
0x35: {  	_ =	swait.ge [sflag:s24], $0x4000  }
0x36: {  	[sflag:s24] =	ssyncset.done $0x0  }
0x37: {  	s31 =	simm.s32 $0x0;
	[sflag:s24] =	ssyncadd.s32 $0xFFFFC000  }
.LBB2_5:
0x38: {  	s0 =	sshll.u32 s31, $0x4  }
0x39: {  	s1 =	simm.s32 $0x7;
	v2 =	vmov s0  }
0x3a: {  	s11 =	simm.s32 $0x6;
	v3 =	vmov s1;
	v2 =	vshll.u32 v2, $0x7  }
0x3b: {  	v5 =	vmov s11;
	v2 =	vor.u32 v1, v2  }
0x3c: {  	v4 =	vor.u32 s1, v2;
	_ =	sdelay $0x1  }
0x3d: {  	v6 =	vor.u32 s11, v2  }
0x3e: {  	s26 =	simm.s32 $0x5;
	v11 =	vld.idx.msk [tilespmem:v3+s14+$0x0], $0xffff  }
0x3f: {  	v8 =	vor.u32 s26, v2;
	v13 =	vld.idx.msk [tilespmem:v5+s14+$0x0], $0xffff  }
0x40: {  	v7 =	vld.idx.msk [tilespmem:v4+s21+$0x0], $0xffff  }
0x41: {  	s1 =	simm.s32 $0x4;
	v3 =	vmov s26;
	v4 =	vld.idx.msk [tilespmem:v4+s22+$0x0], $0xffff  }
0x42: {  	v5 =	vor.u32 s1, v2;
	v18 =	vld.idx.msk [tilespmem:v6+s21+$0x0], $0xffff  }
0x43: {  	s3 =	simm.s32 $0x3;
	v19 =	vld.idx.msk [tilespmem:v6+s22+$0x0], $0xffff  }
0x44: {  	v6 =	vor.u32 s3, v2;
	v20 =	vld.idx.msk [tilespmem:v8+s21+$0x0], $0xffff  }
0x45: {  	s26 =	simm.s32 $0x2;
	v21 =	vld.idx.msk [tilespmem:v8+s22+$0x0], $0xffff  }
0x46: {  	v24 =	vor.u32 s26, v2;
	v12 =	vld.idx.msk [tilespmem:v3+s14+$0x0], $0xffff  }
0x47: {  	s9 =	simm.s32 $0x1;
	v10 =	vimm.f32 $0.0e+00;
	v9 =	vimm.f32 $0.0e+00;
	s11 =	simm.s32 $0x0;
	v14 =	vld.idx.msk [tilespmem:v5+s21+$0x0], $0xffff  }
0x48: {  	v23 =	vor.u32 s9, v2;
	v22 =	vor.u32 s11, v2;
	v8 =	vimm.f32 $0.0e+00;
	v15 =	vld.idx.msk [tilespmem:v5+s22+$0x0], $0xffff  }
0x49: {  	v3 =	vimm.f32 $0.0e+00;
	v5 =	vimm.f32 $0.0e+00;
	v25 =	vadd.f32 v4, v7;
	v16 =	vld.idx.msk [tilespmem:v6+s21+$0x0], $0xffff  }
0x4a: {  	s4 =	simm.s32 $0xF;
	v4 =	vimm.f32 $0.0e+00;
	v17 =	vld.idx.msk [tilespmem:v6+s22+$0x0], $0xffff;
	v6 =	vimm.f32 $0.0e+00;
	v7 =	vimm.f32 $0.0e+00  }
.LBB2_6:
0x4b: {  	p0 =	sne.s32 s4, $0x7F;
	v26 =	vld.idx.msk [tilespmem:v24+s21+$0x0], $0xffff;
	v27 =	vmul.f32 $2.000000030e-01, v25  }
0x4c: {  	v28 =	vmov s1;
	v18 =	vadd.f32 v19, v18;
	v24 =	vld.idx.msk [tilespmem:v24+s22+$0x0], $0xffff  }
0x4d: {  	v29 =	vmov s3;
	v19 =	vld.idx.msk [tilespmem:v23+s21+$0x0], $0xffff;
	v25 =	vmax.f32 v25, v27  }
0x4e: {  	v20 =	vadd.f32 v21, v20;
	v27 =	vmov s26;
	v21 =	vmul.f32 $2.000000030e-01, v18;
	v23 =	vld.idx.msk [tilespmem:v23+s22+$0x0], $0xffff  }
0x4f: {  	v30 =	vmov s4;
	v32 =	vmov s9;
	v11 =	vmul.f32 v25, v11;
	v31 =	vld.idx.msk [tilespmem:v22+s21+$0x0], $0xffff  }
0x50: {  	v33 =	vmul.f32 $2.000000030e-01, v20;
	v25 =	vmov s11;
	v18 =	vmax.f32 v18, v21;
	v22 =	vld.idx.msk [tilespmem:v22+s22+$0x0], $0xffff  }
0x51: {  	s1 =	sadd.s32 $0xFFFFFFFF, s4;
	v21 =	vor.u32 s4, v2;
	v13 =	vmul.f32 v18, v13;
	v10 =	vadd.f32 v11, v10;
	v28 =	vld.idx.msk [tilespmem:v28+s14+$0x0], $0xffff  }
0x52: {  	v34 =	vor.u32 s1, v2;
	v18 =	vmov s1;
	v11 =	vmax.f32 v20, v33;
	v29 =	vld.idx.msk [tilespmem:v29+s14+$0x0], $0xffff  }
0x53: {  	v14 =	vadd.f32 v15, v14;
	s1 =	sadd.s32 $0xFFFFFFFE, s4;
	v11 =	vmul.f32 v11, v12;
	v9 =	vadd.f32 v13, v9;
	v20 =	vld.idx.msk [tilespmem:v27+s14+$0x0], $0xffff  }
0x54: {  	v12 =	vmov s1;
	v15 =	vor.u32 s1, v2;
	v13 =	vadd.f32 v17, v16;
	v27 =	vld.idx.msk [tilespmem:v32+s14+$0x0], $0xffff  }
0x55: {  	v17 =	vadd.f32 v24, v26;
	v24 =	vmul.f32 $2.000000030e-01, v14;
	v3 =	vadd.f32 v11, v3;
	v16 =	vld.idx.msk [tilespmem:v25+s14+$0x0], $0xffff  }
0x56: {  	s1 =	sadd.s32 $0xFFFFFFFD, s4;
	v19 =	vadd.f32 v23, v19;
	v23 =	vmul.f32 $2.000000030e-01, v13;
	v22 =	vadd.f32 v22, v31;
	v11 =	vld.idx.msk [tilespmem:v30+s14+$0x0], $0xffff  }
0x57: {  	v14 =	vmax.f32 v14, v24;
	v25 =	vor.u32 s1, v2;
	v30 =	vmul.f32 $2.000000030e-01, v17;
	v26 =	vld.idx.msk [tilespmem:v21+s21+$0x0], $0xffff  }
0x58: {  	v24 =	vmul.f32 $2.000000030e-01, v19;
	v23 =	vmax.f32 v13, v23;
	v31 =	vld.idx.msk [tilespmem:v21+s22+$0x0], $0xffff;
	v21 =	vmul.f32 $2.000000030e-01, v22  }
0x59: {  	v14 =	vmul.f32 v14, v28;
	v23 =	vmul.f32 v23, v29;
	v17 =	vmax.f32 v17, v30;
	v13 =	vld.idx.msk [tilespmem:v18+s14+$0x0], $0xffff  }
0x5a: {  	v17 =	vmul.f32 v17, v20;
	v18 =	vld.idx.msk [tilespmem:v34+s21+$0x0], $0xffff;
	v21 =	vmax.f32 v22, v21;
	v22 =	vmax.f32 v19, v24  }
0x5b: {  	s3 =	sadd.s32 $0xFFFFFFFC, s4;
	v4 =	vadd.f32 v14, v4;
	v19 =	vld.idx.msk [tilespmem:v34+s22+$0x0], $0xffff;
	v16 =	vmul.f32 v21, v16;
	v21 =	vmul.f32 v22, v27  }
0x5c: {  	v6 =	vadd.f32 v23, v6;
	v27 =	vor.u32 s3, v2;
	v5 =	vadd.f32 v17, v5;
	v12 =	vld.idx.msk [tilespmem:v12+s14+$0x0], $0xffff  }
0x5d: {  	s26 =	sadd.s32 $0xFFFFFFFB, s4;
	v20 =	vld.idx.msk [tilespmem:v15+s21+$0x0], $0xffff;
	v7 =	vadd.f32 v16, v7;
	v8 =	vadd.f32 v21, v8  }
.Ltmp1:
0x5e: {  	v24 =	vor.u32 s26, v2;
	v21 =	vld.idx.msk [tilespmem:v15+s22+$0x0], $0xffff;
	(pc) =	sbr.rel @p0 .LBB2_6-.Ltmp1, $4  }
0x5f: {  	s9 =	sadd.s32 $0xFFFFFFFA, s4;
	v14 =	vld.idx.msk [tilespmem:v25+s21+$0x0], $0xffff  }
0x60: {  	v23 =	vor.u32 s9, v2;
	v15 =	vld.idx.msk [tilespmem:v25+s22+$0x0], $0xffff  }
0x61: {  	s11 =	sadd.s32 $0xFFFFFFF9, s4;
	v25 =	vadd.f32 v31, v26;
	v16 =	vld.idx.msk [tilespmem:v27+s21+$0x0], $0xffff  }
0x62: {  	s4 =	sadd.s32 $0x8, s4;
	v22 =	vor.u32 s11, v2;
	v17 =	vld.idx.msk [tilespmem:v27+s22+$0x0], $0xffff  }
0x63: {  	_ =	sdelay $0x3  }
0x64: {  	v26 =	vld.idx.msk [tilespmem:v24+s21+$0x0], $0xffff  }
0x65: {  	v42 =	vld.idx.msk [tilespmem:v24+s22+$0x0], $0xffff  }
0x66: {  	v28 =	vld.idx.msk [tilespmem:v23+s21+$0x0], $0xffff;
	v29 =	vmov s3  }
0x67: {  	v27 =	vmul.f32 $2.000000030e-01, v25;
	v44 =	vmov s26;
	v45 =	vld.idx.msk [tilespmem:v22+s21+$0x0], $0xffff  }
0x68: {  	v18 =	vadd.f32 v19, v18;
	v30 =	vmov s9;
	v20 =	vadd.f32 v21, v20;
	v47 =	vld.idx.msk [tilespmem:v22+s22+$0x0], $0xffff  }
0x69: {  	v43 =	vld.idx.msk [tilespmem:v23+s22+$0x0], $0xffff;
	v31 =	vmov s11;
	v32 =	vmov s1  }
0x6a: {  	v25 =	vmax.f32 v25, v27;
	v46 =	vmul.f32 $2.000000030e-01, v18;
	v48 =	vmul.f32 $2.000000030e-01, v20  }
0x6b: {  	v14 =	vadd.f32 v15, v14;
	v11 =	vmul.f32 v25, v11;
	v49 =	vld.idx.msk [tilespmem:v29+s14+$0x0], $0xffff  }
0x6c: {  	v18 =	vmax.f32 v18, v46;
	v16 =	vadd.f32 v17, v16;
	v51 =	vmax.f32 v20, v48;
	v50 =	vld.idx.msk [tilespmem:v44+s14+$0x0], $0xffff  }
0x6d: {  	v60 =	vmul.f32 $2.000000030e-01, v14;
	v52 =	vld.idx.msk [tilespmem:v30+s14+$0x0], $0xffff;
	v53 =	vadd.f32 v42, v26;
	v22 =	vadd.f32 v47, v45  }
0x6e: {  	v13 =	vmul.f32 v18, v13;
	v54 =	vld.idx.msk [tilespmem:v31+s14+$0x0], $0xffff;
	v19 =	vadd.f32 v43, v28;
	v55 =	vmul.f32 $2.000000030e-01, v16  }
0x6f: {  	v10 =	vadd.f32 v11, v10;
	v56 =	vld.idx.msk [tilespmem:v32+s14+$0x0], $0xffff;
	v57 =	vmul.f32 $2.000000030e-01, v53;
	v58 =	vmul.f32 $2.000000030e-01, v22  }
0x70: {  	v12 =	vmul.f32 v51, v12;
	v9 =	vadd.f32 v13, v9;
	v59 =	vmul.f32 $2.000000030e-01, v19  }
0x71: {  	v16 =	vmax.f32 v16, v55;
	v13 =	vmax.f32 v53, v57;
	v17 =	vmax.f32 v22, v58  }
0x72: {  	v61 =	vmax.f32 v19, v59;
	v16 =	vmul.f32 v16, v49;
	v11 =	vmul.f32 v13, v50  }
0x73: {  	v62 =	vmax.f32 v14, v60;
	v63 =	vmul.f32 v17, v54;
	v15 =	vmul.f32 v61, v52  }
0x74: {  	v13 =	vmul.f32 v62, v56;
	v5 =	vadd.f32 v11, v5;
	v6 =	vadd.f32 v16, v6  }
0x75: {  	v7 =	vadd.f32 v63, v7;
	v8 =	vadd.f32 v15, v8  }
0x76: {  	v3 =	vadd.f32 v12, v3;
	v4 =	vadd.f32 v13, v4  }
0x77: {  	v7 =	vadd.f32 v8, v7;
	v5 =	vadd.f32 v6, v5  }
0x78: {  	v3 =	vadd.f32 v3, v4;
	v4 =	vadd.f32 v10, v9;
	_ =	sdelay $0x1  }
0x79: {  	v5 =	vadd.f32 v5, v7;
	v3 =	vadd.f32 v4, v3;
	_ =	sdelay $0x1  }
0x7a: {  	v3 =	vadd.f32 v3, v5;
	_ =	sdelay $0x1  }
0x7b: {  	v3 =	vmul.f32 $1.442695020e+00, v3;
	_ =	sdelay $0x1  }
0x7c: {  	(erf) = vpow2.f32 v3  }
0x7d: {  	s4 =	simm.s32 $0x0  }
0x7e: {  	v4 =	vld [tilespmem:s0+$0x16880];
	v3 =	vmov s4  }
0x7f: {  	v3 =	vand.u32 $0x7C, v3  }
0x80: {  	v3 =	vbroadcast v3, $0x0;
	_ =	sdelay $0x1  }
0x81: {  	v5 =	vor.u32 v2, v3;
	_ =	sdelay $0x2  }
0x82: {  	s9 =	simm.s32 $0x1;
	v3 =	vpop (erf)  }
0x83: {  	[tilespmem:v4+s25+$0x0] =	vst.idx.add.f32.msk $0xffff, v3;
	v4 =	vmov s9  }
0x84: {  	v6 =	vld.idx.msk [tilespmem:v5+s21+$0x0], $0xffff;
	v4 =	vand.u32 $0x7D, v4  }
0x85: {  	v4 =	vbroadcast v4, $0x0;
	_ =	sdelay $0x1  }
0x86: {  	v4 =	vor.u32 v2, v4;
	_ =	sdelay $0x1  }
0x87: {  	v6 =	vmul.f32 v6, v3  }
0x88: {  	s11 =	simm.s32 $0x2  }
0x89: {  	[tilespmem:v5+s21+$0x0] =	vst.idx.msk $0xffff, v6;
	v5 =	vmov s11  }
0x8a: {  	v6 =	vld.idx.msk [tilespmem:v4+s21+$0x0], $0xffff;
	v5 =	vand.u32 $0x7E, v5  }
0x8b: {  	v5 =	vbroadcast v5, $0x0;
	_ =	sdelay $0x1  }
0x8c: {  	v7 =	vor.u32 v2, v5;
	_ =	sdelay $0x1  }
0x8d: {  	v5 =	vmul.f32 v6, v3  }
0x8e: {  	s26 =	simm.s32 $0x3  }
0x8f: {  	[tilespmem:v4+s21+$0x0] =	vst.idx.msk $0xffff, v5;
	v4 =	vmov s26  }
0x90: {  	v6 =	vld.idx.msk [tilespmem:v7+s21+$0x0], $0xffff;
	v4 =	vand.u32 $0x7F, v4  }
0x91: {  	v4 =	vbroadcast v4, $0x0;
	_ =	sdelay $0x1  }
0x92: {  	v5 =	vor.u32 v2, v4;
	_ =	sdelay $0x1  }
0x93: {  	v4 =	vmul.f32 v6, v3  }
0x94: {  	s0 =	simm.s32 $0x4  }
0x95: {  	[tilespmem:v7+s21+$0x0] =	vst.idx.msk $0xffff, v4;
	v4 =	vmov s0  }
0x96: {  	v6 =	vld.idx.msk [tilespmem:v5+s21+$0x0], $0xffff;
	v4 =	vand.u32 $0x7C, v4  }
0x97: {  	v4 =	vbroadcast v4, $0x0;
	_ =	sdelay $0x1  }
0x98: {  	v4 =	vor.u32 v2, v4;
	_ =	sdelay $0x1  }
0x99: {  	s1 =	simm.s32 $0x8;
	v6 =	vmul.f32 v6, v3  }
.LBB2_8:
0x9a: {  	p0 =	sne.s32 s1, $0x7C  }
0x9b: {  	s3 =	sadd.s32 $0x1, s0;
	s4 =	smov.u32 s1;
	s1 =	sadd.s32 $0x4, s1;
	[tilespmem:v5+s21+$0x0] =	vst.idx.msk $0xffff, v6  }
0x9c: {  	v6 =	vmov s3;
	v5 =	vld.idx.msk [tilespmem:v4+s21+$0x0], $0xffff  }
0x9d: {  	v6 =	vand.u32 $0x7D, v6  }
0x9e: {  	v6 =	vbroadcast v6, $0x0;
	_ =	sdelay $0x1  }
0x9f: {  	v6 =	vor.u32 v2, v6;
	_ =	sdelay $0x1  }
0xa0: {  	v5 =	vmul.f32 v5, v3;
	_ =	sdelay $0x1  }
0xa1: {  	s3 =	sadd.s32 $0x2, s0;
	[tilespmem:v4+s21+$0x0] =	vst.idx.msk $0xffff, v5  }
0xa2: {  	v5 =	vmov s3;
	v4 =	vld.idx.msk [tilespmem:v6+s21+$0x0], $0xffff  }
0xa3: {  	v5 =	vand.u32 $0x7E, v5  }
0xa4: {  	v5 =	vbroadcast v5, $0x0;
	_ =	sdelay $0x1  }
0xa5: {  	v7 =	vor.u32 v2, v5;
	_ =	sdelay $0x1  }
0xa6: {  	v4 =	vmul.f32 v4, v3;
	_ =	sdelay $0x1  }
0xa7: {  	s3 =	sadd.s32 $0x3, s0;
	s0 =	smov.u32 s4;
	[tilespmem:v6+s21+$0x0] =	vst.idx.msk $0xffff, v4  }
0xa8: {  	v5 =	vmov s3;
	v4 =	vld.idx.msk [tilespmem:v7+s21+$0x0], $0xffff  }
0xa9: {  	v5 =	vand.u32 $0x7F, v5  }
0xaa: {  	v5 =	vbroadcast v5, $0x0;
	_ =	sdelay $0x1  }
0xab: {  	v5 =	vor.u32 v2, v5;
	_ =	sdelay $0x1  }
0xac: {  	v4 =	vmul.f32 v4, v3;
	_ =	sdelay $0x1  }
0xad: {  	[tilespmem:v7+s21+$0x0] =	vst.idx.msk $0xffff, v4  }
0xae: {  	v4 =	vmov s0;
	v6 =	vld.idx.msk [tilespmem:v5+s21+$0x0], $0xffff  }
0xaf: {  	v4 =	vand.u32 $0x7C, v4  }
.Ltmp2:
0xb0: {  	v4 =	vbroadcast v4, $0x0;
	(pc) =	sbr.rel @p0 .LBB2_8-.Ltmp2, $3  }
0xb1: {  	_ = 	snop  }
0xb2: {  	v4 =	vor.u32 v2, v4;
	_ =	sdelay $0x1  }
0xb3: {  	v6 =	vmul.f32 v6, v3  }
0xb4: {  	_ =	sdelay $0x2  }
0xb5: {  	s1 =	sadd.s32 $0x1, s0  }
0xb6: {  	[tilespmem:v5+s21+$0x0] =	vst.idx.msk $0xffff, v6;
	v60 =	vmov s1  }
0xb7: {  	v6 =	vld.idx.msk [tilespmem:v4+s21+$0x0], $0xffff;
	v5 =	vand.u32 $0x7D, v60  }
0xb8: {  	v5 =	vbroadcast v5, $0x0;
	_ =	sdelay $0x1  }
0xb9: {  	v5 =	vor.u32 v2, v5;
	_ =	sdelay $0x1  }
0xba: {  	v6 =	vmul.f32 v6, v3  }
0xbb: {  	s11 =	sadd.s32 $0x2, s0  }
0xbc: {  	v61 =	vmov s11;
	[tilespmem:v4+s21+$0x0] =	vst.idx.msk $0xffff, v6  }
0xbd: {  	v4 =	vand.u32 $0x7E, v61;
	v6 =	vld.idx.msk [tilespmem:v5+s21+$0x0], $0xffff  }
0xbe: {  	v4 =	vbroadcast v4, $0x0;
	_ =	sdelay $0x1  }
0xbf: {  	v4 =	vor.u32 v2, v4;
	_ =	sdelay $0x1  }
0xc0: {  	v6 =	vmul.f32 v6, v3  }
0xc1: {  	s26 =	sadd.s32 $0x3, s0  }
0xc2: {  	v62 =	vmov s26;
	[tilespmem:v5+s21+$0x0] =	vst.idx.msk $0xffff, v6  }
0xc3: {  	v5 =	vand.u32 $0x7F, v62;
	v6 =	vld.idx.msk [tilespmem:v4+s21+$0x0], $0xffff  }
0xc4: {  	v5 =	vbroadcast v5, $0x0;
	_ =	sdelay $0x1  }
0xc5: {  	v2 =	vor.u32 v2, v5;
	_ =	sdelay $0x1  }
0xc6: {  	v63 =	vmul.f32 v6, v3;
	_ =	sdelay $0x1  }
0xc7: {  	[tilespmem:v4+s21+$0x0] =	vst.idx.msk $0xffff, v63  }
0xc8: {  	v4 =	vld.idx.msk [tilespmem:v2+s21+$0x0], $0xffff  }
0xc9: {  	s31 =	sadd.s32 $0x1, s31  }
0xca: {  	p0 =	sne.s32 s31, $0x8  }
.Ltmp3:
0xcb: {  	_ = 	snop;
	(pc) =	sbr.rel @p0 .LBB2_5-.Ltmp3, $3  }
0xcc: {  	_ = 	snop  }
0xcd: {  	v3 =	vmul.f32 v4, v3;
	_ =	sdelay $0x1  }
0xce: {  	[tilespmem:v2+s21+$0x0] =	vst.idx.msk $0xffff, v3  }
0xcf: {  	s30 =	sadd.s32 $0x1, s30  }
0xd0: {  	p0 =	sne.s32 s30, $0x51  }
.Ltmp4:
0xd1: {  	_ = 	snop;
	(pc) =	sbr.rel @p0 .LBB2_4-.Ltmp4, $4  }
0xd2: {  	[spmem:s2] =	stream.indirect.scatter.add.f32 [tilespmem:s21], [sflag:$0x3], $0x80, s19, s20, $0xb8;
	[tilespmem:$0x1E980] =	vst v63  }
0xd3: {  	_ =	swait.ge [sflag:s15], $0x4000  }
0xd4: {  	[sflag:s15] =	ssyncset.done $0x0  }
0xd5: {  	[sflag:s15] =	ssyncadd.s32 $0xFFFFC000  }
0xd6: {  	[bflag:$0x0] =	sbarrier.arrive $0xFFFF  }
0xd7: {  	s1 =	simm.s32 $0x400;
	s0 =	rddreg [dreg:$0x5]  }
0xd8: {  	[hbm4b:s0+s20] =	stream.strided.scatter [tilespmem:s25], [sflag:$0x3], $0x2800, s1, s20, $0x38;
	[tilespmem:$0x1E980] =	vst v63  }
0xd9: {  	s28 =	sadd.s32 $0x1, s28;
	_ =	swait.ge [sflag:s15], $0x2800  }
0xda: {  	p0 =	sne.s32 s28, s13;
	[sflag:s15] =	ssyncset.done $0x0  }
.Ltmp5:
0xdb: {  	[sflag:s15] =	ssyncadd.s32 $0xFFFFD800;
	(pc) =	sbr.rel @p0 .LBB2_1-.Ltmp5, $4  }
0xdc: {  	[hbm:s12], [sflag:s16] =	dma.local [spmem:s17], $0x2800  }
0xdd: {  	_ =	swait.ge [sflag:s15], $0x2800  }
0xde: {  	[sflag:s15] =	ssyncset.done $0x0  }
0xdf: {  	[sflag:s15] =	ssyncadd.s32 $0xFFFFD800  }
0xe0: {  	_ =	sfence.sel $0x180000  }
0xe1: {  	[bflag:$0x0] =	sbarrier.arrive $0xFFFF  }
0xe2: {  	_ =	strace $0x9000004A  }
0xe3: {  	s0 =	stileid.u32;
	[bflag:$0x2] =	sbarrier.arrive $0xFFFF  }
0xe4: {  	p0 =	sne.s32 s0, $0x0;
	s0 =	rddreg [dreg:$0x3]  }
0xe5: {  	s0 =	sadd.s32 @!p0 $0x100000, s0  }
0xe6: {  	[sflag:s0] =	ssyncadd.tile.s32 @!p0 $0x1;
	_ =	shalt  }
.Lfunc_end2:
_tile_overlayer_lowered:
.L_overlay_start_2:
0xe7: {  	(tag) =	ssettag $0x2  }
0xe8: {  	s0 =	rddreg [dreg:$0x0];
	s2 =	stileid.u32  }
0xe9: {  	s1 =	rddreg [dreg:$0x1];
	p0 =	sne.s32 s2, $0x0  }
0xea: {  	s3 =	rddreg [dreg:$0x2];
	[bflag:$0x3] =	sbarrier.arrive $0xFFFF;
	s2 =	simm.s32 @!p0 $0x1C03  }
0xeb: {  	[timem:s3], [sflag:s2] =	dma.local @!p0 [hbm:s0], s1  }
0xec: {  	s0 =	simm.s32 @!p0 $0x3  }
0xed: {  	_ =	swait.ge @!p0 [sflag:s0], s1  }
0xee: {  	s1 =	ssub.s32 @!p0 $0x0, s1;
	[sflag:s0] =	ssyncset.done @!p0 $0x0  }
0xef: {  	[sflag:s0] =	ssyncadd.s32 @!p0 s1  }
0xf0: {  	[bflag:$0x3] =	sbarrier.arrive $0xFFFF  }
0xf1: {  	_ =	shalt  }

// kernel: kernel.15.cloned.1.call-start
scs
__scs_entry_jumppad:
0x0: {  	(pc) =	sbr.rel $0x88, $3  }
0x1: {  	(tag) =	ssettag $0x0;
	lr =	simm.s32 $0x1  }
0x2: {  	[smem:$0x3F88] =	sst lr;
	_ =	strace $0xD0000000  }
0x3: {  	_ = 	snop  }
0x4: {  	_ = 	snop  }
0x5: {  	_ = 	snop  }
0x6: {  	_ = 	snop  }
0x7: {  	_ = 	snop  }
__scs_overlays_trampoline_lowered:
0x8: {  	[smem:$0x3F97] =	sst s0  }
0x9: {  	[smem:$0x3F98] =	sst s1  }
0xa: {  	[smem:$0x3F99] =	sst s2  }
0xb: {  	[smem:$0x3F9A] =	sst s3  }
0xc: {  	[smem:$0x3F9B] =	sst s4  }
0xd: {  	[smem:$0x3F9C] =	sst s5  }
0xe: {  	[smem:$0x3F9D] =	sst s6  }
0xf: {  	[smem:$0x3F9E] =	sst s7  }
0x10: {  	[smem:$0x3F9F] =	sst s8  }
0x11: {  	[smem:$0x3FA0] =	sst s9;
	s0 =	simm.s32 @!p0 $0x0  }
0x12: {  	s1 =	sld [smem:$0x3F86];
	s0 =	simm.s32 @p0 $0x1  }
0x13: {  	[smem:$0x3FA1] =	sst s0;
	s0 =	simm.s32 @!p1 $0x0  }
0x14: {  	s2 =	sld [smem:$0x3F85];
	s0 =	simm.s32 @p1 $0x1  }
0x15: {  	[smem:$0x3FA2] =	sst s0;
	s0 =	simm.s32 @!p2 $0x0  }
0x16: {  	s3 =	sld [smem:$0x3FDB];
	s0 =	simm.s32 @p2 $0x1  }
0x17: {  	s4 =	simm.s32 $0x1BF5;
	[smem:$0x3FA4] =	sst s0  }
0x18: {  	s0 =	sld [smem:$0x3F87];
	_ =	swait.ge [sflag:s4], $0x0  }
0x19: {  	s7 =	sld [smem:$0x3F88]  }
0x1a: {  	s8 =	sadd.s32 $0xFFFFE003, lr  }
0x1b: {  	s9 =	sadd.s32 $0xFFFFFEF7, lr;
	s5 =	simm.s32 $0xFFFFFFFF;
	p2 =	slt.u32 s8, $0xFFFFF086  }
0x1c: {  	p1 =	slt.u32 s9, $0xF7A;
	s5 =	simm.s32 @!p2 $0x0  }
0x1d: {  	s5 =	simm.s32 @p1 $0x1;
	p0 =	seq.s32 s7, s2  }
0x1e: {  	s7 =	smul.u32 @!p0 $0xF7A, s2;
	p2 =	seq.s32 @!p0 s5, $0x0  }
0x1f: {  	s9 =	smul.u32 $0xF7A, s1;
	s8 =	simm.s32 @!p0 $0x1BF5;
	p2 =	por !p2, p0  }
0x20: {  	[sflag:s8] =	ssyncset.s32 @!p0 $0xFFFFF086;
	s6 =	sadd.s32 @!p0 s3, s7;
	s7 =	simm.s32 @!p0 $0x108  }
0x21: {  	s3 =	sadd.s32 s3, s9;
	s6 =	sadd.s32 @!p0 $0x88, s6;
	s7 =	simm.s32 @p2 $0x1082  }
0x22: {  	[simem:s7], [sflag:s8] =	dma.local @!p0 [hbm:s6], $0xF7A  }
0x23: {  	s9 =	sor.u32 $0xD0000000, s2;
	s6 =	simm.s32 $0x108;
	_ =	swait.ge @!p0 [sflag:s8], $0x0  }
0x24: {  	s3 =	sadd.s32 $0x88, s3;
	s6 =	simm.s32 @!p1 $0x1082;
	[sflag:s4] =	ssyncset.s32 $0xFFFFF086  }
0x25: {  	[simem:s6], [sflag:s4] =	dma.local [hbm:s3], $0xF7A  }
0x26: {  	[smem:$0x3F88] =	sst s1;
	(tag) =	ssettag s2;
	_ =	strace s9  }
0x27: {  	s1 =	sld [smem:$0x3F98]  }
0x28: {  	s2 =	sld [smem:$0x3F99]  }
0x29: {  	s4 =	sld [smem:$0x3F9B]  }
0x2a: {  	p0 =	seq.s32 s5, $0x0;
	s5 =	sld [smem:$0x3F9C]  }
0x2b: {  	s6 =	sld [smem:$0x3F9D]  }
0x2c: {  	s7 =	sld [smem:$0x3F9E]  }
0x2d: {  	s3 =	simm.s32 $0x108;
	s8 =	sld [smem:$0x3F9F]  }
0x2e: {  	s3 =	simm.s32 @!p0 $0x1082;
	s9 =	sld [smem:$0x3FA0]  }
0x2f: {  	lr =	sadd.s32 s0, s3;
	s0 =	sld [smem:$0x3F97]  }
0x30: {  	s3 =	sld [smem:$0x3F9A]  }
0x31: {  	[smem:$0x3FA3] =	sst s10  }
0x32: {  	s10 =	sld [smem:$0x3FA1];
	_ =	sdelay $0x3  }
0x33: {  	p0 =	seq.s32 s10, $0x1;
	s10 =	sld [smem:$0x3FA3];
	_ =	sdelay $0x3  }
0x34: {  	[smem:$0x3FA3] =	sst s10  }
0x35: {  	s10 =	sld [smem:$0x3FA2];
	_ =	sdelay $0x3  }
0x36: {  	p1 =	seq.s32 s10, $0x1;
	s10 =	sld [smem:$0x3FA3];
	_ =	sdelay $0x3  }
0x37: {  	[smem:$0x3FA3] =	sst s10  }
0x38: {  	s10 =	sld [smem:$0x3FA4]  }
0x39: {  	_ = 	snop;
	(pc) =	sbr.ind lr, $3  }
0x3a: {  	_ = 	snop  }
0x3b: {  	_ = 	snop  }
0x3c: {  	p2 =	seq.s32 s10, $0x1;
	s10 =	sld [smem:$0x3FA3]  }
0x3d: {  	_ =	shalt  }
0x3e: {  	_ =	shalt  }
0x3f: {  	_ =	shalt  }
0x40: {  	_ =	shalt  }
0x41: {  	_ =	shalt  }
0x42: {  	_ =	shalt  }
0x43: {  	_ =	shalt  }
0x44: {  	_ =	shalt  }
0x45: {  	_ =	shalt  }
0x46: {  	_ =	shalt  }
0x47: {  	_ =	shalt  }
0x48: {  	_ =	shalt  }
0x49: {  	_ =	shalt  }
0x4a: {  	_ =	shalt  }
0x4b: {  	_ =	shalt  }
0x4c: {  	_ =	shalt  }
0x4d: {  	_ =	shalt  }
0x4e: {  	_ =	shalt  }
0x4f: {  	_ =	shalt  }
0x50: {  	_ =	shalt  }
0x51: {  	_ =	shalt  }
0x52: {  	_ =	shalt  }
0x53: {  	_ =	shalt  }
0x54: {  	_ =	shalt  }
0x55: {  	_ =	shalt  }
0x56: {  	_ =	shalt  }
0x57: {  	_ =	shalt  }
0x58: {  	_ =	shalt  }
0x59: {  	_ =	shalt  }
0x5a: {  	_ =	shalt  }
0x5b: {  	_ =	shalt  }
0x5c: {  	_ =	shalt  }
0x5d: {  	_ =	shalt  }
0x5e: {  	_ =	shalt  }
0x5f: {  	_ =	shalt  }
0x60: {  	_ =	shalt  }
0x61: {  	_ =	shalt  }
0x62: {  	_ =	shalt  }
0x63: {  	_ =	shalt  }
0x64: {  	_ =	shalt  }
0x65: {  	_ =	shalt  }
0x66: {  	_ =	shalt  }
0x67: {  	_ =	shalt  }
0x68: {  	_ =	shalt  }
0x69: {  	_ =	shalt  }
0x6a: {  	_ =	shalt  }
0x6b: {  	_ =	shalt  }
0x6c: {  	_ =	shalt  }
0x6d: {  	_ =	shalt  }
0x6e: {  	_ =	shalt  }
0x6f: {  	_ =	shalt  }
0x70: {  	_ =	shalt  }
0x71: {  	_ =	shalt  }
0x72: {  	_ =	shalt  }
0x73: {  	_ =	shalt  }
0x74: {  	_ =	shalt  }
0x75: {  	_ =	shalt  }
0x76: {  	_ =	shalt  }
0x77: {  	_ =	shalt  }
0x78: {  	_ =	shalt  }
0x79: {  	_ =	shalt  }
0x7a: {  	_ =	shalt  }
0x7b: {  	_ =	shalt  }
0x7c: {  	_ =	shalt  }
0x7d: {  	_ =	shalt  }
0x7e: {  	_ =	shalt  }
0x7f: {  	_ =	shalt  }
0x80: {  	_ =	shalt  }
0x81: {  	_ =	shalt  }
0x82: {  	_ =	shalt  }
0x83: {  	_ =	shalt  }
0x84: {  	_ =	shalt  }
0x85: {  	_ =	shalt  }
0x86: {  	_ =	shalt  }
0x87: {  	_ =	shalt  }
.Lfunc_end0:
.L_simem_size_0:
called_computation.2_lowered:
.L_overlay_start_0:
0x88: {  	s2 =	sld [smem:$0x3FD9]  }
0x89: {  	s3 =	sld [smem:$0x3FFE];
	_ =	sdelay $0x1  }
0x8a: {  	s1 =	srdreg.scid  }
0x8b: {  	s0 =	sand.u32 $0x1, s1  }
0x8c: {  	s17 =	sshll.u32 s0, $0xA;
	s2 =	sadd.s32 s3, s2  }
0x8d: {  	s2 =	sadd.s32 s2, s17  }
0x8e: {  	[smem:$0x3FAF] =	sst s2  }
0x8f: {  	_ = 	snop  }
0x90: {  	s2 =	sld [smem:$0x3FB6];
	(tm) =	ssettm $0x1  }
0x91: {  	s18 =	sld [smem:$0x3FFB];
	_ =	sdelay $0x3  }
0x92: {  	_ =	strace s18  }
0x93: {  	s3 =	sld [smem:$0x3FFC];
	_ =	sdelay $0x3  }
0x94: {  	_ =	strace s3  }
0x95: {  	s3 =	sld [smem:$0x3FFD];
	_ =	sdelay $0x3  }
0x96: {  	_ =	strace s3  }
0x97: {  	_ =	strace $0x8FFFFFFF  }
0x98: {  	s19 =	sld [smem:$0x3FDB];
	_ =	sdelay $0x1  }
0x99: {  	s4 =	simm.s32 $_scs_section_size  }
0x9a: {  	s5 =	simm.s32 $_size__tile_overlayer_lowered;
	s6 =	simm.s32 $_tile_overlayer_lowered  }
0x9b: {  	s22 =	simm.s32 $0x1BFF;
	s21 =	sshll.u32 s6, $0x1;
	s3 =	sadd.s32 s4, s19  }
0x9c: {  	s7 =	simm.s32 $0x0;
	s20 =	sshll.u32 s5, $0x1;
	s5 =	sadd.s32 s21, s3  }
0x9d: {  	[timem:s7], [sflag:s22] =	dma.local [hbm:s5], s20  }
0x9e: {  	_ =	swait.ge [sflag:s22], s20  }
0x9f: {  	s4 =	ssub.s32 $0x0, s20;
	[sflag:s22] =	ssyncset.done $0x0  }
0xa0: {  	[sflag:s22] =	ssyncadd.s32 s4;
	_ =	sdelay $0x1  }
0xa1: {  	s23 =	simm.s32 $0x1B8B  }
0xa2: {  	_ =	swait.ge [sflag:s23], $0x1  }
0xa3: {  	[sflag:s23] =	ssyncset.done $0x0  }
0xa4: {  	s25 =	simm.s32 $0x1B8E;
	s24 =	sld [smem:$0x3FFE];
	[sflag:s23] =	ssyncadd.s32 $0xFFFFFFFF  }
0xa5: {  	s26 =	simm.s32 $execute0_lowered;
	[smem:$0x3FD2] =	sst s25  }
0xa6: {  	s5 =	sshll.u32 s26, $0x1;
	_ =	strace $0x8000004C;
	[dreg:$0x1] =	wrdreg $0xFFFFFFFF  }
0xa7: {  	s28 =	simm.s32 $_size_execute0_lowered;
	s3 =	sadd.s32 s3, s5;
	[dreg:$0x0] =	wrdreg $0x0  }
0xa8: {  	s5 =	sshll.u32 s28, $0x1;
	[dreg:$0x2] =	wrdreg s3  }
0xa9: {  	[dreg:$0x3] =	wrdreg s5  }
0xaa: {  	[dreg:$0x4] =	wrdreg $0xC0  }
0xab: {  	_ =	task [dreg:s7], $0x5FFFF  }
0xac: {  	[dreg:$0x1] =	wrdreg $0xFFFFFFFF  }
0xad: {  	[dreg:$0x0] =	wrdreg $0x60  }
0xae: {  	[dreg:$0x2] =	wrdreg s24  }
0xaf: {  	[dreg:$0x3] =	wrdreg s2  }
0xb0: {  	[dreg:$0x4] =	wrdreg $0x0  }
0xb1: {  	[dreg:$0x5] =	wrdreg $0x9  }
0xb2: {  	_ =	task.clear_ibuf [dreg:s7], $0x6FFFF;
	_ =	strace $0x9000004C  }
0xb3: {  	s29 =	simm.s32 $0x9;
	_ =	strace $0x8000004E  }
0xb4: {  	_ =	swait.ge [sflag:s29], $0x1  }
0xb5: {  	[sflag:s29] =	ssyncadd.s32 $0xFFFFFFFF  }
0xb6: {  	_ =	strace $0x9000004E  }
0xb7: {  	_ =	sfence  }
0xb8: {  	s30 =	sld [smem:$0x0];
	_ =	sdelay $0x2  }
0xb9: {  	s31 =	sshll.u32 s1, $0xD;
	s1 =	sshrl.u32 s1, $0x2  }
0xba: {  	s3 =	sand.u32 $0x4000, s31;
	s1 =	sadd.s32 s1, s30  }
0xbb: {  	s0 =	sor.u32 s3, s0;
	s1 =	sshll.u32 s1, $0x11  }
0xbc: {  	s0 =	sor.u32 s1, s0  }
0xbd: {  	s0 =	sadd.s32 $0x8F2B, s0  }
0xbe: {  	[sflag:s0] =	ssyncadd.remote.s32 $0x1  }
0xbf: {  	_ =	sfence.sel $0xFFFF  }
0xc0: {  	[dreg:$0x0] =	wrdreg $0xFFFFFFFF;
	(pc) =	sbr.abs _section_cstart, $3  }
0xc1: {  	[dreg:$0x1] =	wrdreg $0xFFFFFFFF  }
0xc2: {  	_ =	task.clear_ibuf [dreg:s7], $0x2FFFF;
	_ =	strace $0x9FFFFFFF  }
0xc3: {  	(tm) =	ssettm $0x7FFFFFFF  }
tec
execute0_lowered:
.L_overlay_start_1:
0x0: {  	(tag) =	ssettag $0x1  }
0x1: {  	s0 =	rddreg [dreg:$0x0]  }
0x2: {  	s2 =	rddreg [dreg:$0x2]  }
0x3: {  	s1 =	simm.s32 $0x0;
	s16 =	stileid.u32;
	s23 =	srdreg.scid  }
0x4: {  	s14 =	simm.s32 $0x1E900;
	s15 =	simm.s32 $0x3;
	s18 =	simm.s32 $0x16800  }
0x5: {  	s19 =	simm.s32 $0x16880;
	s20 =	simm.s32 $0x80;
	s21 =	simm.s32 $0x16900  }
0x6: {  	s22 =	simm.s32 $0x1A900;
	s28 =	simm.s32 $0x0;
	s29 =	simm.s32 $0x0  }
0x7: {  	[smem:$0x7FF] =	sst s1;
	s5 =	sadd.s32 $0x6600, s0;
	s6 =	sadd.s32 $0x10800, s0  }
0x8: {  	s7 =	sadd.s32 $0x1AA00, s0;
	s3 =	smul.u32 $0x14000, s16;
	s1 =	sand.u32 $0x1, s23  }
0x9: {  	s8 =	sadd.s32 $0x42A00, s0;
	s9 =	sshll.u32 s16, $0x1;
	s11 =	sshrl.u32 s16, $0x2  }
0xa: {  	s26 =	smul.u32 $0x50000, s16;
	s31 =	sshll.u32 s16, $0x6;
	s23 =	simm.s32 $0x1  }
0xb: {  	_ =	strace $0x8000004D;
	s4 =	smul.u32 $0x140000, s1;
	s9 =	sor.u32 s1, s9  }
0xc: {  	s24 =	smul.u32 $0x14000, s11;
	s1 =	ssub.s32 $0x2, s1;
	s16 =	sor.u32 $0x1C03, s31  }
0xd: {  	s10 =	sshrl.u32 s3, $0x3;
	s25 =	sshll.u32 s9, $0x7;
	s12 =	sshrl.u32 s1, $0x1  }
0xe: {  	s30 =	sshrl.u32 s26, $0x2;
	s3 =	sadd.s32 s3, s4;
	s10 =	sadd.s32 s10, s0  }
0xf: {  	s11 =	sand.u32 $0x380, s25;
	s1 =	ssub.s32 s1, s12;
	s25 =	simm.s32 $0x14000  }
0x10: {  	s3 =	sshrl.u32 s3, $0x3;
	s4 =	sor.u32 s24, s11;
	s10 =	sadd.s32 $0x6AA00, s10  }
0x11: {  	s13 =	smax.u32 s1, $0x1;
	s24 =	simm.s32 $0x2;
	s4 =	sshrl.u32 s4, $0x3  }
0x12: {  	s3 =	sadd.s32 s3, s0;
	[dreg:$0x4] =	wrdreg s10;
	s0 =	sadd.s32 s4, s0  }
0x13: {  	v1 =	vlaneseq.u32;
	s10 =	smul.u32 $0x51, s9;
	s4 =	sadd.s32 s30, s2;
	s0 =	sadd.s32 $0xE2A00, s0  }
0x14: {  	v0 =	vimm.f32 $0.0e+00;
	v1 =	vmul.u32 $0x80, v1;
	s12 =	sadd.s32 $0x92A00, s3;
	s17 =	sshrl.u32 s4, $0x3;
	[dreg:$0x5] =	wrdreg s0  }
.LBB2_1:
0x15: {  	s0 =	rddreg [dreg:$0x1];
	s1 =	simm.s32 $0x0  }
0x16: {  	[tilespmem:s14], [sflag:$0x3] =	stream.linear.gather [hbm4b:s0+s1], $0x80, $0x38;
	[tilespmem:$0x1E980] =	vst v63  }
0x17: {  	_ =	swait.ge [sflag:s15], $0x80  }
0x18: {  	[sflag:s15] =	ssyncset.done $0x0  }
0x19: {  	s31 =	rddreg [dreg:$0x4];
	[sflag:s15] =	ssyncadd.s32 $0xFFFFFF80  }
0x1a: {  	[spmem:s17], [sflag:s16] =	dma.local [hbm:s31], $0x2800  }
0x1b: {  	_ =	swait.ge [sflag:s15], $0x2800  }
0x1c: {  	[sflag:s15] =	ssyncset.done $0x0  }
0x1d: {  	s0 =	simm.s32 $0x40;
	s1 =	simm.s32 $0x0;
	[sflag:s15] =	ssyncadd.s32 $0xFFFFD800  }
.LBB2_2:
0x1e: {  	p0 =	sne.s32 s0, $0x9FC0;
	[tilespmem:s1+$0x14000] =	vst v0;
	s1 =	smov.u32 s0;
	s0 =	sadd.s32 $0x40, s0  }
.Ltmp0:
0x1f: {  	(pc) =	sbr.rel @p0 .LBB2_2-.Ltmp0, $2  }
0x20: {  	_ =	sdelay $0x2  }
0x21: {  	s1 =	sshra.s32 s1, $0x2  }
0x22: {  	[tilespmem:s1+$0x14000] =	vst v0  }
0x23: {  	s30 =	simm.s32 $0x0;
	[bflag:$0x0] =	sbarrier.arrive $0xFFFF  }
.LBB2_4:
0x24: {  	s0 =	sadd.s32 s10, s30  }
0x25: {  	s0 =	sshll.u32 s0, $0x4  }
0x26: {  	s1 =	sadd.s32 s5, s0  }
0x27: {  	[tilespmem:s18], [sflag:$0x3] =	stream.linear.gather [hbm4b:s1+s29], $0x80, $0x38;
	[tilespmem:$0x1E980] =	vst v63  }
0x28: {  	_ =	swait.ge [sflag:s15], $0x80  }
0x29: {  	[sflag:s15] =	ssyncset.done $0x0  }
0x2a: {  	s0 =	sadd.s32 s6, s0;
	[sflag:s15] =	ssyncadd.s32 $0xFFFFFF80  }
0x2b: {  	[tilespmem:s19], [sflag:$0x3] =	stream.linear.gather [hbm4b:s0+s29], $0x80, $0x38;
	[tilespmem:$0x1E980] =	vst v63  }
0x2c: {  	_ =	swait.ge [sflag:s15], $0x80  }
0x2d: {  	[sflag:s15] =	ssyncset.done $0x0  }
0x2e: {  	[sflag:s15] =	ssyncadd.s32 $0xFFFFFF80  }
0x2f: {  	[tilespmem:s21], [sflag:$0x1] =	stream.indirect.gather [hbm4b:s7+s20], $0x80, s18, s20, $0xb8;
	[tilespmem:$0x1E980] =	vst v63  }
0x30: {  	_ = 	snop  }
0x31: {  	[tilespmem:s22], [sflag:$0x2] =	stream.indirect.gather [hbm4b:s8+s20], $0x80, s19, s20, $0xb8;
	[tilespmem:$0x1E980] =	vst v63  }
0x32: {  	_ =	swait.ge [sflag:s23], $0x4000  }
0x33: {  	[sflag:s23] =	ssyncset.done $0x0  }
0x34: {  	[sflag:s23] =	ssyncadd.s32 $0xFFFFC000  }
0x35: {  	_ =	swait.ge [sflag:s24], $0x4000  }
0x36: {  	[sflag:s24] =	ssyncset.done $0x0  }
0x37: {  	s31 =	simm.s32 $0x0;
	[sflag:s24] =	ssyncadd.s32 $0xFFFFC000  }
.LBB2_5:
0x38: {  	s0 =	sshll.u32 s31, $0x4  }
0x39: {  	s1 =	simm.s32 $0x7;
	v2 =	vmov s0  }
0x3a: {  	s11 =	simm.s32 $0x6;
	v3 =	vmov s1;
	v2 =	vshll.u32 v2, $0x7  }
0x3b: {  	v5 =	vmov s11;
	v2 =	vor.u32 v1, v2  }
0x3c: {  	v4 =	vor.u32 s1, v2;
	_ =	sdelay $0x1  }
0x3d: {  	v6 =	vor.u32 s11, v2  }
0x3e: {  	s26 =	simm.s32 $0x5;
	v11 =	vld.idx.msk [tilespmem:v3+s14+$0x0], $0xffff  }
0x3f: {  	v8 =	vor.u32 s26, v2;
	v13 =	vld.idx.msk [tilespmem:v5+s14+$0x0], $0xffff  }
0x40: {  	v7 =	vld.idx.msk [tilespmem:v4+s21+$0x0], $0xffff  }
0x41: {  	s1 =	simm.s32 $0x4;
	v3 =	vmov s26;
	v4 =	vld.idx.msk [tilespmem:v4+s22+$0x0], $0xffff  }
0x42: {  	v5 =	vor.u32 s1, v2;
	v18 =	vld.idx.msk [tilespmem:v6+s21+$0x0], $0xffff  }
0x43: {  	s3 =	simm.s32 $0x3;
	v19 =	vld.idx.msk [tilespmem:v6+s22+$0x0], $0xffff  }
0x44: {  	v6 =	vor.u32 s3, v2;
	v20 =	vld.idx.msk [tilespmem:v8+s21+$0x0], $0xffff  }
0x45: {  	s26 =	simm.s32 $0x2;
	v21 =	vld.idx.msk [tilespmem:v8+s22+$0x0], $0xffff  }
0x46: {  	v24 =	vor.u32 s26, v2;
	v12 =	vld.idx.msk [tilespmem:v3+s14+$0x0], $0xffff  }
0x47: {  	s9 =	simm.s32 $0x1;
	v10 =	vimm.f32 $0.0e+00;
	v9 =	vimm.f32 $0.0e+00;
	s11 =	simm.s32 $0x0;
	v14 =	vld.idx.msk [tilespmem:v5+s21+$0x0], $0xffff  }
0x48: {  	v23 =	vor.u32 s9, v2;
	v22 =	vor.u32 s11, v2;
	v8 =	vimm.f32 $0.0e+00;
	v15 =	vld.idx.msk [tilespmem:v5+s22+$0x0], $0xffff  }
0x49: {  	v3 =	vimm.f32 $0.0e+00;
	v5 =	vimm.f32 $0.0e+00;
	v25 =	vadd.f32 v4, v7;
	v16 =	vld.idx.msk [tilespmem:v6+s21+$0x0], $0xffff  }
0x4a: {  	s4 =	simm.s32 $0xF;
	v4 =	vimm.f32 $0.0e+00;
	v17 =	vld.idx.msk [tilespmem:v6+s22+$0x0], $0xffff;
	v6 =	vimm.f32 $0.0e+00;
	v7 =	vimm.f32 $0.0e+00  }
.LBB2_6:
0x4b: {  	p0 =	sne.s32 s4, $0x7F;
	v26 =	vld.idx.msk [tilespmem:v24+s21+$0x0], $0xffff;
	v27 =	vmul.f32 $2.000000030e-01, v25  }
0x4c: {  	v28 =	vmov s1;
	v18 =	vadd.f32 v19, v18;
	v24 =	vld.idx.msk [tilespmem:v24+s22+$0x0], $0xffff  }
0x4d: {  	v29 =	vmov s3;
	v19 =	vld.idx.msk [tilespmem:v23+s21+$0x0], $0xffff;
	v25 =	vmax.f32 v25, v27  }
0x4e: {  	v20 =	vadd.f32 v21, v20;
	v27 =	vmov s26;
	v21 =	vmul.f32 $2.000000030e-01, v18;
	v23 =	vld.idx.msk [tilespmem:v23+s22+$0x0], $0xffff  }
0x4f: {  	v30 =	vmov s4;
	v32 =	vmov s9;
	v11 =	vmul.f32 v25, v11;
	v31 =	vld.idx.msk [tilespmem:v22+s21+$0x0], $0xffff  }
0x50: {  	v33 =	vmul.f32 $2.000000030e-01, v20;
	v25 =	vmov s11;
	v18 =	vmax.f32 v18, v21;
	v22 =	vld.idx.msk [tilespmem:v22+s22+$0x0], $0xffff  }
0x51: {  	s1 =	sadd.s32 $0xFFFFFFFF, s4;
	v21 =	vor.u32 s4, v2;
	v13 =	vmul.f32 v18, v13;
	v10 =	vadd.f32 v11, v10;
	v28 =	vld.idx.msk [tilespmem:v28+s14+$0x0], $0xffff  }
0x52: {  	v34 =	vor.u32 s1, v2;
	v18 =	vmov s1;
	v11 =	vmax.f32 v20, v33;
	v29 =	vld.idx.msk [tilespmem:v29+s14+$0x0], $0xffff  }
0x53: {  	v14 =	vadd.f32 v15, v14;
	s1 =	sadd.s32 $0xFFFFFFFE, s4;
	v11 =	vmul.f32 v11, v12;
	v9 =	vadd.f32 v13, v9;
	v20 =	vld.idx.msk [tilespmem:v27+s14+$0x0], $0xffff  }
0x54: {  	v12 =	vmov s1;
	v15 =	vor.u32 s1, v2;
	v13 =	vadd.f32 v17, v16;
	v27 =	vld.idx.msk [tilespmem:v32+s14+$0x0], $0xffff  }
0x55: {  	v17 =	vadd.f32 v24, v26;
	v24 =	vmul.f32 $2.000000030e-01, v14;
	v3 =	vadd.f32 v11, v3;
	v16 =	vld.idx.msk [tilespmem:v25+s14+$0x0], $0xffff  }
0x56: {  	s1 =	sadd.s32 $0xFFFFFFFD, s4;
	v19 =	vadd.f32 v23, v19;
	v23 =	vmul.f32 $2.000000030e-01, v13;
	v22 =	vadd.f32 v22, v31;
	v11 =	vld.idx.msk [tilespmem:v30+s14+$0x0], $0xffff  }
0x57: {  	v14 =	vmax.f32 v14, v24;
	v25 =	vor.u32 s1, v2;
	v30 =	vmul.f32 $2.000000030e-01, v17;
	v26 =	vld.idx.msk [tilespmem:v21+s21+$0x0], $0xffff  }
0x58: {  	v24 =	vmul.f32 $2.000000030e-01, v19;
	v23 =	vmax.f32 v13, v23;
	v31 =	vld.idx.msk [tilespmem:v21+s22+$0x0], $0xffff;
	v21 =	vmul.f32 $2.000000030e-01, v22  }
0x59: {  	v14 =	vmul.f32 v14, v28;
	v23 =	vmul.f32 v23, v29;
	v17 =	vmax.f32 v17, v30;
	v13 =	vld.idx.msk [tilespmem:v18+s14+$0x0], $0xffff  }
0x5a: {  	v17 =	vmul.f32 v17, v20;
	v18 =	vld.idx.msk [tilespmem:v34+s21+$0x0], $0xffff;
	v21 =	vmax.f32 v22, v21;
	v22 =	vmax.f32 v19, v24  }
0x5b: {  	s3 =	sadd.s32 $0xFFFFFFFC, s4;
	v4 =	vadd.f32 v14, v4;
	v19 =	vld.idx.msk [tilespmem:v34+s22+$0x0], $0xffff;
	v16 =	vmul.f32 v21, v16;
	v21 =	vmul.f32 v22, v27  }
0x5c: {  	v6 =	vadd.f32 v23, v6;
	v27 =	vor.u32 s3, v2;
	v5 =	vadd.f32 v17, v5;
	v12 =	vld.idx.msk [tilespmem:v12+s14+$0x0], $0xffff  }
0x5d: {  	s26 =	sadd.s32 $0xFFFFFFFB, s4;
	v20 =	vld.idx.msk [tilespmem:v15+s21+$0x0], $0xffff;
	v7 =	vadd.f32 v16, v7;
	v8 =	vadd.f32 v21, v8  }
.Ltmp1:
0x5e: {  	v24 =	vor.u32 s26, v2;
	v21 =	vld.idx.msk [tilespmem:v15+s22+$0x0], $0xffff;
	(pc) =	sbr.rel @p0 .LBB2_6-.Ltmp1, $4  }
0x5f: {  	s9 =	sadd.s32 $0xFFFFFFFA, s4;
	v14 =	vld.idx.msk [tilespmem:v25+s21+$0x0], $0xffff  }
0x60: {  	v23 =	vor.u32 s9, v2;
	v15 =	vld.idx.msk [tilespmem:v25+s22+$0x0], $0xffff  }
0x61: {  	s11 =	sadd.s32 $0xFFFFFFF9, s4;
	v25 =	vadd.f32 v31, v26;
	v16 =	vld.idx.msk [tilespmem:v27+s21+$0x0], $0xffff  }
0x62: {  	s4 =	sadd.s32 $0x8, s4;
	v22 =	vor.u32 s11, v2;
	v17 =	vld.idx.msk [tilespmem:v27+s22+$0x0], $0xffff  }
0x63: {  	_ =	sdelay $0x3  }
0x64: {  	v26 =	vld.idx.msk [tilespmem:v24+s21+$0x0], $0xffff  }
0x65: {  	v42 =	vld.idx.msk [tilespmem:v24+s22+$0x0], $0xffff  }
0x66: {  	v28 =	vld.idx.msk [tilespmem:v23+s21+$0x0], $0xffff;
	v29 =	vmov s3  }
0x67: {  	v27 =	vmul.f32 $2.000000030e-01, v25;
	v44 =	vmov s26;
	v45 =	vld.idx.msk [tilespmem:v22+s21+$0x0], $0xffff  }
0x68: {  	v18 =	vadd.f32 v19, v18;
	v30 =	vmov s9;
	v20 =	vadd.f32 v21, v20;
	v47 =	vld.idx.msk [tilespmem:v22+s22+$0x0], $0xffff  }
0x69: {  	v43 =	vld.idx.msk [tilespmem:v23+s22+$0x0], $0xffff;
	v31 =	vmov s11;
	v32 =	vmov s1  }
0x6a: {  	v25 =	vmax.f32 v25, v27;
	v46 =	vmul.f32 $2.000000030e-01, v18;
	v48 =	vmul.f32 $2.000000030e-01, v20  }
0x6b: {  	v14 =	vadd.f32 v15, v14;
	v11 =	vmul.f32 v25, v11;
	v49 =	vld.idx.msk [tilespmem:v29+s14+$0x0], $0xffff  }
0x6c: {  	v18 =	vmax.f32 v18, v46;
	v16 =	vadd.f32 v17, v16;
	v51 =	vmax.f32 v20, v48;
	v50 =	vld.idx.msk [tilespmem:v44+s14+$0x0], $0xffff  }
0x6d: {  	v60 =	vmul.f32 $2.000000030e-01, v14;
	v52 =	vld.idx.msk [tilespmem:v30+s14+$0x0], $0xffff;
	v53 =	vadd.f32 v42, v26;
	v22 =	vadd.f32 v47, v45  }
0x6e: {  	v13 =	vmul.f32 v18, v13;
	v54 =	vld.idx.msk [tilespmem:v31+s14+$0x0], $0xffff;
	v19 =	vadd.f32 v43, v28;
	v55 =	vmul.f32 $2.000000030e-01, v16  }
0x6f: {  	v10 =	vadd.f32 v11, v10;
	v56 =	vld.idx.msk [tilespmem:v32+s14+$0x0], $0xffff;
	v57 =	vmul.f32 $2.000000030e-01, v53;
	v58 =	vmul.f32 $2.000000030e-01, v22  }
0x70: {  	v12 =	vmul.f32 v51, v12;
	v9 =	vadd.f32 v13, v9;
	v59 =	vmul.f32 $2.000000030e-01, v19  }
0x71: {  	v16 =	vmax.f32 v16, v55;
	v13 =	vmax.f32 v53, v57;
	v17 =	vmax.f32 v22, v58  }
0x72: {  	v61 =	vmax.f32 v19, v59;
	v16 =	vmul.f32 v16, v49;
	v11 =	vmul.f32 v13, v50  }
0x73: {  	v62 =	vmax.f32 v14, v60;
	v63 =	vmul.f32 v17, v54;
	v15 =	vmul.f32 v61, v52  }
0x74: {  	v13 =	vmul.f32 v62, v56;
	v5 =	vadd.f32 v11, v5;
	v6 =	vadd.f32 v16, v6  }
0x75: {  	v7 =	vadd.f32 v63, v7;
	v8 =	vadd.f32 v15, v8  }
0x76: {  	v3 =	vadd.f32 v12, v3;
	v4 =	vadd.f32 v13, v4  }
0x77: {  	v7 =	vadd.f32 v8, v7;
	v5 =	vadd.f32 v6, v5  }
0x78: {  	v3 =	vadd.f32 v3, v4;
	v4 =	vadd.f32 v10, v9;
	_ =	sdelay $0x1  }
0x79: {  	v5 =	vadd.f32 v5, v7;
	v3 =	vadd.f32 v4, v3;
	_ =	sdelay $0x1  }
0x7a: {  	v3 =	vadd.f32 v3, v5;
	_ =	sdelay $0x1  }
0x7b: {  	v3 =	vmul.f32 $1.442695020e+00, v3;
	_ =	sdelay $0x1  }
0x7c: {  	(erf) = vpow2.f32 v3  }
0x7d: {  	s4 =	simm.s32 $0x0  }
0x7e: {  	v4 =	vld [tilespmem:s0+$0x16880];
	v3 =	vmov s4  }
0x7f: {  	v3 =	vand.u32 $0x7C, v3  }
0x80: {  	v3 =	vbroadcast v3, $0x0;
	_ =	sdelay $0x1  }
0x81: {  	v5 =	vor.u32 v2, v3;
	_ =	sdelay $0x2  }
0x82: {  	s9 =	simm.s32 $0x1;
	v3 =	vpop (erf)  }
0x83: {  	[tilespmem:v4+s25+$0x0] =	vst.idx.add.f32.msk $0xffff, v3;
	v4 =	vmov s9  }
0x84: {  	v6 =	vld.idx.msk [tilespmem:v5+s21+$0x0], $0xffff;
	v4 =	vand.u32 $0x7D, v4  }
0x85: {  	v4 =	vbroadcast v4, $0x0;
	_ =	sdelay $0x1  }
0x86: {  	v4 =	vor.u32 v2, v4;
	_ =	sdelay $0x1  }
0x87: {  	v6 =	vmul.f32 v6, v3  }
0x88: {  	s11 =	simm.s32 $0x2  }
0x89: {  	[tilespmem:v5+s21+$0x0] =	vst.idx.msk $0xffff, v6;
	v5 =	vmov s11  }
0x8a: {  	v6 =	vld.idx.msk [tilespmem:v4+s21+$0x0], $0xffff;
	v5 =	vand.u32 $0x7E, v5  }
0x8b: {  	v5 =	vbroadcast v5, $0x0;
	_ =	sdelay $0x1  }
0x8c: {  	v7 =	vor.u32 v2, v5;
	_ =	sdelay $0x1  }
0x8d: {  	v5 =	vmul.f32 v6, v3  }
0x8e: {  	s26 =	simm.s32 $0x3  }
0x8f: {  	[tilespmem:v4+s21+$0x0] =	vst.idx.msk $0xffff, v5;
	v4 =	vmov s26  }
0x90: {  	v6 =	vld.idx.msk [tilespmem:v7+s21+$0x0], $0xffff;
	v4 =	vand.u32 $0x7F, v4  }
0x91: {  	v4 =	vbroadcast v4, $0x0;
	_ =	sdelay $0x1  }
0x92: {  	v5 =	vor.u32 v2, v4;
	_ =	sdelay $0x1  }
0x93: {  	v4 =	vmul.f32 v6, v3  }
0x94: {  	s0 =	simm.s32 $0x4  }
0x95: {  	[tilespmem:v7+s21+$0x0] =	vst.idx.msk $0xffff, v4;
	v4 =	vmov s0  }
0x96: {  	v6 =	vld.idx.msk [tilespmem:v5+s21+$0x0], $0xffff;
	v4 =	vand.u32 $0x7C, v4  }
0x97: {  	v4 =	vbroadcast v4, $0x0;
	_ =	sdelay $0x1  }
0x98: {  	v4 =	vor.u32 v2, v4;
	_ =	sdelay $0x1  }
0x99: {  	s1 =	simm.s32 $0x8;
	v6 =	vmul.f32 v6, v3  }
.LBB2_8:
0x9a: {  	p0 =	sne.s32 s1, $0x7C  }
0x9b: {  	s3 =	sadd.s32 $0x1, s0;
	s4 =	smov.u32 s1;
	s1 =	sadd.s32 $0x4, s1;
	[tilespmem:v5+s21+$0x0] =	vst.idx.msk $0xffff, v6  }
0x9c: {  	v6 =	vmov s3;
	v5 =	vld.idx.msk [tilespmem:v4+s21+$0x0], $0xffff  }
0x9d: {  	v6 =	vand.u32 $0x7D, v6  }
0x9e: {  	v6 =	vbroadcast v6, $0x0;
	_ =	sdelay $0x1  }
0x9f: {  	v6 =	vor.u32 v2, v6;
	_ =	sdelay $0x1  }
0xa0: {  	v5 =	vmul.f32 v5, v3;
	_ =	sdelay $0x1  }
0xa1: {  	s3 =	sadd.s32 $0x2, s0;
	[tilespmem:v4+s21+$0x0] =	vst.idx.msk $0xffff, v5  }
0xa2: {  	v5 =	vmov s3;
	v4 =	vld.idx.msk [tilespmem:v6+s21+$0x0], $0xffff  }
0xa3: {  	v5 =	vand.u32 $0x7E, v5  }
0xa4: {  	v5 =	vbroadcast v5, $0x0;
	_ =	sdelay $0x1  }
0xa5: {  	v7 =	vor.u32 v2, v5;
	_ =	sdelay $0x1  }
0xa6: {  	v4 =	vmul.f32 v4, v3;
	_ =	sdelay $0x1  }
0xa7: {  	s3 =	sadd.s32 $0x3, s0;
	s0 =	smov.u32 s4;
	[tilespmem:v6+s21+$0x0] =	vst.idx.msk $0xffff, v4  }
0xa8: {  	v5 =	vmov s3;
	v4 =	vld.idx.msk [tilespmem:v7+s21+$0x0], $0xffff  }
0xa9: {  	v5 =	vand.u32 $0x7F, v5  }
0xaa: {  	v5 =	vbroadcast v5, $0x0;
	_ =	sdelay $0x1  }
0xab: {  	v5 =	vor.u32 v2, v5;
	_ =	sdelay $0x1  }
0xac: {  	v4 =	vmul.f32 v4, v3;
	_ =	sdelay $0x1  }
0xad: {  	[tilespmem:v7+s21+$0x0] =	vst.idx.msk $0xffff, v4  }
0xae: {  	v4 =	vmov s0;
	v6 =	vld.idx.msk [tilespmem:v5+s21+$0x0], $0xffff  }
0xaf: {  	v4 =	vand.u32 $0x7C, v4  }
.Ltmp2:
0xb0: {  	v4 =	vbroadcast v4, $0x0;
	(pc) =	sbr.rel @p0 .LBB2_8-.Ltmp2, $3  }
0xb1: {  	_ = 	snop  }
0xb2: {  	v4 =	vor.u32 v2, v4;
	_ =	sdelay $0x1  }
0xb3: {  	v6 =	vmul.f32 v6, v3  }
0xb4: {  	_ =	sdelay $0x2  }
0xb5: {  	s1 =	sadd.s32 $0x1, s0  }
0xb6: {  	[tilespmem:v5+s21+$0x0] =	vst.idx.msk $0xffff, v6;
	v60 =	vmov s1  }
0xb7: {  	v6 =	vld.idx.msk [tilespmem:v4+s21+$0x0], $0xffff;
	v5 =	vand.u32 $0x7D, v60  }
0xb8: {  	v5 =	vbroadcast v5, $0x0;
	_ =	sdelay $0x1  }
0xb9: {  	v5 =	vor.u32 v2, v5;
	_ =	sdelay $0x1  }
0xba: {  	v6 =	vmul.f32 v6, v3  }
0xbb: {  	s11 =	sadd.s32 $0x2, s0  }
0xbc: {  	v61 =	vmov s11;
	[tilespmem:v4+s21+$0x0] =	vst.idx.msk $0xffff, v6  }
0xbd: {  	v4 =	vand.u32 $0x7E, v61;
	v6 =	vld.idx.msk [tilespmem:v5+s21+$0x0], $0xffff  }
0xbe: {  	v4 =	vbroadcast v4, $0x0;
	_ =	sdelay $0x1  }
0xbf: {  	v4 =	vor.u32 v2, v4;
	_ =	sdelay $0x1  }
0xc0: {  	v6 =	vmul.f32 v6, v3  }
0xc1: {  	s26 =	sadd.s32 $0x3, s0  }
0xc2: {  	v62 =	vmov s26;
	[tilespmem:v5+s21+$0x0] =	vst.idx.msk $0xffff, v6  }
0xc3: {  	v5 =	vand.u32 $0x7F, v62;
	v6 =	vld.idx.msk [tilespmem:v4+s21+$0x0], $0xffff  }
0xc4: {  	v5 =	vbroadcast v5, $0x0;
	_ =	sdelay $0x1  }
0xc5: {  	v2 =	vor.u32 v2, v5;
	_ =	sdelay $0x1  }
0xc6: {  	v63 =	vmul.f32 v6, v3;
	_ =	sdelay $0x1  }
0xc7: {  	[tilespmem:v4+s21+$0x0] =	vst.idx.msk $0xffff, v63  }
0xc8: {  	v4 =	vld.idx.msk [tilespmem:v2+s21+$0x0], $0xffff  }
0xc9: {  	s31 =	sadd.s32 $0x1, s31  }
0xca: {  	p0 =	sne.s32 s31, $0x8  }
.Ltmp3:
0xcb: {  	_ = 	snop;
	(pc) =	sbr.rel @p0 .LBB2_5-.Ltmp3, $3  }
0xcc: {  	_ = 	snop  }
0xcd: {  	v3 =	vmul.f32 v4, v3;
	_ =	sdelay $0x1  }
0xce: {  	[tilespmem:v2+s21+$0x0] =	vst.idx.msk $0xffff, v3  }
0xcf: {  	s30 =	sadd.s32 $0x1, s30  }
0xd0: {  	p0 =	sne.s32 s30, $0x51  }
.Ltmp4:
0xd1: {  	_ = 	snop;
	(pc) =	sbr.rel @p0 .LBB2_4-.Ltmp4, $4  }
0xd2: {  	[spmem:s2] =	stream.indirect.scatter.add.f32 [tilespmem:s21], [sflag:$0x3], $0x80, s19, s20, $0xb8;
	[tilespmem:$0x1E980] =	vst v63  }
0xd3: {  	_ =	swait.ge [sflag:s15], $0x4000  }
0xd4: {  	[sflag:s15] =	ssyncset.done $0x0  }
0xd5: {  	[sflag:s15] =	ssyncadd.s32 $0xFFFFC000  }
0xd6: {  	[bflag:$0x0] =	sbarrier.arrive $0xFFFF  }
0xd7: {  	s1 =	simm.s32 $0x400;
	s0 =	rddreg [dreg:$0x5]  }
0xd8: {  	[hbm4b:s0+s20] =	stream.strided.scatter [tilespmem:s25], [sflag:$0x3], $0x2800, s1, s20, $0x38;
	[tilespmem:$0x1E980] =	vst v63  }
0xd9: {  	s28 =	sadd.s32 $0x1, s28;
	_ =	swait.ge [sflag:s15], $0x2800  }
0xda: {  	p0 =	sne.s32 s28, s13;
	[sflag:s15] =	ssyncset.done $0x0  }
.Ltmp5:
0xdb: {  	[sflag:s15] =	ssyncadd.s32 $0xFFFFD800;
	(pc) =	sbr.rel @p0 .LBB2_1-.Ltmp5, $4  }
0xdc: {  	[hbm:s12], [sflag:s16] =	dma.local [spmem:s17], $0x2800  }
0xdd: {  	_ =	swait.ge [sflag:s15], $0x2800  }
0xde: {  	[sflag:s15] =	ssyncset.done $0x0  }
0xdf: {  	[sflag:s15] =	ssyncadd.s32 $0xFFFFD800  }
0xe0: {  	_ =	sfence.sel $0x180000  }
0xe1: {  	[bflag:$0x0] =	sbarrier.arrive $0xFFFF  }
0xe2: {  	_ =	strace $0x9000004D  }
0xe3: {  	s0 =	stileid.u32;
	[bflag:$0x2] =	sbarrier.arrive $0xFFFF  }
0xe4: {  	p0 =	sne.s32 s0, $0x0;
	s0 =	rddreg [dreg:$0x3]  }
0xe5: {  	s0 =	sadd.s32 @!p0 $0x100000, s0  }
0xe6: {  	[sflag:s0] =	ssyncadd.tile.s32 @!p0 $0x1;
	_ =	shalt  }
.Lfunc_end2:
_tile_overlayer_lowered:
.L_overlay_start_2:
0xe7: {  	(tag) =	ssettag $0x2  }
0xe8: {  	s0 =	rddreg [dreg:$0x0];
	s2 =	stileid.u32  }
0xe9: {  	s1 =	rddreg [dreg:$0x1];
	p0 =	sne.s32 s2, $0x0  }
0xea: {  	s3 =	rddreg [dreg:$0x2];
	[bflag:$0x3] =	sbarrier.arrive $0xFFFF;
	s2 =	simm.s32 @!p0 $0x1C03  }
0xeb: {  	[timem:s3], [sflag:s2] =	dma.local @!p0 [hbm:s0], s1  }
0xec: {  	s0 =	simm.s32 @!p0 $0x3  }
0xed: {  	_ =	swait.ge @!p0 [sflag:s0], s1  }
0xee: {  	s1 =	ssub.s32 @!p0 $0x0, s1;
	[sflag:s0] =	ssyncset.done @!p0 $0x0  }
0xef: {  	[sflag:s0] =	ssyncadd.s32 @!p0 s1  }
0xf0: {  	[bflag:$0x3] =	sbarrier.arrive $0xFFFF  }
0xf1: {  	_ =	shalt  }

// kernel: kernel.9.cloned.1.call-start
scs
__scs_entry_jumppad:
0x0: {  	(pc) =	sbr.rel $0x88, $3  }
0x1: {  	(tag) =	ssettag $0x0;
	lr =	simm.s32 $0x1  }
0x2: {  	[smem:$0x3F88] =	sst lr;
	_ =	strace $0xD0000000  }
0x3: {  	_ = 	snop  }
0x4: {  	_ = 	snop  }
0x5: {  	_ = 	snop  }
0x6: {  	_ = 	snop  }
0x7: {  	_ = 	snop  }
__scs_overlays_trampoline_lowered:
0x8: {  	[smem:$0x3F97] =	sst s0  }
0x9: {  	[smem:$0x3F98] =	sst s1  }
0xa: {  	[smem:$0x3F99] =	sst s2  }
0xb: {  	[smem:$0x3F9A] =	sst s3  }
0xc: {  	[smem:$0x3F9B] =	sst s4  }
0xd: {  	[smem:$0x3F9C] =	sst s5  }
0xe: {  	[smem:$0x3F9D] =	sst s6  }
0xf: {  	[smem:$0x3F9E] =	sst s7  }
0x10: {  	[smem:$0x3F9F] =	sst s8  }
0x11: {  	[smem:$0x3FA0] =	sst s9;
	s0 =	simm.s32 @!p0 $0x0  }
0x12: {  	s1 =	sld [smem:$0x3F86];
	s0 =	simm.s32 @p0 $0x1  }
0x13: {  	[smem:$0x3FA1] =	sst s0;
	s0 =	simm.s32 @!p1 $0x0  }
0x14: {  	s2 =	sld [smem:$0x3F85];
	s0 =	simm.s32 @p1 $0x1  }
0x15: {  	[smem:$0x3FA2] =	sst s0;
	s0 =	simm.s32 @!p2 $0x0  }
0x16: {  	s3 =	sld [smem:$0x3FDB];
	s0 =	simm.s32 @p2 $0x1  }
0x17: {  	s4 =	simm.s32 $0x1BF5;
	[smem:$0x3FA4] =	sst s0  }
0x18: {  	s0 =	sld [smem:$0x3F87];
	_ =	swait.ge [sflag:s4], $0x0  }
0x19: {  	s7 =	sld [smem:$0x3F88]  }
0x1a: {  	s8 =	sadd.s32 $0xFFFFE003, lr  }
0x1b: {  	s9 =	sadd.s32 $0xFFFFFEF7, lr;
	s5 =	simm.s32 $0xFFFFFFFF;
	p2 =	slt.u32 s8, $0xFFFFF086  }
0x1c: {  	p1 =	slt.u32 s9, $0xF7A;
	s5 =	simm.s32 @!p2 $0x0  }
0x1d: {  	s5 =	simm.s32 @p1 $0x1;
	p0 =	seq.s32 s7, s2  }
0x1e: {  	s7 =	smul.u32 @!p0 $0xF7A, s2;
	p2 =	seq.s32 @!p0 s5, $0x0  }
0x1f: {  	s9 =	smul.u32 $0xF7A, s1;
	s8 =	simm.s32 @!p0 $0x1BF5;
	p2 =	por !p2, p0  }
0x20: {  	[sflag:s8] =	ssyncset.s32 @!p0 $0xFFFFF086;
	s6 =	sadd.s32 @!p0 s3, s7;
	s7 =	simm.s32 @!p0 $0x108  }
0x21: {  	s3 =	sadd.s32 s3, s9;
	s6 =	sadd.s32 @!p0 $0x88, s6;
	s7 =	simm.s32 @p2 $0x1082  }
0x22: {  	[simem:s7], [sflag:s8] =	dma.local @!p0 [hbm:s6], $0xF7A  }
0x23: {  	s9 =	sor.u32 $0xD0000000, s2;
	s6 =	simm.s32 $0x108;
	_ =	swait.ge @!p0 [sflag:s8], $0x0  }
0x24: {  	s3 =	sadd.s32 $0x88, s3;
	s6 =	simm.s32 @!p1 $0x1082;
	[sflag:s4] =	ssyncset.s32 $0xFFFFF086  }
0x25: {  	[simem:s6], [sflag:s4] =	dma.local [hbm:s3], $0xF7A  }
0x26: {  	[smem:$0x3F88] =	sst s1;
	(tag) =	ssettag s2;
	_ =	strace s9  }
0x27: {  	s1 =	sld [smem:$0x3F98]  }
0x28: {  	s2 =	sld [smem:$0x3F99]  }
0x29: {  	s4 =	sld [smem:$0x3F9B]  }
0x2a: {  	p0 =	seq.s32 s5, $0x0;
	s5 =	sld [smem:$0x3F9C]  }
0x2b: {  	s6 =	sld [smem:$0x3F9D]  }
0x2c: {  	s7 =	sld [smem:$0x3F9E]  }
0x2d: {  	s3 =	simm.s32 $0x108;
	s8 =	sld [smem:$0x3F9F]  }
0x2e: {  	s3 =	simm.s32 @!p0 $0x1082;
	s9 =	sld [smem:$0x3FA0]  }
0x2f: {  	lr =	sadd.s32 s0, s3;
	s0 =	sld [smem:$0x3F97]  }
0x30: {  	s3 =	sld [smem:$0x3F9A]  }
0x31: {  	[smem:$0x3FA3] =	sst s10  }
0x32: {  	s10 =	sld [smem:$0x3FA1];
	_ =	sdelay $0x3  }
0x33: {  	p0 =	seq.s32 s10, $0x1;
	s10 =	sld [smem:$0x3FA3];
	_ =	sdelay $0x3  }
0x34: {  	[smem:$0x3FA3] =	sst s10  }
0x35: {  	s10 =	sld [smem:$0x3FA2];
	_ =	sdelay $0x3  }
0x36: {  	p1 =	seq.s32 s10, $0x1;
	s10 =	sld [smem:$0x3FA3];
	_ =	sdelay $0x3  }
0x37: {  	[smem:$0x3FA3] =	sst s10  }
0x38: {  	s10 =	sld [smem:$0x3FA4]  }
0x39: {  	_ = 	snop;
	(pc) =	sbr.ind lr, $3  }
0x3a: {  	_ = 	snop  }
0x3b: {  	_ = 	snop  }
0x3c: {  	p2 =	seq.s32 s10, $0x1;
	s10 =	sld [smem:$0x3FA3]  }
0x3d: {  	_ =	shalt  }
0x3e: {  	_ =	shalt  }
0x3f: {  	_ =	shalt  }
0x40: {  	_ =	shalt  }
0x41: {  	_ =	shalt  }
0x42: {  	_ =	shalt  }
0x43: {  	_ =	shalt  }
0x44: {  	_ =	shalt  }
0x45: {  	_ =	shalt  }
0x46: {  	_ =	shalt  }
0x47: {  	_ =	shalt  }
0x48: {  	_ =	shalt  }
0x49: {  	_ =	shalt  }
0x4a: {  	_ =	shalt  }
0x4b: {  	_ =	shalt  }
0x4c: {  	_ =	shalt  }
0x4d: {  	_ =	shalt  }
0x4e: {  	_ =	shalt  }
0x4f: {  	_ =	shalt  }
0x50: {  	_ =	shalt  }
0x51: {  	_ =	shalt  }
0x52: {  	_ =	shalt  }
0x53: {  	_ =	shalt  }
0x54: {  	_ =	shalt  }
0x55: {  	_ =	shalt  }
0x56: {  	_ =	shalt  }
0x57: {  	_ =	shalt  }
0x58: {  	_ =	shalt  }
0x59: {  	_ =	shalt  }
0x5a: {  	_ =	shalt  }
0x5b: {  	_ =	shalt  }
0x5c: {  	_ =	shalt  }
0x5d: {  	_ =	shalt  }
0x5e: {  	_ =	shalt  }
0x5f: {  	_ =	shalt  }
0x60: {  	_ =	shalt  }
0x61: {  	_ =	shalt  }
0x62: {  	_ =	shalt  }
0x63: {  	_ =	shalt  }
0x64: {  	_ =	shalt  }
0x65: {  	_ =	shalt  }
0x66: {  	_ =	shalt  }
0x67: {  	_ =	shalt  }
0x68: {  	_ =	shalt  }
0x69: {  	_ =	shalt  }
0x6a: {  	_ =	shalt  }
0x6b: {  	_ =	shalt  }
0x6c: {  	_ =	shalt  }
0x6d: {  	_ =	shalt  }
0x6e: {  	_ =	shalt  }
0x6f: {  	_ =	shalt  }
0x70: {  	_ =	shalt  }
0x71: {  	_ =	shalt  }
0x72: {  	_ =	shalt  }
0x73: {  	_ =	shalt  }
0x74: {  	_ =	shalt  }
0x75: {  	_ =	shalt  }
0x76: {  	_ =	shalt  }
0x77: {  	_ =	shalt  }
0x78: {  	_ =	shalt  }
0x79: {  	_ =	shalt  }
0x7a: {  	_ =	shalt  }
0x7b: {  	_ =	shalt  }
0x7c: {  	_ =	shalt  }
0x7d: {  	_ =	shalt  }
0x7e: {  	_ =	shalt  }
0x7f: {  	_ =	shalt  }
0x80: {  	_ =	shalt  }
0x81: {  	_ =	shalt  }
0x82: {  	_ =	shalt  }
0x83: {  	_ =	shalt  }
0x84: {  	_ =	shalt  }
0x85: {  	_ =	shalt  }
0x86: {  	_ =	shalt  }
0x87: {  	_ =	shalt  }
.Lfunc_end0:
.L_simem_size_0:
called_computation_lowered:
.L_overlay_start_0:
0x88: {  	s2 =	sld [smem:$0x3FD9]  }
0x89: {  	s3 =	sld [smem:$0x3FFE];
	_ =	sdelay $0x1  }
0x8a: {  	s1 =	srdreg.scid  }
0x8b: {  	s0 =	sand.u32 $0x1, s1  }
0x8c: {  	s17 =	sshll.u32 s0, $0xA;
	s2 =	sadd.s32 s3, s2  }
0x8d: {  	s2 =	sadd.s32 s2, s17  }
0x8e: {  	[smem:$0x3FAF] =	sst s2  }
0x8f: {  	_ = 	snop  }
0x90: {  	s2 =	sld [smem:$0x3FC2];
	(tm) =	ssettm $0x1  }
0x91: {  	s18 =	sld [smem:$0x3FFB];
	_ =	sdelay $0x3  }
0x92: {  	_ =	strace s18  }
0x93: {  	s3 =	sld [smem:$0x3FFC];
	_ =	sdelay $0x3  }
0x94: {  	_ =	strace s3  }
0x95: {  	s3 =	sld [smem:$0x3FFD];
	_ =	sdelay $0x3  }
0x96: {  	_ =	strace s3  }
0x97: {  	_ =	strace $0x8FFFFFFF  }
0x98: {  	s19 =	sld [smem:$0x3FDB];
	_ =	sdelay $0x1  }
0x99: {  	s4 =	simm.s32 $_scs_section_size  }
0x9a: {  	s5 =	simm.s32 $_size__tile_overlayer_lowered;
	s6 =	simm.s32 $_tile_overlayer_lowered  }
0x9b: {  	s22 =	simm.s32 $0x1BFF;
	s21 =	sshll.u32 s6, $0x1;
	s3 =	sadd.s32 s4, s19  }
0x9c: {  	s7 =	simm.s32 $0x0;
	s20 =	sshll.u32 s5, $0x1;
	s5 =	sadd.s32 s21, s3  }
0x9d: {  	[timem:s7], [sflag:s22] =	dma.local [hbm:s5], s20  }
0x9e: {  	_ =	swait.ge [sflag:s22], s20  }
0x9f: {  	s4 =	ssub.s32 $0x0, s20;
	[sflag:s22] =	ssyncset.done $0x0  }
0xa0: {  	[sflag:s22] =	ssyncadd.s32 s4;
	_ =	sdelay $0x1  }
0xa1: {  	s23 =	simm.s32 $0x1B8B  }
0xa2: {  	_ =	swait.ge [sflag:s23], $0x1  }
0xa3: {  	[sflag:s23] =	ssyncset.done $0x0  }
0xa4: {  	s25 =	simm.s32 $0x1B8E;
	s24 =	sld [smem:$0x3FFE];
	[sflag:s23] =	ssyncadd.s32 $0xFFFFFFFF  }
0xa5: {  	s26 =	simm.s32 $execute0_lowered;
	[smem:$0x3FD2] =	sst s25  }
0xa6: {  	s5 =	sshll.u32 s26, $0x1;
	_ =	strace $0x80000046;
	[dreg:$0x1] =	wrdreg $0xFFFFFFFF  }
0xa7: {  	s28 =	simm.s32 $_size_execute0_lowered;
	s3 =	sadd.s32 s3, s5;
	[dreg:$0x0] =	wrdreg $0x0  }
0xa8: {  	s5 =	sshll.u32 s28, $0x1;
	[dreg:$0x2] =	wrdreg s3  }
0xa9: {  	[dreg:$0x3] =	wrdreg s5  }
0xaa: {  	[dreg:$0x4] =	wrdreg $0xC0  }
0xab: {  	_ =	task [dreg:s7], $0x5FFFF  }
0xac: {  	[dreg:$0x1] =	wrdreg $0xFFFFFFFF  }
0xad: {  	[dreg:$0x0] =	wrdreg $0x60  }
0xae: {  	[dreg:$0x2] =	wrdreg s24  }
0xaf: {  	[dreg:$0x3] =	wrdreg s2  }
0xb0: {  	[dreg:$0x4] =	wrdreg $0x0  }
0xb1: {  	[dreg:$0x5] =	wrdreg $0x9  }
0xb2: {  	_ =	task.clear_ibuf [dreg:s7], $0x6FFFF;
	_ =	strace $0x90000046  }
0xb3: {  	s29 =	simm.s32 $0x9;
	_ =	strace $0x80000048  }
0xb4: {  	_ =	swait.ge [sflag:s29], $0x1  }
0xb5: {  	[sflag:s29] =	ssyncadd.s32 $0xFFFFFFFF  }
0xb6: {  	_ =	strace $0x90000048  }
0xb7: {  	_ =	sfence  }
0xb8: {  	s30 =	sld [smem:$0x0];
	_ =	sdelay $0x2  }
0xb9: {  	s31 =	sshll.u32 s1, $0xD;
	s1 =	sshrl.u32 s1, $0x2  }
0xba: {  	s3 =	sand.u32 $0x4000, s31;
	s1 =	sadd.s32 s1, s30  }
0xbb: {  	s0 =	sor.u32 s3, s0;
	s1 =	sshll.u32 s1, $0x11  }
0xbc: {  	s0 =	sor.u32 s1, s0  }
0xbd: {  	s0 =	sadd.s32 $0x8F2B, s0  }
0xbe: {  	[sflag:s0] =	ssyncadd.remote.s32 $0x1  }
0xbf: {  	_ =	sfence.sel $0xFFFF  }
0xc0: {  	[dreg:$0x0] =	wrdreg $0xFFFFFFFF;
	(pc) =	sbr.abs _section_cstart, $3  }
0xc1: {  	[dreg:$0x1] =	wrdreg $0xFFFFFFFF  }
0xc2: {  	_ =	task.clear_ibuf [dreg:s7], $0x2FFFF;
	_ =	strace $0x9FFFFFFF  }
0xc3: {  	(tm) =	ssettm $0x7FFFFFFF  }
tec
execute0_lowered:
.L_overlay_start_1:
0x0: {  	(tag) =	ssettag $0x1  }
0x1: {  	s0 =	rddreg [dreg:$0x0]  }
0x2: {  	s2 =	rddreg [dreg:$0x2]  }
0x3: {  	s1 =	simm.s32 $0x0;
	s16 =	stileid.u32;
	s23 =	srdreg.scid  }
0x4: {  	s14 =	simm.s32 $0x1E900;
	s15 =	simm.s32 $0x3;
	s18 =	simm.s32 $0x16800  }
0x5: {  	s19 =	simm.s32 $0x16880;
	s20 =	simm.s32 $0x80;
	s21 =	simm.s32 $0x16900  }
0x6: {  	s22 =	simm.s32 $0x1A900;
	s28 =	simm.s32 $0x0;
	s29 =	simm.s32 $0x0  }
0x7: {  	[smem:$0x7FF] =	sst s1;
	s5 =	sadd.s32 $0x6600, s0;
	s6 =	sadd.s32 $0x10800, s0  }
0x8: {  	s7 =	sadd.s32 $0x42A00, s0;
	s3 =	smul.u32 $0x14000, s16;
	s1 =	sand.u32 $0x1, s23  }
0x9: {  	s8 =	sadd.s32 $0x1AA00, s0;
	s9 =	sshll.u32 s16, $0x1;
	s11 =	sshrl.u32 s16, $0x2  }
0xa: {  	s26 =	smul.u32 $0x50000, s16;
	s31 =	sshll.u32 s16, $0x6;
	s23 =	simm.s32 $0x1  }
0xb: {  	_ =	strace $0x80000047;
	s4 =	smul.u32 $0x140000, s1;
	s9 =	sor.u32 s1, s9  }
0xc: {  	s24 =	smul.u32 $0x14000, s11;
	s1 =	ssub.s32 $0x2, s1;
	s16 =	sor.u32 $0x1C03, s31  }
0xd: {  	s10 =	sshrl.u32 s3, $0x3;
	s25 =	sshll.u32 s9, $0x7;
	s12 =	sshrl.u32 s1, $0x1  }
0xe: {  	s30 =	sshrl.u32 s26, $0x2;
	s3 =	sadd.s32 s3, s4;
	s10 =	sadd.s32 s10, s0  }
0xf: {  	s11 =	sand.u32 $0x380, s25;
	s1 =	ssub.s32 s1, s12;
	s25 =	simm.s32 $0x14000  }
0x10: {  	s3 =	sshrl.u32 s3, $0x3;
	s4 =	sor.u32 s24, s11;
	s10 =	sadd.s32 $0x6AA00, s10  }
0x11: {  	s13 =	smax.u32 s1, $0x1;
	s24 =	simm.s32 $0x2;
	s4 =	sshrl.u32 s4, $0x3  }
0x12: {  	s3 =	sadd.s32 s3, s0;
	[dreg:$0x4] =	wrdreg s10;
	s0 =	sadd.s32 s4, s0  }
0x13: {  	v1 =	vlaneseq.u32;
	s10 =	smul.u32 $0x51, s9;
	s4 =	sadd.s32 s30, s2;
	s0 =	sadd.s32 $0xE2A00, s0  }
0x14: {  	v0 =	vimm.f32 $0.0e+00;
	v1 =	vmul.u32 $0x80, v1;
	s12 =	sadd.s32 $0x92A00, s3;
	s17 =	sshrl.u32 s4, $0x3;
	[dreg:$0x5] =	wrdreg s0  }
.LBB2_1:
0x15: {  	s0 =	rddreg [dreg:$0x1];
	s1 =	simm.s32 $0x0  }
0x16: {  	[tilespmem:s14], [sflag:$0x3] =	stream.linear.gather [hbm4b:s0+s1], $0x80, $0x38;
	[tilespmem:$0x1E980] =	vst v63  }
0x17: {  	_ =	swait.ge [sflag:s15], $0x80  }
0x18: {  	[sflag:s15] =	ssyncset.done $0x0  }
0x19: {  	s31 =	rddreg [dreg:$0x4];
	[sflag:s15] =	ssyncadd.s32 $0xFFFFFF80  }
0x1a: {  	[spmem:s17], [sflag:s16] =	dma.local [hbm:s31], $0x2800  }
0x1b: {  	_ =	swait.ge [sflag:s15], $0x2800  }
0x1c: {  	[sflag:s15] =	ssyncset.done $0x0  }
0x1d: {  	s0 =	simm.s32 $0x40;
	s1 =	simm.s32 $0x0;
	[sflag:s15] =	ssyncadd.s32 $0xFFFFD800  }
.LBB2_2:
0x1e: {  	p0 =	sne.s32 s0, $0x9FC0;
	[tilespmem:s1+$0x14000] =	vst v0;
	s1 =	smov.u32 s0;
	s0 =	sadd.s32 $0x40, s0  }
.Ltmp0:
0x1f: {  	(pc) =	sbr.rel @p0 .LBB2_2-.Ltmp0, $2  }
0x20: {  	_ =	sdelay $0x2  }
0x21: {  	s1 =	sshra.s32 s1, $0x2  }
0x22: {  	[tilespmem:s1+$0x14000] =	vst v0  }
0x23: {  	s30 =	simm.s32 $0x0;
	[bflag:$0x0] =	sbarrier.arrive $0xFFFF  }
.LBB2_4:
0x24: {  	s0 =	sadd.s32 s10, s30  }
0x25: {  	s0 =	sshll.u32 s0, $0x4  }
0x26: {  	s1 =	sadd.s32 s5, s0  }
0x27: {  	[tilespmem:s18], [sflag:$0x3] =	stream.linear.gather [hbm4b:s1+s29], $0x80, $0x38;
	[tilespmem:$0x1E980] =	vst v63  }
0x28: {  	_ =	swait.ge [sflag:s15], $0x80  }
0x29: {  	[sflag:s15] =	ssyncset.done $0x0  }
0x2a: {  	s0 =	sadd.s32 s6, s0;
	[sflag:s15] =	ssyncadd.s32 $0xFFFFFF80  }
0x2b: {  	[tilespmem:s19], [sflag:$0x3] =	stream.linear.gather [hbm4b:s0+s29], $0x80, $0x38;
	[tilespmem:$0x1E980] =	vst v63  }
0x2c: {  	_ =	swait.ge [sflag:s15], $0x80  }
0x2d: {  	[sflag:s15] =	ssyncset.done $0x0  }
0x2e: {  	[sflag:s15] =	ssyncadd.s32 $0xFFFFFF80  }
0x2f: {  	[tilespmem:s21], [sflag:$0x1] =	stream.indirect.gather [hbm4b:s7+s20], $0x80, s18, s20, $0xb8;
	[tilespmem:$0x1E980] =	vst v63  }
0x30: {  	_ = 	snop  }
0x31: {  	[tilespmem:s22], [sflag:$0x2] =	stream.indirect.gather [hbm4b:s8+s20], $0x80, s19, s20, $0xb8;
	[tilespmem:$0x1E980] =	vst v63  }
0x32: {  	_ =	swait.ge [sflag:s23], $0x4000  }
0x33: {  	[sflag:s23] =	ssyncset.done $0x0  }
0x34: {  	[sflag:s23] =	ssyncadd.s32 $0xFFFFC000  }
0x35: {  	_ =	swait.ge [sflag:s24], $0x4000  }
0x36: {  	[sflag:s24] =	ssyncset.done $0x0  }
0x37: {  	s31 =	simm.s32 $0x0;
	[sflag:s24] =	ssyncadd.s32 $0xFFFFC000  }
.LBB2_5:
0x38: {  	s0 =	sshll.u32 s31, $0x4  }
0x39: {  	s1 =	simm.s32 $0x7;
	v2 =	vmov s0  }
0x3a: {  	s11 =	simm.s32 $0x6;
	v3 =	vmov s1;
	v2 =	vshll.u32 v2, $0x7  }
0x3b: {  	v5 =	vmov s11;
	v2 =	vor.u32 v1, v2  }
0x3c: {  	v4 =	vor.u32 s1, v2;
	_ =	sdelay $0x1  }
0x3d: {  	v6 =	vor.u32 s11, v2  }
0x3e: {  	s26 =	simm.s32 $0x5;
	v11 =	vld.idx.msk [tilespmem:v3+s14+$0x0], $0xffff  }
0x3f: {  	v8 =	vor.u32 s26, v2;
	v13 =	vld.idx.msk [tilespmem:v5+s14+$0x0], $0xffff  }
0x40: {  	v7 =	vld.idx.msk [tilespmem:v4+s21+$0x0], $0xffff  }
0x41: {  	s1 =	simm.s32 $0x4;
	v3 =	vmov s26;
	v4 =	vld.idx.msk [tilespmem:v4+s22+$0x0], $0xffff  }
0x42: {  	v5 =	vor.u32 s1, v2;
	v18 =	vld.idx.msk [tilespmem:v6+s21+$0x0], $0xffff  }
0x43: {  	s3 =	simm.s32 $0x3;
	v19 =	vld.idx.msk [tilespmem:v6+s22+$0x0], $0xffff  }
0x44: {  	v6 =	vor.u32 s3, v2;
	v20 =	vld.idx.msk [tilespmem:v8+s21+$0x0], $0xffff  }
0x45: {  	s26 =	simm.s32 $0x2;
	v21 =	vld.idx.msk [tilespmem:v8+s22+$0x0], $0xffff  }
0x46: {  	v24 =	vor.u32 s26, v2;
	v12 =	vld.idx.msk [tilespmem:v3+s14+$0x0], $0xffff  }
0x47: {  	s9 =	simm.s32 $0x1;
	v10 =	vimm.f32 $0.0e+00;
	v9 =	vimm.f32 $0.0e+00;
	s11 =	simm.s32 $0x0;
	v14 =	vld.idx.msk [tilespmem:v5+s21+$0x0], $0xffff  }
0x48: {  	v23 =	vor.u32 s9, v2;
	v22 =	vor.u32 s11, v2;
	v8 =	vimm.f32 $0.0e+00;
	v15 =	vld.idx.msk [tilespmem:v5+s22+$0x0], $0xffff  }
0x49: {  	v3 =	vimm.f32 $0.0e+00;
	v5 =	vimm.f32 $0.0e+00;
	v25 =	vadd.f32 v4, v7;
	v16 =	vld.idx.msk [tilespmem:v6+s21+$0x0], $0xffff  }
0x4a: {  	s4 =	simm.s32 $0xF;
	v4 =	vimm.f32 $0.0e+00;
	v17 =	vld.idx.msk [tilespmem:v6+s22+$0x0], $0xffff;
	v6 =	vimm.f32 $0.0e+00;
	v7 =	vimm.f32 $0.0e+00  }
.LBB2_6:
0x4b: {  	p0 =	sne.s32 s4, $0x7F;
	v26 =	vld.idx.msk [tilespmem:v24+s21+$0x0], $0xffff;
	v27 =	vmul.f32 $2.000000030e-01, v25  }
0x4c: {  	v28 =	vmov s1;
	v18 =	vadd.f32 v19, v18;
	v24 =	vld.idx.msk [tilespmem:v24+s22+$0x0], $0xffff  }
0x4d: {  	v29 =	vmov s3;
	v19 =	vld.idx.msk [tilespmem:v23+s21+$0x0], $0xffff;
	v25 =	vmax.f32 v25, v27  }
0x4e: {  	v20 =	vadd.f32 v21, v20;
	v27 =	vmov s26;
	v21 =	vmul.f32 $2.000000030e-01, v18;
	v23 =	vld.idx.msk [tilespmem:v23+s22+$0x0], $0xffff  }
0x4f: {  	v30 =	vmov s4;
	v32 =	vmov s9;
	v11 =	vmul.f32 v25, v11;
	v31 =	vld.idx.msk [tilespmem:v22+s21+$0x0], $0xffff  }
0x50: {  	v33 =	vmul.f32 $2.000000030e-01, v20;
	v25 =	vmov s11;
	v18 =	vmax.f32 v18, v21;
	v22 =	vld.idx.msk [tilespmem:v22+s22+$0x0], $0xffff  }
0x51: {  	s1 =	sadd.s32 $0xFFFFFFFF, s4;
	v21 =	vor.u32 s4, v2;
	v13 =	vmul.f32 v18, v13;
	v10 =	vadd.f32 v11, v10;
	v28 =	vld.idx.msk [tilespmem:v28+s14+$0x0], $0xffff  }
0x52: {  	v34 =	vor.u32 s1, v2;
	v18 =	vmov s1;
	v11 =	vmax.f32 v20, v33;
	v29 =	vld.idx.msk [tilespmem:v29+s14+$0x0], $0xffff  }
0x53: {  	v14 =	vadd.f32 v15, v14;
	s1 =	sadd.s32 $0xFFFFFFFE, s4;
	v11 =	vmul.f32 v11, v12;
	v9 =	vadd.f32 v13, v9;
	v20 =	vld.idx.msk [tilespmem:v27+s14+$0x0], $0xffff  }
0x54: {  	v12 =	vmov s1;
	v15 =	vor.u32 s1, v2;
	v13 =	vadd.f32 v17, v16;
	v27 =	vld.idx.msk [tilespmem:v32+s14+$0x0], $0xffff  }
0x55: {  	v17 =	vadd.f32 v24, v26;
	v24 =	vmul.f32 $2.000000030e-01, v14;
	v3 =	vadd.f32 v11, v3;
	v16 =	vld.idx.msk [tilespmem:v25+s14+$0x0], $0xffff  }
0x56: {  	s1 =	sadd.s32 $0xFFFFFFFD, s4;
	v19 =	vadd.f32 v23, v19;
	v23 =	vmul.f32 $2.000000030e-01, v13;
	v22 =	vadd.f32 v22, v31;
	v11 =	vld.idx.msk [tilespmem:v30+s14+$0x0], $0xffff  }
0x57: {  	v14 =	vmax.f32 v14, v24;
	v25 =	vor.u32 s1, v2;
	v30 =	vmul.f32 $2.000000030e-01, v17;
	v26 =	vld.idx.msk [tilespmem:v21+s21+$0x0], $0xffff  }
0x58: {  	v24 =	vmul.f32 $2.000000030e-01, v19;
	v23 =	vmax.f32 v13, v23;
	v31 =	vld.idx.msk [tilespmem:v21+s22+$0x0], $0xffff;
	v21 =	vmul.f32 $2.000000030e-01, v22  }
0x59: {  	v14 =	vmul.f32 v14, v28;
	v23 =	vmul.f32 v23, v29;
	v17 =	vmax.f32 v17, v30;
	v13 =	vld.idx.msk [tilespmem:v18+s14+$0x0], $0xffff  }
0x5a: {  	v17 =	vmul.f32 v17, v20;
	v18 =	vld.idx.msk [tilespmem:v34+s21+$0x0], $0xffff;
	v21 =	vmax.f32 v22, v21;
	v22 =	vmax.f32 v19, v24  }
0x5b: {  	s3 =	sadd.s32 $0xFFFFFFFC, s4;
	v4 =	vadd.f32 v14, v4;
	v19 =	vld.idx.msk [tilespmem:v34+s22+$0x0], $0xffff;
	v16 =	vmul.f32 v21, v16;
	v21 =	vmul.f32 v22, v27  }
0x5c: {  	v6 =	vadd.f32 v23, v6;
	v27 =	vor.u32 s3, v2;
	v5 =	vadd.f32 v17, v5;
	v12 =	vld.idx.msk [tilespmem:v12+s14+$0x0], $0xffff  }
0x5d: {  	s26 =	sadd.s32 $0xFFFFFFFB, s4;
	v20 =	vld.idx.msk [tilespmem:v15+s21+$0x0], $0xffff;
	v7 =	vadd.f32 v16, v7;
	v8 =	vadd.f32 v21, v8  }
.Ltmp1:
0x5e: {  	v24 =	vor.u32 s26, v2;
	v21 =	vld.idx.msk [tilespmem:v15+s22+$0x0], $0xffff;
	(pc) =	sbr.rel @p0 .LBB2_6-.Ltmp1, $4  }
0x5f: {  	s9 =	sadd.s32 $0xFFFFFFFA, s4;
	v14 =	vld.idx.msk [tilespmem:v25+s21+$0x0], $0xffff  }
0x60: {  	v23 =	vor.u32 s9, v2;
	v15 =	vld.idx.msk [tilespmem:v25+s22+$0x0], $0xffff  }
0x61: {  	s11 =	sadd.s32 $0xFFFFFFF9, s4;
	v25 =	vadd.f32 v31, v26;
	v16 =	vld.idx.msk [tilespmem:v27+s21+$0x0], $0xffff  }
0x62: {  	s4 =	sadd.s32 $0x8, s4;
	v22 =	vor.u32 s11, v2;
	v17 =	vld.idx.msk [tilespmem:v27+s22+$0x0], $0xffff  }
0x63: {  	_ =	sdelay $0x3  }
0x64: {  	v26 =	vld.idx.msk [tilespmem:v24+s21+$0x0], $0xffff  }
0x65: {  	v42 =	vld.idx.msk [tilespmem:v24+s22+$0x0], $0xffff  }
0x66: {  	v28 =	vld.idx.msk [tilespmem:v23+s21+$0x0], $0xffff;
	v29 =	vmov s3  }
0x67: {  	v27 =	vmul.f32 $2.000000030e-01, v25;
	v44 =	vmov s26;
	v45 =	vld.idx.msk [tilespmem:v22+s21+$0x0], $0xffff  }
0x68: {  	v18 =	vadd.f32 v19, v18;
	v30 =	vmov s9;
	v20 =	vadd.f32 v21, v20;
	v47 =	vld.idx.msk [tilespmem:v22+s22+$0x0], $0xffff  }
0x69: {  	v43 =	vld.idx.msk [tilespmem:v23+s22+$0x0], $0xffff;
	v31 =	vmov s11;
	v32 =	vmov s1  }
0x6a: {  	v25 =	vmax.f32 v25, v27;
	v46 =	vmul.f32 $2.000000030e-01, v18;
	v48 =	vmul.f32 $2.000000030e-01, v20  }
0x6b: {  	v14 =	vadd.f32 v15, v14;
	v11 =	vmul.f32 v25, v11;
	v49 =	vld.idx.msk [tilespmem:v29+s14+$0x0], $0xffff  }
0x6c: {  	v18 =	vmax.f32 v18, v46;
	v16 =	vadd.f32 v17, v16;
	v51 =	vmax.f32 v20, v48;
	v50 =	vld.idx.msk [tilespmem:v44+s14+$0x0], $0xffff  }
0x6d: {  	v60 =	vmul.f32 $2.000000030e-01, v14;
	v52 =	vld.idx.msk [tilespmem:v30+s14+$0x0], $0xffff;
	v53 =	vadd.f32 v42, v26;
	v22 =	vadd.f32 v47, v45  }
0x6e: {  	v13 =	vmul.f32 v18, v13;
	v54 =	vld.idx.msk [tilespmem:v31+s14+$0x0], $0xffff;
	v19 =	vadd.f32 v43, v28;
	v55 =	vmul.f32 $2.000000030e-01, v16  }
0x6f: {  	v10 =	vadd.f32 v11, v10;
	v56 =	vld.idx.msk [tilespmem:v32+s14+$0x0], $0xffff;
	v57 =	vmul.f32 $2.000000030e-01, v53;
	v58 =	vmul.f32 $2.000000030e-01, v22  }
0x70: {  	v12 =	vmul.f32 v51, v12;
	v9 =	vadd.f32 v13, v9;
	v59 =	vmul.f32 $2.000000030e-01, v19  }
0x71: {  	v16 =	vmax.f32 v16, v55;
	v13 =	vmax.f32 v53, v57;
	v17 =	vmax.f32 v22, v58  }
0x72: {  	v61 =	vmax.f32 v19, v59;
	v16 =	vmul.f32 v16, v49;
	v11 =	vmul.f32 v13, v50  }
0x73: {  	v62 =	vmax.f32 v14, v60;
	v63 =	vmul.f32 v17, v54;
	v15 =	vmul.f32 v61, v52  }
0x74: {  	v13 =	vmul.f32 v62, v56;
	v5 =	vadd.f32 v11, v5;
	v6 =	vadd.f32 v16, v6  }
0x75: {  	v7 =	vadd.f32 v63, v7;
	v8 =	vadd.f32 v15, v8  }
0x76: {  	v3 =	vadd.f32 v12, v3;
	v4 =	vadd.f32 v13, v4  }
0x77: {  	v7 =	vadd.f32 v8, v7;
	v5 =	vadd.f32 v6, v5  }
0x78: {  	v3 =	vadd.f32 v3, v4;
	v4 =	vadd.f32 v10, v9;
	_ =	sdelay $0x1  }
0x79: {  	v5 =	vadd.f32 v5, v7;
	v3 =	vadd.f32 v4, v3;
	_ =	sdelay $0x1  }
0x7a: {  	v3 =	vadd.f32 v3, v5;
	_ =	sdelay $0x1  }
0x7b: {  	v3 =	vmul.f32 $1.442695020e+00, v3;
	_ =	sdelay $0x1  }
0x7c: {  	(erf) = vpow2.f32 v3  }
0x7d: {  	s4 =	simm.s32 $0x0  }
0x7e: {  	v4 =	vld [tilespmem:s0+$0x16880];
	v3 =	vmov s4  }
0x7f: {  	v3 =	vand.u32 $0x7C, v3  }
0x80: {  	v3 =	vbroadcast v3, $0x0;
	_ =	sdelay $0x1  }
0x81: {  	v5 =	vor.u32 v2, v3;
	_ =	sdelay $0x2  }
0x82: {  	s9 =	simm.s32 $0x1;
	v3 =	vpop (erf)  }
0x83: {  	[tilespmem:v4+s25+$0x0] =	vst.idx.add.f32.msk $0xffff, v3;
	v4 =	vmov s9  }
0x84: {  	v6 =	vld.idx.msk [tilespmem:v5+s21+$0x0], $0xffff;
	v4 =	vand.u32 $0x7D, v4  }
0x85: {  	v4 =	vbroadcast v4, $0x0;
	_ =	sdelay $0x1  }
0x86: {  	v4 =	vor.u32 v2, v4;
	_ =	sdelay $0x1  }
0x87: {  	v6 =	vmul.f32 v6, v3  }
0x88: {  	s11 =	simm.s32 $0x2  }
0x89: {  	[tilespmem:v5+s21+$0x0] =	vst.idx.msk $0xffff, v6;
	v5 =	vmov s11  }
0x8a: {  	v6 =	vld.idx.msk [tilespmem:v4+s21+$0x0], $0xffff;
	v5 =	vand.u32 $0x7E, v5  }
0x8b: {  	v5 =	vbroadcast v5, $0x0;
	_ =	sdelay $0x1  }
0x8c: {  	v7 =	vor.u32 v2, v5;
	_ =	sdelay $0x1  }
0x8d: {  	v5 =	vmul.f32 v6, v3  }
0x8e: {  	s26 =	simm.s32 $0x3  }
0x8f: {  	[tilespmem:v4+s21+$0x0] =	vst.idx.msk $0xffff, v5;
	v4 =	vmov s26  }
0x90: {  	v6 =	vld.idx.msk [tilespmem:v7+s21+$0x0], $0xffff;
	v4 =	vand.u32 $0x7F, v4  }
0x91: {  	v4 =	vbroadcast v4, $0x0;
	_ =	sdelay $0x1  }
0x92: {  	v5 =	vor.u32 v2, v4;
	_ =	sdelay $0x1  }
0x93: {  	v4 =	vmul.f32 v6, v3  }
0x94: {  	s0 =	simm.s32 $0x4  }
0x95: {  	[tilespmem:v7+s21+$0x0] =	vst.idx.msk $0xffff, v4;
	v4 =	vmov s0  }
0x96: {  	v6 =	vld.idx.msk [tilespmem:v5+s21+$0x0], $0xffff;
	v4 =	vand.u32 $0x7C, v4  }
0x97: {  	v4 =	vbroadcast v4, $0x0;
	_ =	sdelay $0x1  }
0x98: {  	v4 =	vor.u32 v2, v4;
	_ =	sdelay $0x1  }
0x99: {  	s1 =	simm.s32 $0x8;
	v6 =	vmul.f32 v6, v3  }
.LBB2_8:
0x9a: {  	p0 =	sne.s32 s1, $0x7C  }
0x9b: {  	s3 =	sadd.s32 $0x1, s0;
	s4 =	smov.u32 s1;
	s1 =	sadd.s32 $0x4, s1;
	[tilespmem:v5+s21+$0x0] =	vst.idx.msk $0xffff, v6  }
0x9c: {  	v6 =	vmov s3;
	v5 =	vld.idx.msk [tilespmem:v4+s21+$0x0], $0xffff  }
0x9d: {  	v6 =	vand.u32 $0x7D, v6  }
0x9e: {  	v6 =	vbroadcast v6, $0x0;
	_ =	sdelay $0x1  }
0x9f: {  	v6 =	vor.u32 v2, v6;
	_ =	sdelay $0x1  }
0xa0: {  	v5 =	vmul.f32 v5, v3;
	_ =	sdelay $0x1  }
0xa1: {  	s3 =	sadd.s32 $0x2, s0;
	[tilespmem:v4+s21+$0x0] =	vst.idx.msk $0xffff, v5  }
0xa2: {  	v5 =	vmov s3;
	v4 =	vld.idx.msk [tilespmem:v6+s21+$0x0], $0xffff  }
0xa3: {  	v5 =	vand.u32 $0x7E, v5  }
0xa4: {  	v5 =	vbroadcast v5, $0x0;
	_ =	sdelay $0x1  }
0xa5: {  	v7 =	vor.u32 v2, v5;
	_ =	sdelay $0x1  }
0xa6: {  	v4 =	vmul.f32 v4, v3;
	_ =	sdelay $0x1  }
0xa7: {  	s3 =	sadd.s32 $0x3, s0;
	s0 =	smov.u32 s4;
	[tilespmem:v6+s21+$0x0] =	vst.idx.msk $0xffff, v4  }
0xa8: {  	v5 =	vmov s3;
	v4 =	vld.idx.msk [tilespmem:v7+s21+$0x0], $0xffff  }
0xa9: {  	v5 =	vand.u32 $0x7F, v5  }
0xaa: {  	v5 =	vbroadcast v5, $0x0;
	_ =	sdelay $0x1  }
0xab: {  	v5 =	vor.u32 v2, v5;
	_ =	sdelay $0x1  }
0xac: {  	v4 =	vmul.f32 v4, v3;
	_ =	sdelay $0x1  }
0xad: {  	[tilespmem:v7+s21+$0x0] =	vst.idx.msk $0xffff, v4  }
0xae: {  	v4 =	vmov s0;
	v6 =	vld.idx.msk [tilespmem:v5+s21+$0x0], $0xffff  }
0xaf: {  	v4 =	vand.u32 $0x7C, v4  }
.Ltmp2:
0xb0: {  	v4 =	vbroadcast v4, $0x0;
	(pc) =	sbr.rel @p0 .LBB2_8-.Ltmp2, $3  }
0xb1: {  	_ = 	snop  }
0xb2: {  	v4 =	vor.u32 v2, v4;
	_ =	sdelay $0x1  }
0xb3: {  	v6 =	vmul.f32 v6, v3  }
0xb4: {  	_ =	sdelay $0x2  }
0xb5: {  	s1 =	sadd.s32 $0x1, s0  }
0xb6: {  	[tilespmem:v5+s21+$0x0] =	vst.idx.msk $0xffff, v6;
	v60 =	vmov s1  }
0xb7: {  	v6 =	vld.idx.msk [tilespmem:v4+s21+$0x0], $0xffff;
	v5 =	vand.u32 $0x7D, v60  }
0xb8: {  	v5 =	vbroadcast v5, $0x0;
	_ =	sdelay $0x1  }
0xb9: {  	v5 =	vor.u32 v2, v5;
	_ =	sdelay $0x1  }
0xba: {  	v6 =	vmul.f32 v6, v3  }
0xbb: {  	s11 =	sadd.s32 $0x2, s0  }
0xbc: {  	v61 =	vmov s11;
	[tilespmem:v4+s21+$0x0] =	vst.idx.msk $0xffff, v6  }
0xbd: {  	v4 =	vand.u32 $0x7E, v61;
	v6 =	vld.idx.msk [tilespmem:v5+s21+$0x0], $0xffff  }
0xbe: {  	v4 =	vbroadcast v4, $0x0;
	_ =	sdelay $0x1  }
0xbf: {  	v4 =	vor.u32 v2, v4;
	_ =	sdelay $0x1  }
0xc0: {  	v6 =	vmul.f32 v6, v3  }
0xc1: {  	s26 =	sadd.s32 $0x3, s0  }
0xc2: {  	v62 =	vmov s26;
	[tilespmem:v5+s21+$0x0] =	vst.idx.msk $0xffff, v6  }
0xc3: {  	v5 =	vand.u32 $0x7F, v62;
	v6 =	vld.idx.msk [tilespmem:v4+s21+$0x0], $0xffff  }
0xc4: {  	v5 =	vbroadcast v5, $0x0;
	_ =	sdelay $0x1  }
0xc5: {  	v2 =	vor.u32 v2, v5;
	_ =	sdelay $0x1  }
0xc6: {  	v63 =	vmul.f32 v6, v3;
	_ =	sdelay $0x1  }
0xc7: {  	[tilespmem:v4+s21+$0x0] =	vst.idx.msk $0xffff, v63  }
0xc8: {  	v4 =	vld.idx.msk [tilespmem:v2+s21+$0x0], $0xffff  }
0xc9: {  	s31 =	sadd.s32 $0x1, s31  }
0xca: {  	p0 =	sne.s32 s31, $0x8  }
.Ltmp3:
0xcb: {  	_ = 	snop;
	(pc) =	sbr.rel @p0 .LBB2_5-.Ltmp3, $3  }
0xcc: {  	_ = 	snop  }
0xcd: {  	v3 =	vmul.f32 v4, v3;
	_ =	sdelay $0x1  }
0xce: {  	[tilespmem:v2+s21+$0x0] =	vst.idx.msk $0xffff, v3  }
0xcf: {  	s30 =	sadd.s32 $0x1, s30  }
0xd0: {  	p0 =	sne.s32 s30, $0x51  }
.Ltmp4:
0xd1: {  	_ = 	snop;
	(pc) =	sbr.rel @p0 .LBB2_4-.Ltmp4, $4  }
0xd2: {  	[spmem:s2] =	stream.indirect.scatter.add.f32 [tilespmem:s21], [sflag:$0x3], $0x80, s19, s20, $0xb8;
	[tilespmem:$0x1E980] =	vst v63  }
0xd3: {  	_ =	swait.ge [sflag:s15], $0x4000  }
0xd4: {  	[sflag:s15] =	ssyncset.done $0x0  }
0xd5: {  	[sflag:s15] =	ssyncadd.s32 $0xFFFFC000  }
0xd6: {  	[bflag:$0x0] =	sbarrier.arrive $0xFFFF  }
0xd7: {  	s1 =	simm.s32 $0x400;
	s0 =	rddreg [dreg:$0x5]  }
0xd8: {  	[hbm4b:s0+s20] =	stream.strided.scatter [tilespmem:s25], [sflag:$0x3], $0x2800, s1, s20, $0x38;
	[tilespmem:$0x1E980] =	vst v63  }
0xd9: {  	s28 =	sadd.s32 $0x1, s28;
	_ =	swait.ge [sflag:s15], $0x2800  }
0xda: {  	p0 =	sne.s32 s28, s13;
	[sflag:s15] =	ssyncset.done $0x0  }
.Ltmp5:
0xdb: {  	[sflag:s15] =	ssyncadd.s32 $0xFFFFD800;
	(pc) =	sbr.rel @p0 .LBB2_1-.Ltmp5, $4  }
0xdc: {  	[hbm:s12], [sflag:s16] =	dma.local [spmem:s17], $0x2800  }
0xdd: {  	_ =	swait.ge [sflag:s15], $0x2800  }
0xde: {  	[sflag:s15] =	ssyncset.done $0x0  }
0xdf: {  	[sflag:s15] =	ssyncadd.s32 $0xFFFFD800  }
0xe0: {  	_ =	sfence.sel $0x180000  }
0xe1: {  	[bflag:$0x0] =	sbarrier.arrive $0xFFFF  }
0xe2: {  	_ =	strace $0x90000047  }
0xe3: {  	s0 =	stileid.u32;
	[bflag:$0x2] =	sbarrier.arrive $0xFFFF  }
0xe4: {  	p0 =	sne.s32 s0, $0x0;
	s0 =	rddreg [dreg:$0x3]  }
0xe5: {  	s0 =	sadd.s32 @!p0 $0x100000, s0  }
0xe6: {  	[sflag:s0] =	ssyncadd.tile.s32 @!p0 $0x1;
	_ =	shalt  }
.Lfunc_end2:
_tile_overlayer_lowered:
.L_overlay_start_2:
0xe7: {  	(tag) =	ssettag $0x2  }
0xe8: {  	s0 =	rddreg [dreg:$0x0];
	s2 =	stileid.u32  }
0xe9: {  	s1 =	rddreg [dreg:$0x1];
	p0 =	sne.s32 s2, $0x0  }
0xea: {  	s3 =	rddreg [dreg:$0x2];
	[bflag:$0x3] =	sbarrier.arrive $0xFFFF;
	s2 =	simm.s32 @!p0 $0x1C03  }
0xeb: {  	[timem:s3], [sflag:s2] =	dma.local @!p0 [hbm:s0], s1  }
0xec: {  	s0 =	simm.s32 @!p0 $0x3  }
0xed: {  	_ =	swait.ge @!p0 [sflag:s0], s1  }
0xee: {  	s1 =	ssub.s32 @!p0 $0x0, s1;
	[sflag:s0] =	ssyncset.done @!p0 $0x0  }
0xef: {  	[sflag:s0] =	ssyncadd.s32 @!p0 s1  }
0xf0: {  	[bflag:$0x3] =	sbarrier.arrive $0xFFFF  }
0xf1: {  	_ =	shalt  }

</sc_bundles>
